<compile_context>
chip_gen: v7x
topology: tpu7x:2x2x1
jax: 0.10.2.dev20260603
libtpu: 0.0.44.dev20260713+nightly
codegen_flags: <defaults>
</compile_context>

<pallas_src>
import functools

import jax
import jax.numpy as jnp
from jax import lax
from jax.experimental import pallas as pl
from jax.experimental.pallas import tpu as pltpu
from jax.experimental.pallas import tpu_sc as plsc

N = 10000
E = 160000
F = 256
HALF = 128
NC = 2
NS = 16
PER_TEC = E // NS
K = 80
NCHUNK = PER_TEC // K
PAD_N = 10240
ROWS = PAD_N // NS
BN = 1000



def _pre_mlp_body(x_ref, w_ref, b_ref, out_ref):
    acc = jnp.dot(x_ref[...], w_ref[...], preferred_element_type=jnp.float32)
    out_ref[0] = jnp.maximum(acc + b_ref[...], 0.0)


def _pre_mlp(x, W_pre, b_pre):
    return pl.pallas_call(
        _pre_mlp_body,
        grid=(N // BN, NC),
        in_specs=[
            pl.BlockSpec((BN, F), lambda i, j: (i, 0)),
            pl.BlockSpec((F, HALF), lambda i, j: (0, j)),
            pl.BlockSpec((1, HALF), lambda i, j: (0, j)),
        ],
        out_specs=pl.BlockSpec((1, BN, HALF), lambda i, j: (j, i, 0)),
        out_shape=jax.ShapeDtypeStruct((NC, N, HALF), jnp.float32),
    )(x, W_pre, b_pre.reshape(1, F))



NH = 3456
NPASS = 3
PAD_OUT = NPASS * NH
TBL = NH + 8
SROWS = NH // NS
DT = 448


def _sc_body(h2, src2, dst, zf, agg2, degf,
             feat_s, sidxA, sidxB, didxA, didxB, didx2A, didx2B,
             bufA, guardA, bufB, guardB, ones128, semA, semB):
    c = lax.axis_index("c")
    s = lax.axis_index("s")

    zero_v = jnp.zeros((16,), jnp.float32)
    lane = lax.iota(jnp.int32, 16)
    one_v = jnp.where(lane == 0, 1.0, 0.0).astype(jnp.float32)
    base = s * PER_TEC
    stripe = pl.ds(s * SROWS, SROWS)

    def orow(i, carry):
        ones128[i, pl.ds(0, 16)] = one_v
        for l in range(1, 8):
            ones128[i, pl.ds(l * 16, 16)] = zero_v
        return carry
    lax.fori_loop(0, K, orow, 0)

    def load_clamp(j, q, didx_, didx2_):
        b = base + j * K
        pltpu.sync_copy(dst.at[pl.ds(b, K)], didx_)
        for v in range(K // 16):
            d = didx_[pl.ds(v * 16, 16)]
            t = d - (q * NH)
            ok = (t >= 0) & (t < NH)
            didx2_[pl.ds(v * 16, 16)] = jnp.where(ok, t, NH)

    def start_gather(j, sidx_, buf_, sem_):
        b = base + j * K
        pltpu.sync_copy(src2.at[pl.ds(c * E + b, K)], sidx_)
        pltpu.async_copy(h2.at[sidx_], buf_, sem_)

    def wait_gather(sidx_, buf_, sem_):
        pltpu.make_async_copy(h2.at[sidx_], buf_, sem_).wait()

    for q in range(NPASS):
        pltpu.sync_copy(zf, feat_s.at[stripe])
        plsc.subcore_barrier()

        load_clamp(0, q, didxA, didx2A)
        start_gather(0, sidxA, bufA, semA)

        def dchunk(jj, carry):
            j1 = 2 * jj + 1
            load_clamp(j1, q, didxB, didx2B)
            start_gather(j1, sidxB, bufB, semB)
            wait_gather(sidxA, bufA, semA)
            pltpu.sync_copy(bufA, feat_s.at[didx2A], add=True)
            load_clamp(j1 + 1, q, didxA, didx2A)
            start_gather(j1 + 1, sidxA, bufA, semA)
            wait_gather(sidxB, bufB, semB)
            pltpu.sync_copy(bufB, feat_s.at[didx2B], add=True)
            return carry

        lax.fori_loop(0, NCHUNK // 2, dchunk, 0)
        wait_gather(sidxA, bufA, semA)
        pltpu.sync_copy(bufA, feat_s.at[didx2A], add=True)
        plsc.subcore_barrier()
        pltpu.sync_copy(feat_s.at[stripe],
                        agg2.at[pl.ds(c * PAD_OUT + q * NH + s * SROWS, SROWS)])

    for q in range(NPASS):
        pltpu.sync_copy(zf, feat_s.at[stripe])
        plsc.subcore_barrier()

        def dgchunk(t, carry):
            j = 2 * t + c

            @pl.when(j < NCHUNK)
            def _():
                load_clamp(j, q, didxA, didx2A)
                pltpu.sync_copy(ones128, feat_s.at[didx2A], add=True)
            return carry

        lax.fori_loop(0, (NCHUNK + 1) // 2, dgchunk, 0)
        plsc.subcore_barrier()
        pltpu.sync_copy(feat_s.at[stripe],
                        degf.at[pl.ds(c * PAD_OUT + q * NH + s * SROWS, SROWS)])
        plsc.subcore_barrier()


@functools.cache
def _sc_scatter_kernel():
    mesh = plsc.VectorSubcoreMesh(core_axis_name="c", subcore_axis_name="s",
                                  num_cores=NC, num_subcores=NS)
    return pl.kernel(
        _sc_body,
        out_type=[
            jax.ShapeDtypeStruct((NC * PAD_OUT, HALF), jnp.float32),
            jax.ShapeDtypeStruct((NC * PAD_OUT, HALF), jnp.float32),
        ],
        mesh=mesh,
        scratch_types=[
            pltpu.VMEM_SHARED((TBL, HALF), jnp.float32),
            pltpu.VMEM((K,), jnp.int32),
            pltpu.VMEM((K,), jnp.int32),
            pltpu.VMEM((K,), jnp.int32),
            pltpu.VMEM((K,), jnp.int32),
            pltpu.VMEM((K,), jnp.int32),
            pltpu.VMEM((K,), jnp.int32),
            pltpu.VMEM((K, HALF), jnp.float32),
            pltpu.VMEM((K, HALF), jnp.float32),
            pltpu.VMEM((K, HALF), jnp.float32),
            pltpu.VMEM((K, HALF), jnp.float32),
            pltpu.VMEM((K, HALF), jnp.float32),
            pltpu.SemaphoreType.DMA,
            pltpu.SemaphoreType.DMA,
        ],
    )



def _finalize_body(h2_ref, agg2_ref, deg_ref, w_ref, b_ref, out_ref):
    h_blk = jnp.concatenate([h2_ref[0], h2_ref[1]], axis=-1)
    scale = 1.0 / jnp.maximum(deg_ref[...], 1.0)
    a_cat = jnp.concatenate([agg2_ref[0] * scale, agg2_ref[1] * scale, h_blk],
                            axis=-1)
    g = jnp.dot(a_cat, w_ref[...], preferred_element_type=jnp.float32)
    out_ref[:, :F] = jnp.maximum(g + b_ref[...], 0.0)
    out_ref[:, F:] = h_blk


def _finalize(h2, agg2, deg16, Wcat, b_gnn):
    return pl.pallas_call(
        _finalize_body,
        grid=(N // BN,),
        in_specs=[
            pl.BlockSpec((NC, BN, HALF), lambda i: (0, i, 0)),
            pl.BlockSpec((NC, BN, HALF), lambda i: (0, i, 0)),
            pl.BlockSpec((BN, 1), lambda i: (i, 0)),
            pl.BlockSpec((2 * F, F), lambda i: (0, 0)),
            pl.BlockSpec((1, F), lambda i: (0, 0)),
        ],
        out_specs=pl.BlockSpec((BN, 2 * F), lambda i: (i, 0)),
        out_shape=jax.ShapeDtypeStruct((N, 2 * F), jnp.float32),
    )(h2, agg2, deg16, Wcat, b_gnn.reshape(1, F))



def kernel(x, edge_index, W_pre, b_pre, W_neigh, W_self, b_gnn):
    src = edge_index[0].astype(jnp.int32)
    dst = edge_index[1].astype(jnp.int32)
    src2 = jnp.concatenate([src, src + N])

    h2 = _pre_mlp(x, W_pre, b_pre)

    zf = jnp.zeros((SROWS, HALF), jnp.float32)
    agg2, degf = _sc_scatter_kernel()(h2.reshape(NC * N, HALF), src2, dst, zf)
    deg = (degf[:PAD_OUT, 0] + degf[PAD_OUT:, 0]).reshape(PAD_OUT, 1)

    Wcat = jnp.concatenate([W_neigh, W_self], axis=0)
    return _finalize(h2, agg2.reshape(NC, PAD_OUT, HALF), deg, Wcat, b_gnn)

# --- scband reference (transcript-rebuilt; emitter-appended) ---
"""Pipeline reference for scband-encoder-75711683494388 (READ-ONLY COPY).

The authoritative reference and input builder live on the scoring server;
editing this copy changes nothing except your own understanding.
"""

import jax, jax.numpy as jnp
import numpy as np

N_NODES = 10000
N_EDGES = 160000
IN_CH = 256
HIDDEN = 256
OUT_CH = 256


def setup_inputs(seed: int = 0) -> dict:
    key = jax.random.key(seed)
    ks = jax.random.split(key, 8)
    x = jax.random.normal(ks[0], (N_NODES, IN_CH), dtype=jnp.float32)
    edge_index = jax.random.randint(ks[1], (2, N_EDGES), 0, N_NODES, dtype=jnp.int64)
    # pre MLP: in_channels -> 256
    W_pre = jax.random.normal(ks[2], (IN_CH, HIDDEN), dtype=jnp.float32) * (1.0 / np.sqrt(IN_CH))
    b_pre = jnp.zeros((HIDDEN,), dtype=jnp.float32)
    # GeneralConv(256 -> out_channels): neighbor linear + self linear
    W_neigh = jax.random.normal(ks[3], (HIDDEN, OUT_CH), dtype=jnp.float32) * (1.0 / np.sqrt(HIDDEN))
    W_self = jax.random.normal(ks[4], (HIDDEN, OUT_CH), dtype=jnp.float32) * (1.0 / np.sqrt(HIDDEN))
    b_gnn = jnp.zeros((OUT_CH,), dtype=jnp.float32)
    return {
        "x": x,
        "edge_index": edge_index,
        "W_pre": W_pre,
        "b_pre": b_pre,
        "W_neigh": W_neigh,
        "W_self": W_self,
        "b_gnn": b_gnn,
    }


def reference(x, edge_index, W_pre, b_pre, W_neigh, W_self, b_gnn):
    # pre MLP: x = self.pre(x)
    h = jax.nn.relu(jnp.dot(x, W_pre) + b_pre)  # [N, 256]
    src = edge_index[0]
    dst = edge_index[1]
    # GeneralConv: transform neighbor features, mean-aggregate by destination node
    msg = jnp.take(h, src, axis=0) @ W_neigh  # [E, OUT_CH] (gather)
    agg = jax.ops.segment_sum(msg, dst, num_segments=N_NODES)  # scatter-add
    deg = jax.ops.segment_sum(jnp.ones((N_EDGES,), dtype=jnp.float32), dst, num_segments=N_NODES)
    agg = agg / jnp.clip(deg, 1.0, None)[:, None]
    g = jax.nn.relu(agg + jnp.dot(h, W_self) + b_gnn)  # [N, OUT_CH]
    # x = torch.cat([self.gnn1([x, a]), x], -1)
    out = jnp.concatenate([g, h], axis=-1)  # [N, OUT_CH + 256]
    return out

if __name__ == "__main__":
    import jax
    _d = setup_inputs()
    print(jax.jit(kernel)(*tuple(_d.values())))

</pallas_src>

<mosaic_0001>
#map = affine_map<(d0, d1) -> (0, 0)>
#map1 = affine_map<(d0, d1) -> (0)>
module attributes {stable_mosaic.version = 14 : i64} {
  func.func @_sc_body(%arg0: i32, %arg1: i32, %arg2: memref<20000x128xf32, #tpu.memory_space<hbm>>, %arg3: memref<320000xi32, #tpu.memory_space<hbm>>, %arg4: memref<160000xi32, #tpu.memory_space<hbm>>, %arg5: memref<216x128xf32, #tpu.memory_space<hbm>>, %arg6: memref<20736x128xf32, #tpu.memory_space<hbm>>, %arg7: memref<20736x128xf32, #tpu.memory_space<hbm>>, %arg8: memref<3464x128xf32, #tpu.memory_space<vmem_shared>>, %arg9: memref<80xi32, #tpu.memory_space<vmem>>, %arg10: memref<80xi32, #tpu.memory_space<vmem>>, %arg11: memref<80xi32, #tpu.memory_space<vmem>>, %arg12: memref<80xi32, #tpu.memory_space<vmem>>, %arg13: memref<80xi32, #tpu.memory_space<vmem>>, %arg14: memref<80xi32, #tpu.memory_space<vmem>>, %arg15: memref<80x128xf32, #tpu.memory_space<vmem>>, %arg16: memref<80x128xf32, #tpu.memory_space<vmem>>, %arg17: memref<80x128xf32, #tpu.memory_space<vmem>>, %arg18: memref<80x128xf32, #tpu.memory_space<vmem>>, %arg19: memref<80x128xf32, #tpu.memory_space<vmem>>, %arg20: memref<!tpu.dma_semaphore, #tpu.memory_space<semaphore_mem>>, %arg21: memref<!tpu.dma_semaphore, #tpu.memory_space<semaphore_mem>>) attributes {dimension_semantics = [#tpu.dimension_semantics<core_parallel>, #tpu.dimension_semantics<subcore_parallel>], iteration_bounds = array<i64: 2, 16>, scalar_prefetch = 0 : i64, scratch_operands = 14 : i64, tpu.core_type = #tpu.core_type<sc_vector_subcore>, window_params = [{transform_indices = #map}, {transform_indices = #map1}, {transform_indices = #map1}, {transform_indices = #map}, {transform_indices = #map}, {transform_indices = #map}]} {
    %broadcast_in_dim3A = arith.constant 0.000000e+00 : f32
    %broadcast_in_dim3A_0 = vector.broadcast %broadcast_in_dim3A : f32 to vector<16xf32>
    %iota3A = tpu.iota {dimensions = array<i32: 0>} : vector<16xi32>
    %eq3A = arith.constant 0 : i32
    %eq3A_1 = vector.broadcast %eq3A : i32 to vector<16xi32>
    %eq3A_2 = arith.cmpi eq, %iota3A, %eq3A_1 : vector<16xi32>
    %jit3A = arith.constant 1.000000e+00 : f32
    %jit3A_3 = arith.constant 0.000000e+00 : f32
    %broadcast_in_dim3A_4 = vector.broadcast %jit3A : f32 to vector<16xf32>
    %broadcast_in_dim3A_5 = vector.broadcast %jit3A_3 : f32 to vector<16xf32>
    %select_n3A = arith.select %eq3A_2, %broadcast_in_dim3A_4, %broadcast_in_dim3A_5 : vector<16xi1>, vector<16xf32>
    %mul3A = arith.constant 10000 : i32
    %mul3A_6 = arith.muli %arg1, %mul3A : i32
    %mul3A_7 = arith.constant 216 : i32
    %mul3A_8 = arith.muli %arg1, %mul3A_7 : i32
    %scan3A = arith.constant 0 : i32
    %scan3A_9 = arith.constant 0 : i32
    %scan3A_10 = arith.constant 80 : i32
    %scan3A_11 = arith.addi %scan3A_9, %scan3A_10 : i32
    %scan3A_12 = arith.constant 1 : i32
    scf.for %scan3A_436 = %scan3A_9 to %scan3A_11 step %scan3A_12  : i32 {
      %swap3A_437 = arith.index_cast %scan3A_436 : i32 to index
      %swap3A_438 = arith.constant 0 : index
      %swap3A_439 = tpu.vector_load %arg19[%swap3A_437, %swap3A_438] {strides = array<i32>} : memref<80x128xf32, #tpu.memory_space<vmem>>, vector<1x16xf32>,
      %swap3A_440 = vector.shape_cast %swap3A_439 : vector<1x16xf32> to vector<16xf32>
      %swap3A_441 = vector.shape_cast %select_n3A : vector<16xf32> to vector<1x16xf32>
      tpu.vector_store %arg19[%swap3A_437, %swap3A_438], %swap3A_441 {strides = array<i32>} : memref<80x128xf32, #tpu.memory_space<vmem>>, vector<1x16xf32>,
      %swap3A_442 = arith.index_cast %scan3A_436 : i32 to index
      %swap3A_443 = arith.constant 16 : index
      %swap3A_444 = tpu.vector_load %arg19[%swap3A_442, %swap3A_443] {strides = array<i32>} : memref<80x128xf32, #tpu.memory_space<vmem>>, vector<1x16xf32>,
      %swap3A_445 = vector.shape_cast %swap3A_444 : vector<1x16xf32> to vector<16xf32>
      %swap3A_446 = vector.shape_cast %broadcast_in_dim3A_0 : vector<16xf32> to vector<1x16xf32>
      tpu.vector_store %arg19[%swap3A_442, %swap3A_443], %swap3A_446 {strides = array<i32>} : memref<80x128xf32, #tpu.memory_space<vmem>>, vector<1x16xf32>,
      %swap3A_447 = arith.index_cast %scan3A_436 : i32 to index
      %swap3A_448 = arith.constant 32 : index
      %swap3A_449 = tpu.vector_load %arg19[%swap3A_447, %swap3A_448] {strides = array<i32>} : memref<80x128xf32, #tpu.memory_space<vmem>>, vector<1x16xf32>,
      %swap3A_450 = vector.shape_cast %swap3A_449 : vector<1x16xf32> to vector<16xf32>
      %swap3A_451 = vector.shape_cast %broadcast_in_dim3A_0 : vector<16xf32> to vector<1x16xf32>
      tpu.vector_store %arg19[%swap3A_447, %swap3A_448], %swap3A_451 {strides = array<i32>} : memref<80x128xf32, #tpu.memory_space<vmem>>, vector<1x16xf32>,
      %swap3A_452 = arith.index_cast %scan3A_436 : i32 to index
      %swap3A_453 = arith.constant 48 : index
      %swap3A_454 = tpu.vector_load %arg19[%swap3A_452, %swap3A_453] {strides = array<i32>} : memref<80x128xf32, #tpu.memory_space<vmem>>, vector<1x16xf32>,
      %swap3A_455 = vector.shape_cast %swap3A_454 : vector<1x16xf32> to vector<16xf32>
      %swap3A_456 = vector.shape_cast %broadcast_in_dim3A_0 : vector<16xf32> to vector<1x16xf32>
      tpu.vector_store %arg19[%swap3A_452, %swap3A_453], %swap3A_456 {strides = array<i32>} : memref<80x128xf32, #tpu.memory_space<vmem>>, vector<1x16xf32>,
      %swap3A_457 = arith.index_cast %scan3A_436 : i32 to index
      %swap3A_458 = arith.constant 64 : index
      %swap3A_459 = tpu.vector_load %arg19[%swap3A_457, %swap3A_458] {strides = array<i32>} : memref<80x128xf32, #tpu.memory_space<vmem>>, vector<1x16xf32>,
      %swap3A_460 = vector.shape_cast %swap3A_459 : vector<1x16xf32> to vector<16xf32>
      %swap3A_461 = vector.shape_cast %broadcast_in_dim3A_0 : vector<16xf32> to vector<1x16xf32>
      tpu.vector_store %arg19[%swap3A_457, %swap3A_458], %swap3A_461 {strides = array<i32>} : memref<80x128xf32, #tpu.memory_space<vmem>>, vector<1x16xf32>,
      %swap3A_462 = arith.index_cast %scan3A_436 : i32 to index
      %swap3A_463 = arith.constant 80 : index
      %swap3A_464 = tpu.vector_load %arg19[%swap3A_462, %swap3A_463] {strides = array<i32>} : memref<80x128xf32, #tpu.memory_space<vmem>>, vector<1x16xf32>,
      %swap3A_465 = vector.shape_cast %swap3A_464 : vector<1x16xf32> to vector<16xf32>
      %swap3A_466 = vector.shape_cast %broadcast_in_dim3A_0 : vector<16xf32> to vector<1x16xf32>
      tpu.vector_store %arg19[%swap3A_462, %swap3A_463], %swap3A_466 {strides = array<i32>} : memref<80x128xf32, #tpu.memory_space<vmem>>, vector<1x16xf32>,
      %swap3A_467 = arith.index_cast %scan3A_436 : i32 to index
      %swap3A_468 = arith.constant 96 : index
      %swap3A_469 = tpu.vector_load %arg19[%swap3A_467, %swap3A_468] {strides = array<i32>} : memref<80x128xf32, #tpu.memory_space<vmem>>, vector<1x16xf32>,
      %swap3A_470 = vector.shape_cast %swap3A_469 : vector<1x16xf32> to vector<16xf32>
      %swap3A_471 = vector.shape_cast %broadcast_in_dim3A_0 : vector<16xf32> to vector<1x16xf32>
      tpu.vector_store %arg19[%swap3A_467, %swap3A_468], %swap3A_471 {strides = array<i32>} : memref<80x128xf32, #tpu.memory_space<vmem>>, vector<1x16xf32>,
      %swap3A_472 = arith.index_cast %scan3A_436 : i32 to index
      %swap3A_473 = arith.constant 112 : index
      %swap3A_474 = tpu.vector_load %arg19[%swap3A_472, %swap3A_473] {strides = array<i32>} : memref<80x128xf32, #tpu.memory_space<vmem>>, vector<1x16xf32>,
      %swap3A_475 = vector.shape_cast %swap3A_474 : vector<1x16xf32> to vector<16xf32>
      %swap3A_476 = vector.shape_cast %broadcast_in_dim3A_0 : vector<16xf32> to vector<1x16xf32>
      tpu.vector_store %arg19[%swap3A_472, %swap3A_473], %swap3A_476 {strides = array<i32>} : memref<80x128xf32, #tpu.memory_space<vmem>>, vector<1x16xf32>,
    }
    %scan3A_13 = arith.constant 80 : i32
    "tpu.region"() ({
      %run_scoped3A = tpu.sem_alloc : memref<!tpu.dma_semaphore, #tpu.memory_space<semaphore_mem>>
      %dma_start3A_436 = arith.constant 0 : i32
      %dma_start3A_437 = tpu.memref_slice %arg8[%mul3A_8, %dma_start3A_436] : memref<3464x128xf32, #tpu.memory_space<vmem_shared>> -> memref<216x128xf32, #tpu.memory_space<vmem_shared>>
      tpu.enqueue_dma source(%arg5 : memref<216x128xf32, #tpu.memory_space<hbm>>) target(%dma_start3A_437 : memref<216x128xf32, #tpu.memory_space<vmem_shared>>) target_semaphore(%run_scoped3A : memref<!tpu.dma_semaphore, #tpu.memory_space<semaphore_mem>>)
      %dma_wait3A_438 = arith.constant 0 : i32
      %dma_wait3A_439 = tpu.memref_slice %arg8[%mul3A_8, %dma_wait3A_438] : memref<3464x128xf32, #tpu.memory_space<vmem_shared>> -> memref<216x128xf32, #tpu.memory_space<vmem_shared>>
      tpu.wait_dma2 semaphore(%run_scoped3A : memref<!tpu.dma_semaphore, #tpu.memory_space<semaphore_mem>>) src(%arg5 : memref<216x128xf32, #tpu.memory_space<hbm>>) dst(%dma_wait3A_439 : memref<216x128xf32, #tpu.memory_space<vmem_shared>>)
      tpu.yield
    }) : () -> ()
    %barrier3A = arith.constant 0 : index
    tpu.barrier barrier_id(%barrier3A)
    %add3A = arith.constant 0 : i32
    %add3A_14 = arith.addi %mul3A_6, %add3A : i32
    "tpu.region"() ({
      %run_scoped3A = tpu.sem_alloc : memref<!tpu.dma_semaphore, #tpu.memory_space<semaphore_mem>>
      %dma_start3A_436 = tpu.memref_slice %arg4[%add3A_14] : memref<160000xi32, #tpu.memory_space<hbm>> -> memref<80xi32, #tpu.memory_space<hbm>>
      %dma_start3A_437 = tpu.memref_slice %arg4[%add3A_14] : memref<160000xi32, #tpu.memory_space<hbm>> -> memref<80xi32, #tpu.memory_space<hbm>>
      tpu.enqueue_dma source(%dma_start3A_437 : memref<80xi32, #tpu.memory_space<hbm>>) target(%arg11 : memref<80xi32, #tpu.memory_space<vmem>>) target_semaphore(%run_scoped3A : memref<!tpu.dma_semaphore, #tpu.memory_space<semaphore_mem>>)
      %dma_wait3A_438 = tpu.memref_slice %arg4[%add3A_14] : memref<160000xi32, #tpu.memory_space<hbm>> -> memref<80xi32, #tpu.memory_space<hbm>>
      %dma_wait3A_439 = tpu.memref_slice %arg4[%add3A_14] : memref<160000xi32, #tpu.memory_space<hbm>> -> memref<80xi32, #tpu.memory_space<hbm>>
      tpu.wait_dma2 semaphore(%run_scoped3A : memref<!tpu.dma_semaphore, #tpu.memory_space<semaphore_mem>>) src(%dma_wait3A_439 : memref<80xi32, #tpu.memory_space<hbm>>) dst(%arg11 : memref<80xi32, #tpu.memory_space<vmem>>)
      tpu.yield
    }) : () -> ()
    %get3A = arith.constant 0 : index
    %get3A_15 = tpu.vector_load %arg11[%get3A] {strides = array<i32>} : memref<80xi32, #tpu.memory_space<vmem>>, vector<16xi32>,
    %get3A_16 = vector.shape_cast %get3A_15 : vector<16xi32> to vector<16xi32>
    %sub3A = arith.constant 0 : i32
    %sub3A_17 = vector.broadcast %sub3A : i32 to vector<16xi32>
    %sub3A_18 = arith.subi %get3A_16, %sub3A_17 : vector<16xi32>
    %ge3A = arith.constant 0 : i32
    %ge3A_19 = vector.broadcast %ge3A : i32 to vector<16xi32>
    %ge3A_20 = arith.cmpi sge, %sub3A_18, %ge3A_19 : vector<16xi32>
    %lt3A = arith.constant 3456 : i32
    %lt3A_21 = vector.broadcast %lt3A : i32 to vector<16xi32>
    %lt3A_22 = arith.cmpi slt, %sub3A_18, %lt3A_21 : vector<16xi32>
    %and3A = arith.andi %ge3A_20, %lt3A_22 : vector<16xi1>
    %jit3A_23 = arith.constant 3456 : i32
    %broadcast_in_dim3A_24 = vector.broadcast %jit3A_23 : i32 to vector<16xi32>
    %select_n3A_25 = arith.select %and3A, %sub3A_18, %broadcast_in_dim3A_24 : vector<16xi1>, vector<16xi32>
    %swap3A = arith.constant 0 : index
    %swap3A_26 = tpu.vector_load %arg13[%swap3A] {strides = array<i32>} : memref<80xi32, #tpu.memory_space<vmem>>, vector<16xi32>,
    %swap3A_27 = vector.shape_cast %swap3A_26 : vector<16xi32> to vector<16xi32>
    %swap3A_28 = vector.shape_cast %select_n3A_25 : vector<16xi32> to vector<16xi32>
    tpu.vector_store %arg13[%swap3A], %swap3A_28 {strides = array<i32>} : memref<80xi32, #tpu.memory_space<vmem>>, vector<16xi32>,
    %get3A_29 = arith.constant 16 : index
    %get3A_30 = tpu.vector_load %arg11[%get3A_29] {strides = array<i32>} : memref<80xi32, #tpu.memory_space<vmem>>, vector<16xi32>,
    %get3A_31 = vector.shape_cast %get3A_30 : vector<16xi32> to vector<16xi32>
    %sub3A_32 = arith.constant 0 : i32
    %sub3A_33 = vector.broadcast %sub3A_32 : i32 to vector<16xi32>
    %sub3A_34 = arith.subi %get3A_31, %sub3A_33 : vector<16xi32>
    %ge3A_35 = arith.constant 0 : i32
    %ge3A_36 = vector.broadcast %ge3A_35 : i32 to vector<16xi32>
    %ge3A_37 = arith.cmpi sge, %sub3A_34, %ge3A_36 : vector<16xi32>
    %lt3A_38 = arith.constant 3456 : i32
    %lt3A_39 = vector.broadcast %lt3A_38 : i32 to vector<16xi32>
    %lt3A_40 = arith.cmpi slt, %sub3A_34, %lt3A_39 : vector<16xi32>
    %and3A_41 = arith.andi %ge3A_37, %lt3A_40 : vector<16xi1>
    %jit3A_42 = arith.constant 3456 : i32
    %broadcast_in_dim3A_43 = vector.broadcast %jit3A_42 : i32 to vector<16xi32>
    %select_n3A_44 = arith.select %and3A_41, %sub3A_34, %broadcast_in_dim3A_43 : vector<16xi1>, vector<16xi32>
    %swap3A_45 = arith.constant 16 : index
    %swap3A_46 = tpu.vector_load %arg13[%swap3A_45] {strides = array<i32>} : memref<80xi32, #tpu.memory_space<vmem>>, vector<16xi32>,
    %swap3A_47 = vector.shape_cast %swap3A_46 : vector<16xi32> to vector<16xi32>
    %swap3A_48 = vector.shape_cast %select_n3A_44 : vector<16xi32> to vector<16xi32>
    tpu.vector_store %arg13[%swap3A_45], %swap3A_48 {strides = array<i32>} : memref<80xi32, #tpu.memory_space<vmem>>, vector<16xi32>,
    %get3A_49 = arith.constant 32 : index
    %get3A_50 = tpu.vector_load %arg11[%get3A_49] {strides = array<i32>} : memref<80xi32, #tpu.memory_space<vmem>>, vector<16xi32>,
    %get3A_51 = vector.shape_cast %get3A_50 : vector<16xi32> to vector<16xi32>
    %sub3A_52 = arith.constant 0 : i32
    %sub3A_53 = vector.broadcast %sub3A_52 : i32 to vector<16xi32>
    %sub3A_54 = arith.subi %get3A_51, %sub3A_53 : vector<16xi32>
    %ge3A_55 = arith.constant 0 : i32
    %ge3A_56 = vector.broadcast %ge3A_55 : i32 to vector<16xi32>
    %ge3A_57 = arith.cmpi sge, %sub3A_54, %ge3A_56 : vector<16xi32>
    %lt3A_58 = arith.constant 3456 : i32
    %lt3A_59 = vector.broadcast %lt3A_58 : i32 to vector<16xi32>
    %lt3A_60 = arith.cmpi slt, %sub3A_54, %lt3A_59 : vector<16xi32>
    %and3A_61 = arith.andi %ge3A_57, %lt3A_60 : vector<16xi1>
    %jit3A_62 = arith.constant 3456 : i32
    %broadcast_in_dim3A_63 = vector.broadcast %jit3A_62 : i32 to vector<16xi32>
    %select_n3A_64 = arith.select %and3A_61, %sub3A_54, %broadcast_in_dim3A_63 : vector<16xi1>, vector<16xi32>
    %swap3A_65 = arith.constant 32 : index
    %swap3A_66 = tpu.vector_load %arg13[%swap3A_65] {strides = array<i32>} : memref<80xi32, #tpu.memory_space<vmem>>, vector<16xi32>,
    %swap3A_67 = vector.shape_cast %swap3A_66 : vector<16xi32> to vector<16xi32>
    %swap3A_68 = vector.shape_cast %select_n3A_64 : vector<16xi32> to vector<16xi32>
    tpu.vector_store %arg13[%swap3A_65], %swap3A_68 {strides = array<i32>} : memref<80xi32, #tpu.memory_space<vmem>>, vector<16xi32>,
    %get3A_69 = arith.constant 48 : index
    %get3A_70 = tpu.vector_load %arg11[%get3A_69] {strides = array<i32>} : memref<80xi32, #tpu.memory_space<vmem>>, vector<16xi32>,
    %get3A_71 = vector.shape_cast %get3A_70 : vector<16xi32> to vector<16xi32>
    %sub3A_72 = arith.constant 0 : i32
    %sub3A_73 = vector.broadcast %sub3A_72 : i32 to vector<16xi32>
    %sub3A_74 = arith.subi %get3A_71, %sub3A_73 : vector<16xi32>
    %ge3A_75 = arith.constant 0 : i32
    %ge3A_76 = vector.broadcast %ge3A_75 : i32 to vector<16xi32>
    %ge3A_77 = arith.cmpi sge, %sub3A_74, %ge3A_76 : vector<16xi32>
    %lt3A_78 = arith.constant 3456 : i32
    %lt3A_79 = vector.broadcast %lt3A_78 : i32 to vector<16xi32>
    %lt3A_80 = arith.cmpi slt, %sub3A_74, %lt3A_79 : vector<16xi32>
    %and3A_81 = arith.andi %ge3A_77, %lt3A_80 : vector<16xi1>
    %jit3A_82 = arith.constant 3456 : i32
    %broadcast_in_dim3A_83 = vector.broadcast %jit3A_82 : i32 to vector<16xi32>
    %select_n3A_84 = arith.select %and3A_81, %sub3A_74, %broadcast_in_dim3A_83 : vector<16xi1>, vector<16xi32>
    %swap3A_85 = arith.constant 48 : index
    %swap3A_86 = tpu.vector_load %arg13[%swap3A_85] {strides = array<i32>} : memref<80xi32, #tpu.memory_space<vmem>>, vector<16xi32>,
    %swap3A_87 = vector.shape_cast %swap3A_86 : vector<16xi32> to vector<16xi32>
    %swap3A_88 = vector.shape_cast %select_n3A_84 : vector<16xi32> to vector<16xi32>
    tpu.vector_store %arg13[%swap3A_85], %swap3A_88 {strides = array<i32>} : memref<80xi32, #tpu.memory_space<vmem>>, vector<16xi32>,
    %get3A_89 = arith.constant 64 : index
    %get3A_90 = tpu.vector_load %arg11[%get3A_89] {strides = array<i32>} : memref<80xi32, #tpu.memory_space<vmem>>, vector<16xi32>,
    %get3A_91 = vector.shape_cast %get3A_90 : vector<16xi32> to vector<16xi32>
    %sub3A_92 = arith.constant 0 : i32
    %sub3A_93 = vector.broadcast %sub3A_92 : i32 to vector<16xi32>
    %sub3A_94 = arith.subi %get3A_91, %sub3A_93 : vector<16xi32>
    %ge3A_95 = arith.constant 0 : i32
    %ge3A_96 = vector.broadcast %ge3A_95 : i32 to vector<16xi32>
    %ge3A_97 = arith.cmpi sge, %sub3A_94, %ge3A_96 : vector<16xi32>
    %lt3A_98 = arith.constant 3456 : i32
    %lt3A_99 = vector.broadcast %lt3A_98 : i32 to vector<16xi32>
    %lt3A_100 = arith.cmpi slt, %sub3A_94, %lt3A_99 : vector<16xi32>
    %and3A_101 = arith.andi %ge3A_97, %lt3A_100 : vector<16xi1>
    %jit3A_102 = arith.constant 3456 : i32
    %broadcast_in_dim3A_103 = vector.broadcast %jit3A_102 : i32 to vector<16xi32>
    %select_n3A_104 = arith.select %and3A_101, %sub3A_94, %broadcast_in_dim3A_103 : vector<16xi1>, vector<16xi32>
    %swap3A_105 = arith.constant 64 : index
    %swap3A_106 = tpu.vector_load %arg13[%swap3A_105] {strides = array<i32>} : memref<80xi32, #tpu.memory_space<vmem>>, vector<16xi32>,
    %swap3A_107 = vector.shape_cast %swap3A_106 : vector<16xi32> to vector<16xi32>
    %swap3A_108 = vector.shape_cast %select_n3A_104 : vector<16xi32> to vector<16xi32>
    tpu.vector_store %arg13[%swap3A_105], %swap3A_108 {strides = array<i32>} : memref<80xi32, #tpu.memory_space<vmem>>, vector<16xi32>,
    %add3A_109 = arith.constant 0 : i32
    %add3A_110 = arith.addi %mul3A_6, %add3A_109 : i32
    %mul3A_111 = arith.constant 160000 : i32
    %mul3A_112 = arith.muli %arg0, %mul3A_111 : i32
    %add3A_113 = arith.addi %mul3A_112, %add3A_110 : i32
    "tpu.region"() ({
      %run_scoped3A = tpu.sem_alloc : memref<!tpu.dma_semaphore, #tpu.memory_space<semaphore_mem>>
      %dma_start3A_436 = tpu.memref_slice %arg3[%add3A_113] : memref<320000xi32, #tpu.memory_space<hbm>> -> memref<80xi32, #tpu.memory_space<hbm>>
      %dma_start3A_437 = tpu.memref_slice %arg3[%add3A_113] : memref<320000xi32, #tpu.memory_space<hbm>> -> memref<80xi32, #tpu.memory_space<hbm>>
      tpu.enqueue_dma source(%dma_start3A_437 : memref<80xi32, #tpu.memory_space<hbm>>) target(%arg9 : memref<80xi32, #tpu.memory_space<vmem>>) target_semaphore(%run_scoped3A : memref<!tpu.dma_semaphore, #tpu.memory_space<semaphore_mem>>)
      %dma_wait3A_438 = tpu.memref_slice %arg3[%add3A_113] : memref<320000xi32, #tpu.memory_space<hbm>> -> memref<80xi32, #tpu.memory_space<hbm>>
      %dma_wait3A_439 = tpu.memref_slice %arg3[%add3A_113] : memref<320000xi32, #tpu.memory_space<hbm>> -> memref<80xi32, #tpu.memory_space<hbm>>
      tpu.wait_dma2 semaphore(%run_scoped3A : memref<!tpu.dma_semaphore, #tpu.memory_space<semaphore_mem>>) src(%dma_wait3A_439 : memref<80xi32, #tpu.memory_space<hbm>>) dst(%arg9 : memref<80xi32, #tpu.memory_space<vmem>>)
      tpu.yield
    }) : () -> ()
    %dma_start3A = arith.constant 0 : i32
    %dma_start3A_114 = arith.constant 0 : i32
    %dma_start3A_115 = tpu.memref_slice %arg2[%dma_start3A, %dma_start3A_114] : memref<20000x128xf32, #tpu.memory_space<hbm>> -> memref<20000x128xf32, #tpu.memory_space<hbm>>
    tpu.enqueue_indirect_dma source(%dma_start3A_115 : memref<20000x128xf32, #tpu.memory_space<hbm>>) target(%arg15 : memref<80x128xf32, #tpu.memory_space<vmem>>) offsets(%arg9 : memref<80xi32, #tpu.memory_space<vmem>>) semaphore(%arg20 : memref<!tpu.dma_semaphore, #tpu.memory_space<semaphore_mem>>)
    %scan3A_116 = arith.constant 0 : i32
    %scan3A_117 = arith.constant 0 : i32
    %scan3A_118 = arith.constant 62 : i32
    %scan3A_119 = arith.addi %scan3A_117, %scan3A_118 : i32
    %scan3A_120 = arith.constant 1 : i32
    scf.for %scan3A_436 = %scan3A_117 to %scan3A_119 step %scan3A_120  : i32 {
      %mul3A_437 = arith.constant 2 : i32
      %mul3A_438 = arith.muli %mul3A_437, %scan3A_436 : i32
      %add3A_439 = arith.constant 1 : i32
      %add3A_440 = arith.addi %mul3A_438, %add3A_439 : i32
      %mul3A_441 = arith.constant 80 : i32
      %mul3A_442 = arith.muli %add3A_440, %mul3A_441 : i32
      %add3A_443 = arith.addi %mul3A_6, %mul3A_442 : i32
      "tpu.region"() ({
        %run_scoped3A = tpu.sem_alloc : memref<!tpu.dma_semaphore, #tpu.memory_space<semaphore_mem>>
        %dma_start3A_675 = tpu.memref_slice %arg4[%add3A_443] : memref<160000xi32, #tpu.memory_space<hbm>> -> memref<80xi32, #tpu.memory_space<hbm>>
        %dma_start3A_676 = tpu.memref_slice %arg4[%add3A_443] : memref<160000xi32, #tpu.memory_space<hbm>> -> memref<80xi32, #tpu.memory_space<hbm>>
        tpu.enqueue_dma source(%dma_start3A_676 : memref<80xi32, #tpu.memory_space<hbm>>) target(%arg12 : memref<80xi32, #tpu.memory_space<vmem>>) target_semaphore(%run_scoped3A : memref<!tpu.dma_semaphore, #tpu.memory_space<semaphore_mem>>)
        %dma_wait3A_677 = tpu.memref_slice %arg4[%add3A_443] : memref<160000xi32, #tpu.memory_space<hbm>> -> memref<80xi32, #tpu.memory_space<hbm>>
        %dma_wait3A_678 = tpu.memref_slice %arg4[%add3A_443] : memref<160000xi32, #tpu.memory_space<hbm>> -> memref<80xi32, #tpu.memory_space<hbm>>
        tpu.wait_dma2 semaphore(%run_scoped3A : memref<!tpu.dma_semaphore, #tpu.memory_space<semaphore_mem>>) src(%dma_wait3A_678 : memref<80xi32, #tpu.memory_space<hbm>>) dst(%arg12 : memref<80xi32, #tpu.memory_space<vmem>>)
        tpu.yield
      }) : () -> ()
      %get3A_444 = arith.constant 0 : index
      %get3A_445 = tpu.vector_load %arg12[%get3A_444] {strides = array<i32>} : memref<80xi32, #tpu.memory_space<vmem>>, vector<16xi32>,
      %get3A_446 = vector.shape_cast %get3A_445 : vector<16xi32> to vector<16xi32>
      %sub3A_447 = arith.constant 0 : i32
      %sub3A_448 = vector.broadcast %sub3A_447 : i32 to vector<16xi32>
      %sub3A_449 = arith.subi %get3A_446, %sub3A_448 : vector<16xi32>
      %ge3A_450 = arith.constant 0 : i32
      %ge3A_451 = vector.broadcast %ge3A_450 : i32 to vector<16xi32>
      %ge3A_452 = arith.cmpi sge, %sub3A_449, %ge3A_451 : vector<16xi32>
      %lt3A_453 = arith.constant 3456 : i32
      %lt3A_454 = vector.broadcast %lt3A_453 : i32 to vector<16xi32>
      %lt3A_455 = arith.cmpi slt, %sub3A_449, %lt3A_454 : vector<16xi32>
      %and3A_456 = arith.andi %ge3A_452, %lt3A_455 : vector<16xi1>
      %jit3A_457 = arith.constant 3456 : i32
      %broadcast_in_dim3A_458 = vector.broadcast %jit3A_457 : i32 to vector<16xi32>
      %select_n3A_459 = arith.select %and3A_456, %sub3A_449, %broadcast_in_dim3A_458 : vector<16xi1>, vector<16xi32>
      %swap3A_460 = arith.constant 0 : index
      %swap3A_461 = tpu.vector_load %arg14[%swap3A_460] {strides = array<i32>} : memref<80xi32, #tpu.memory_space<vmem>>, vector<16xi32>,
      %swap3A_462 = vector.shape_cast %swap3A_461 : vector<16xi32> to vector<16xi32>
      %swap3A_463 = vector.shape_cast %select_n3A_459 : vector<16xi32> to vector<16xi32>
      tpu.vector_store %arg14[%swap3A_460], %swap3A_463 {strides = array<i32>} : memref<80xi32, #tpu.memory_space<vmem>>, vector<16xi32>,
      %get3A_464 = arith.constant 16 : index
      %get3A_465 = tpu.vector_load %arg12[%get3A_464] {strides = array<i32>} : memref<80xi32, #tpu.memory_space<vmem>>, vector<16xi32>,
      %get3A_466 = vector.shape_cast %get3A_465 : vector<16xi32> to vector<16xi32>
      %sub3A_467 = arith.constant 0 : i32
      %sub3A_468 = vector.broadcast %sub3A_467 : i32 to vector<16xi32>
      %sub3A_469 = arith.subi %get3A_466, %sub3A_468 : vector<16xi32>
      %ge3A_470 = arith.constant 0 : i32
      %ge3A_471 = vector.broadcast %ge3A_470 : i32 to vector<16xi32>
      %ge3A_472 = arith.cmpi sge, %sub3A_469, %ge3A_471 : vector<16xi32>
      %lt3A_473 = arith.constant 3456 : i32
      %lt3A_474 = vector.broadcast %lt3A_473 : i32 to vector<16xi32>
      %lt3A_475 = arith.cmpi slt, %sub3A_469, %lt3A_474 : vector<16xi32>
      %and3A_476 = arith.andi %ge3A_472, %lt3A_475 : vector<16xi1>
      %jit3A_477 = arith.constant 3456 : i32
      %broadcast_in_dim3A_478 = vector.broadcast %jit3A_477 : i32 to vector<16xi32>
      %select_n3A_479 = arith.select %and3A_476, %sub3A_469, %broadcast_in_dim3A_478 : vector<16xi1>, vector<16xi32>
      %swap3A_480 = arith.constant 16 : index
      %swap3A_481 = tpu.vector_load %arg14[%swap3A_480] {strides = array<i32>} : memref<80xi32, #tpu.memory_space<vmem>>, vector<16xi32>,
      %swap3A_482 = vector.shape_cast %swap3A_481 : vector<16xi32> to vector<16xi32>
      %swap3A_483 = vector.shape_cast %select_n3A_479 : vector<16xi32> to vector<16xi32>
      tpu.vector_store %arg14[%swap3A_480], %swap3A_483 {strides = array<i32>} : memref<80xi32, #tpu.memory_space<vmem>>, vector<16xi32>,
      %get3A_484 = arith.constant 32 : index
      %get3A_485 = tpu.vector_load %arg12[%get3A_484] {strides = array<i32>} : memref<80xi32, #tpu.memory_space<vmem>>, vector<16xi32>,
      %get3A_486 = vector.shape_cast %get3A_485 : vector<16xi32> to vector<16xi32>
      %sub3A_487 = arith.constant 0 : i32
      %sub3A_488 = vector.broadcast %sub3A_487 : i32 to vector<16xi32>
      %sub3A_489 = arith.subi %get3A_486, %sub3A_488 : vector<16xi32>
      %ge3A_490 = arith.constant 0 : i32
      %ge3A_491 = vector.broadcast %ge3A_490 : i32 to vector<16xi32>
      %ge3A_492 = arith.cmpi sge, %sub3A_489, %ge3A_491 : vector<16xi32>
      %lt3A_493 = arith.constant 3456 : i32
      %lt3A_494 = vector.broadcast %lt3A_493 : i32 to vector<16xi32>
      %lt3A_495 = arith.cmpi slt, %sub3A_489, %lt3A_494 : vector<16xi32>
      %and3A_496 = arith.andi %ge3A_492, %lt3A_495 : vector<16xi1>
      %jit3A_497 = arith.constant 3456 : i32
      %broadcast_in_dim3A_498 = vector.broadcast %jit3A_497 : i32 to vector<16xi32>
      %select_n3A_499 = arith.select %and3A_496, %sub3A_489, %broadcast_in_dim3A_498 : vector<16xi1>, vector<16xi32>
      %swap3A_500 = arith.constant 32 : index
      %swap3A_501 = tpu.vector_load %arg14[%swap3A_500] {strides = array<i32>} : memref<80xi32, #tpu.memory_space<vmem>>, vector<16xi32>,
      %swap3A_502 = vector.shape_cast %swap3A_501 : vector<16xi32> to vector<16xi32>
      %swap3A_503 = vector.shape_cast %select_n3A_499 : vector<16xi32> to vector<16xi32>
      tpu.vector_store %arg14[%swap3A_500], %swap3A_503 {strides = array<i32>} : memref<80xi32, #tpu.memory_space<vmem>>, vector<16xi32>,
      %get3A_504 = arith.constant 48 : index
      %get3A_505 = tpu.vector_load %arg12[%get3A_504] {strides = array<i32>} : memref<80xi32, #tpu.memory_space<vmem>>, vector<16xi32>,
      %get3A_506 = vector.shape_cast %get3A_505 : vector<16xi32> to vector<16xi32>
      %sub3A_507 = arith.constant 0 : i32
      %sub3A_508 = vector.broadcast %sub3A_507 : i32 to vector<16xi32>
      %sub3A_509 = arith.subi %get3A_506, %sub3A_508 : vector<16xi32>
      %ge3A_510 = arith.constant 0 : i32
      %ge3A_511 = vector.broadcast %ge3A_510 : i32 to vector<16xi32>
      %ge3A_512 = arith.cmpi sge, %sub3A_509, %ge3A_511 : vector<16xi32>
      %lt3A_513 = arith.constant 3456 : i32
      %lt3A_514 = vector.broadcast %lt3A_513 : i32 to vector<16xi32>
      %lt3A_515 = arith.cmpi slt, %sub3A_509, %lt3A_514 : vector<16xi32>
      %and3A_516 = arith.andi %ge3A_512, %lt3A_515 : vector<16xi1>
      %jit3A_517 = arith.constant 3456 : i32
      %broadcast_in_dim3A_518 = vector.broadcast %jit3A_517 : i32 to vector<16xi32>
      %select_n3A_519 = arith.select %and3A_516, %sub3A_509, %broadcast_in_dim3A_518 : vector<16xi1>, vector<16xi32>
      %swap3A_520 = arith.constant 48 : index
      %swap3A_521 = tpu.vector_load %arg14[%swap3A_520] {strides = array<i32>} : memref<80xi32, #tpu.memory_space<vmem>>, vector<16xi32>,
      %swap3A_522 = vector.shape_cast %swap3A_521 : vector<16xi32> to vector<16xi32>
      %swap3A_523 = vector.shape_cast %select_n3A_519 : vector<16xi32> to vector<16xi32>
      tpu.vector_store %arg14[%swap3A_520], %swap3A_523 {strides = array<i32>} : memref<80xi32, #tpu.memory_space<vmem>>, vector<16xi32>,
      %get3A_524 = arith.constant 64 : index
      %get3A_525 = tpu.vector_load %arg12[%get3A_524] {strides = array<i32>} : memref<80xi32, #tpu.memory_space<vmem>>, vector<16xi32>,
      %get3A_526 = vector.shape_cast %get3A_525 : vector<16xi32> to vector<16xi32>
      %sub3A_527 = arith.constant 0 : i32
      %sub3A_528 = vector.broadcast %sub3A_527 : i32 to vector<16xi32>
      %sub3A_529 = arith.subi %get3A_526, %sub3A_528 : vector<16xi32>
      %ge3A_530 = arith.constant 0 : i32
      %ge3A_531 = vector.broadcast %ge3A_530 : i32 to vector<16xi32>
      %ge3A_532 = arith.cmpi sge, %sub3A_529, %ge3A_531 : vector<16xi32>
      %lt3A_533 = arith.constant 3456 : i32
      %lt3A_534 = vector.broadcast %lt3A_533 : i32 to vector<16xi32>
      %lt3A_535 = arith.cmpi slt, %sub3A_529, %lt3A_534 : vector<16xi32>
      %and3A_536 = arith.andi %ge3A_532, %lt3A_535 : vector<16xi1>
      %jit3A_537 = arith.constant 3456 : i32
      %broadcast_in_dim3A_538 = vector.broadcast %jit3A_537 : i32 to vector<16xi32>
      %select_n3A_539 = arith.select %and3A_536, %sub3A_529, %broadcast_in_dim3A_538 : vector<16xi1>, vector<16xi32>
      %swap3A_540 = arith.constant 64 : index
      %swap3A_541 = tpu.vector_load %arg14[%swap3A_540] {strides = array<i32>} : memref<80xi32, #tpu.memory_space<vmem>>, vector<16xi32>,
      %swap3A_542 = vector.shape_cast %swap3A_541 : vector<16xi32> to vector<16xi32>
      %swap3A_543 = vector.shape_cast %select_n3A_539 : vector<16xi32> to vector<16xi32>
      tpu.vector_store %arg14[%swap3A_540], %swap3A_543 {strides = array<i32>} : memref<80xi32, #tpu.memory_space<vmem>>, vector<16xi32>,
      %mul3A_544 = arith.constant 80 : i32
      %mul3A_545 = arith.muli %add3A_440, %mul3A_544 : i32
      %add3A_546 = arith.addi %mul3A_6, %mul3A_545 : i32
      %mul3A_547 = arith.constant 160000 : i32
      %mul3A_548 = arith.muli %arg0, %mul3A_547 : i32
      %add3A_549 = arith.addi %mul3A_548, %add3A_546 : i32
      "tpu.region"() ({
        %run_scoped3A = tpu.sem_alloc : memref<!tpu.dma_semaphore, #tpu.memory_space<semaphore_mem>>
        %dma_start3A_675 = tpu.memref_slice %arg3[%add3A_549] : memref<320000xi32, #tpu.memory_space<hbm>> -> memref<80xi32, #tpu.memory_space<hbm>>
        %dma_start3A_676 = tpu.memref_slice %arg3[%add3A_549] : memref<320000xi32, #tpu.memory_space<hbm>> -> memref<80xi32, #tpu.memory_space<hbm>>
        tpu.enqueue_dma source(%dma_start3A_676 : memref<80xi32, #tpu.memory_space<hbm>>) target(%arg10 : memref<80xi32, #tpu.memory_space<vmem>>) target_semaphore(%run_scoped3A : memref<!tpu.dma_semaphore, #tpu.memory_space<semaphore_mem>>)
        %dma_wait3A_677 = tpu.memref_slice %arg3[%add3A_549] : memref<320000xi32, #tpu.memory_space<hbm>> -> memref<80xi32, #tpu.memory_space<hbm>>
        %dma_wait3A_678 = tpu.memref_slice %arg3[%add3A_549] : memref<320000xi32, #tpu.memory_space<hbm>> -> memref<80xi32, #tpu.memory_space<hbm>>
        tpu.wait_dma2 semaphore(%run_scoped3A : memref<!tpu.dma_semaphore, #tpu.memory_space<semaphore_mem>>) src(%dma_wait3A_678 : memref<80xi32, #tpu.memory_space<hbm>>) dst(%arg10 : memref<80xi32, #tpu.memory_space<vmem>>)
        tpu.yield
      }) : () -> ()
      %dma_start3A_550 = arith.constant 0 : i32
      %dma_start3A_551 = arith.constant 0 : i32
      %dma_start3A_552 = tpu.memref_slice %arg2[%dma_start3A_550, %dma_start3A_551] : memref<20000x128xf32, #tpu.memory_space<hbm>> -> memref<20000x128xf32, #tpu.memory_space<hbm>>
      tpu.enqueue_indirect_dma source(%dma_start3A_552 : memref<20000x128xf32, #tpu.memory_space<hbm>>) target(%arg17 : memref<80x128xf32, #tpu.memory_space<vmem>>) offsets(%arg10 : memref<80xi32, #tpu.memory_space<vmem>>) semaphore(%arg21 : memref<!tpu.dma_semaphore, #tpu.memory_space<semaphore_mem>>)
      %dma_wait3A_553 = arith.constant 0 : i32
      %dma_wait3A_554 = arith.constant 0 : i32
      %dma_wait3A_555 = tpu.memref_slice %arg2[%dma_wait3A_553, %dma_wait3A_554] : memref<20000x128xf32, #tpu.memory_space<hbm>> -> memref<20000x128xf32, #tpu.memory_space<hbm>>
      tpu.wait_indirect_dma semaphore(%arg20 : memref<!tpu.dma_semaphore, #tpu.memory_space<semaphore_mem>>) src(%dma_wait3A_555 : memref<20000x128xf32, #tpu.memory_space<hbm>>) dst(%arg15 : memref<80x128xf32, #tpu.memory_space<vmem>>)
      "tpu.region"() ({
        %run_scoped3A = tpu.sem_alloc : memref<!tpu.dma_semaphore, #tpu.memory_space<semaphore_mem>>
        %dma_start3A_675 = arith.constant 0 : i32
        %dma_start3A_676 = arith.constant 0 : i32
        %dma_start3A_677 = tpu.memref_slice %arg8[%dma_start3A_675, %dma_start3A_676] : memref<3464x128xf32, #tpu.memory_space<vmem_shared>> -> memref<3464x128xf32, #tpu.memory_space<vmem_shared>>
        tpu.enqueue_indirect_dma source(%arg15 : memref<80x128xf32, #tpu.memory_space<vmem>>) target(%dma_start3A_677 : memref<3464x128xf32, #tpu.memory_space<vmem_shared>>) offsets(%arg13 : memref<80xi32, #tpu.memory_space<vmem>>) semaphore(%run_scoped3A : memref<!tpu.dma_semaphore, #tpu.memory_space<semaphore_mem>>) {add = true}
        %dma_wait3A_678 = arith.constant 0 : i32
        %dma_wait3A_679 = arith.constant 0 : i32
        %dma_wait3A_680 = tpu.memref_slice %arg8[%dma_wait3A_678, %dma_wait3A_679] : memref<3464x128xf32, #tpu.memory_space<vmem_shared>> -> memref<3464x128xf32, #tpu.memory_space<vmem_shared>>
        tpu.wait_indirect_dma semaphore(%run_scoped3A : memref<!tpu.dma_semaphore, #tpu.memory_space<semaphore_mem>>) src(%arg15 : memref<80x128xf32, #tpu.memory_space<vmem>>) dst(%dma_wait3A_680 : memref<3464x128xf32, #tpu.memory_space<vmem_shared>>)
        tpu.yield
      }) : () -> ()
      %add3A_556 = arith.constant 1 : i32
      %add3A_557 = arith.addi %add3A_440, %add3A_556 : i32
      %mul3A_558 = arith.constant 80 : i32
      %mul3A_559 = arith.muli %add3A_557, %mul3A_558 : i32
      %add3A_560 = arith.addi %mul3A_6, %mul3A_559 : i32
      "tpu.region"() ({
        %run_scoped3A = tpu.sem_alloc : memref<!tpu.dma_semaphore, #tpu.memory_space<semaphore_mem>>
        %dma_start3A_675 = tpu.memref_slice %arg4[%add3A_560] : memref<160000xi32, #tpu.memory_space<hbm>> -> memref<80xi32, #tpu.memory_space<hbm>>
        %dma_start3A_676 = tpu.memref_slice %arg4[%add3A_560] : memref<160000xi32, #tpu.memory_space<hbm>> -> memref<80xi32, #tpu.memory_space<hbm>>
        tpu.enqueue_dma source(%dma_start3A_676 : memref<80xi32, #tpu.memory_space<hbm>>) target(%arg11 : memref<80xi32, #tpu.memory_space<vmem>>) target_semaphore(%run_scoped3A : memref<!tpu.dma_semaphore, #tpu.memory_space<semaphore_mem>>)
        %dma_wait3A_677 = tpu.memref_slice %arg4[%add3A_560] : memref<160000xi32, #tpu.memory_space<hbm>> -> memref<80xi32, #tpu.memory_space<hbm>>
        %dma_wait3A_678 = tpu.memref_slice %arg4[%add3A_560] : memref<160000xi32, #tpu.memory_space<hbm>> -> memref<80xi32, #tpu.memory_space<hbm>>
        tpu.wait_dma2 semaphore(%run_scoped3A : memref<!tpu.dma_semaphore, #tpu.memory_space<semaphore_mem>>) src(%dma_wait3A_678 : memref<80xi32, #tpu.memory_space<hbm>>) dst(%arg11 : memref<80xi32, #tpu.memory_space<vmem>>)
        tpu.yield
      }) : () -> ()
      %get3A_561 = arith.constant 0 : index
      %get3A_562 = tpu.vector_load %arg11[%get3A_561] {strides = array<i32>} : memref<80xi32, #tpu.memory_space<vmem>>, vector<16xi32>,
      %get3A_563 = vector.shape_cast %get3A_562 : vector<16xi32> to vector<16xi32>
      %sub3A_564 = arith.constant 0 : i32
      %sub3A_565 = vector.broadcast %sub3A_564 : i32 to vector<16xi32>
      %sub3A_566 = arith.subi %get3A_563, %sub3A_565 : vector<16xi32>
      %ge3A_567 = arith.constant 0 : i32
      %ge3A_568 = vector.broadcast %ge3A_567 : i32 to vector<16xi32>
      %ge3A_569 = arith.cmpi sge, %sub3A_566, %ge3A_568 : vector<16xi32>
      %lt3A_570 = arith.constant 3456 : i32
      %lt3A_571 = vector.broadcast %lt3A_570 : i32 to vector<16xi32>
      %lt3A_572 = arith.cmpi slt, %sub3A_566, %lt3A_571 : vector<16xi32>
      %and3A_573 = arith.andi %ge3A_569, %lt3A_572 : vector<16xi1>
      %jit3A_574 = arith.constant 3456 : i32
      %broadcast_in_dim3A_575 = vector.broadcast %jit3A_574 : i32 to vector<16xi32>
      %select_n3A_576 = arith.select %and3A_573, %sub3A_566, %broadcast_in_dim3A_575 : vector<16xi1>, vector<16xi32>
      %swap3A_577 = arith.constant 0 : index
      %swap3A_578 = tpu.vector_load %arg13[%swap3A_577] {strides = array<i32>} : memref<80xi32, #tpu.memory_space<vmem>>, vector<16xi32>,
      %swap3A_579 = vector.shape_cast %swap3A_578 : vector<16xi32> to vector<16xi32>
      %swap3A_580 = vector.shape_cast %select_n3A_576 : vector<16xi32> to vector<16xi32>
      tpu.vector_store %arg13[%swap3A_577], %swap3A_580 {strides = array<i32>} : memref<80xi32, #tpu.memory_space<vmem>>, vector<16xi32>,
      %get3A_581 = arith.constant 16 : index
      %get3A_582 = tpu.vector_load %arg11[%get3A_581] {strides = array<i32>} : memref<80xi32, #tpu.memory_space<vmem>>, vector<16xi32>,
      %get3A_583 = vector.shape_cast %get3A_582 : vector<16xi32> to vector<16xi32>
      %sub3A_584 = arith.constant 0 : i32
      %sub3A_585 = vector.broadcast %sub3A_584 : i32 to vector<16xi32>
      %sub3A_586 = arith.subi %get3A_583, %sub3A_585 : vector<16xi32>
      %ge3A_587 = arith.constant 0 : i32
      %ge3A_588 = vector.broadcast %ge3A_587 : i32 to vector<16xi32>
      %ge3A_589 = arith.cmpi sge, %sub3A_586, %ge3A_588 : vector<16xi32>
      %lt3A_590 = arith.constant 3456 : i32
      %lt3A_591 = vector.broadcast %lt3A_590 : i32 to vector<16xi32>
      %lt3A_592 = arith.cmpi slt, %sub3A_586, %lt3A_591 : vector<16xi32>
      %and3A_593 = arith.andi %ge3A_589, %lt3A_592 : vector<16xi1>
      %jit3A_594 = arith.constant 3456 : i32
      %broadcast_in_dim3A_595 = vector.broadcast %jit3A_594 : i32 to vector<16xi32>
      %select_n3A_596 = arith.select %and3A_593, %sub3A_586, %broadcast_in_dim3A_595 : vector<16xi1>, vector<16xi32>
      %swap3A_597 = arith.constant 16 : index
      %swap3A_598 = tpu.vector_load %arg13[%swap3A_597] {strides = array<i32>} : memref<80xi32, #tpu.memory_space<vmem>>, vector<16xi32>,
      %swap3A_599 = vector.shape_cast %swap3A_598 : vector<16xi32> to vector<16xi32>
      %swap3A_600 = vector.shape_cast %select_n3A_596 : vector<16xi32> to vector<16xi32>
      tpu.vector_store %arg13[%swap3A_597], %swap3A_600 {strides = array<i32>} : memref<80xi32, #tpu.memory_space<vmem>>, vector<16xi32>,
      %get3A_601 = arith.constant 32 : index
      %get3A_602 = tpu.vector_load %arg11[%get3A_601] {strides = array<i32>} : memref<80xi32, #tpu.memory_space<vmem>>, vector<16xi32>,
      %get3A_603 = vector.shape_cast %get3A_602 : vector<16xi32> to vector<16xi32>
      %sub3A_604 = arith.constant 0 : i32
      %sub3A_605 = vector.broadcast %sub3A_604 : i32 to vector<16xi32>
      %sub3A_606 = arith.subi %get3A_603, %sub3A_605 : vector<16xi32>
      %ge3A_607 = arith.constant 0 : i32
      %ge3A_608 = vector.broadcast %ge3A_607 : i32 to vector<16xi32>
      %ge3A_609 = arith.cmpi sge, %sub3A_606, %ge3A_608 : vector<16xi32>
      %lt3A_610 = arith.constant 3456 : i32
      %lt3A_611 = vector.broadcast %lt3A_610 : i32 to vector<16xi32>
      %lt3A_612 = arith.cmpi slt, %sub3A_606, %lt3A_611 : vector<16xi32>
      %and3A_613 = arith.andi %ge3A_609, %lt3A_612 : vector<16xi1>
      %jit3A_614 = arith.constant 3456 : i32
      %broadcast_in_dim3A_615 = vector.broadcast %jit3A_614 : i32 to vector<16xi32>
      %select_n3A_616 = arith.select %and3A_613, %sub3A_606, %broadcast_in_dim3A_615 : vector<16xi1>, vector<16xi32>
      %swap3A_617 = arith.constant 32 : index
      %swap3A_618 = tpu.vector_load %arg13[%swap3A_617] {strides = array<i32>} : memref<80xi32, #tpu.memory_space<vmem>>, vector<16xi32>,
      %swap3A_619 = vector.shape_cast %swap3A_618 : vector<16xi32> to vector<16xi32>
      %swap3A_620 = vector.shape_cast %select_n3A_616 : vector<16xi32> to vector<16xi32>
      tpu.vector_store %arg13[%swap3A_617], %swap3A_620 {strides = array<i32>} : memref<80xi32, #tpu.memory_space<vmem>>, vector<16xi32>,
      %get3A_621 = arith.constant 48 : index
      %get3A_622 = tpu.vector_load %arg11[%get3A_621] {strides = array<i32>} : memref<80xi32, #tpu.memory_space<vmem>>, vector<16xi32>,
      %get3A_623 = vector.shape_cast %get3A_622 : vector<16xi32> to vector<16xi32>
      %sub3A_624 = arith.constant 0 : i32
      %sub3A_625 = vector.broadcast %sub3A_624 : i32 to vector<16xi32>
      %sub3A_626 = arith.subi %get3A_623, %sub3A_625 : vector<16xi32>
      %ge3A_627 = arith.constant 0 : i32
      %ge3A_628 = vector.broadcast %ge3A_627 : i32 to vector<16xi32>
      %ge3A_629 = arith.cmpi sge, %sub3A_626, %ge3A_628 : vector<16xi32>
      %lt3A_630 = arith.constant 3456 : i32
      %lt3A_631 = vector.broadcast %lt3A_630 : i32 to vector<16xi32>
      %lt3A_632 = arith.cmpi slt, %sub3A_626, %lt3A_631 : vector<16xi32>
      %and3A_633 = arith.andi %ge3A_629, %lt3A_632 : vector<16xi1>
      %jit3A_634 = arith.constant 3456 : i32
      %broadcast_in_dim3A_635 = vector.broadcast %jit3A_634 : i32 to vector<16xi32>
      %select_n3A_636 = arith.select %and3A_633, %sub3A_626, %broadcast_in_dim3A_635 : vector<16xi1>, vector<16xi32>
      %swap3A_637 = arith.constant 48 : index
      %swap3A_638 = tpu.vector_load %arg13[%swap3A_637] {strides = array<i32>} : memref<80xi32, #tpu.memory_space<vmem>>, vector<16xi32>,
      %swap3A_639 = vector.shape_cast %swap3A_638 : vector<16xi32> to vector<16xi32>
      %swap3A_640 = vector.shape_cast %select_n3A_636 : vector<16xi32> to vector<16xi32>
      tpu.vector_store %arg13[%swap3A_637], %swap3A_640 {strides = array<i32>} : memref<80xi32, #tpu.memory_space<vmem>>, vector<16xi32>,
      %get3A_641 = arith.constant 64 : index
      %get3A_642 = tpu.vector_load %arg11[%get3A_641] {strides = array<i32>} : memref<80xi32, #tpu.memory_space<vmem>>, vector<16xi32>,
      %get3A_643 = vector.shape_cast %get3A_642 : vector<16xi32> to vector<16xi32>
      %sub3A_644 = arith.constant 0 : i32
      %sub3A_645 = vector.broadcast %sub3A_644 : i32 to vector<16xi32>
      %sub3A_646 = arith.subi %get3A_643, %sub3A_645 : vector<16xi32>
      %ge3A_647 = arith.constant 0 : i32
      %ge3A_648 = vector.broadcast %ge3A_647 : i32 to vector<16xi32>
      %ge3A_649 = arith.cmpi sge, %sub3A_646, %ge3A_648 : vector<16xi32>
      %lt3A_650 = arith.constant 3456 : i32
      %lt3A_651 = vector.broadcast %lt3A_650 : i32 to vector<16xi32>
      %lt3A_652 = arith.cmpi slt, %sub3A_646, %lt3A_651 : vector<16xi32>
      %and3A_653 = arith.andi %ge3A_649, %lt3A_652 : vector<16xi1>
      %jit3A_654 = arith.constant 3456 : i32
      %broadcast_in_dim3A_655 = vector.broadcast %jit3A_654 : i32 to vector<16xi32>
      %select_n3A_656 = arith.select %and3A_653, %sub3A_646, %broadcast_in_dim3A_655 : vector<16xi1>, vector<16xi32>
      %swap3A_657 = arith.constant 64 : index
      %swap3A_658 = tpu.vector_load %arg13[%swap3A_657] {strides = array<i32>} : memref<80xi32, #tpu.memory_space<vmem>>, vector<16xi32>,
      %swap3A_659 = vector.shape_cast %swap3A_658 : vector<16xi32> to vector<16xi32>
      %swap3A_660 = vector.shape_cast %select_n3A_656 : vector<16xi32> to vector<16xi32>
      tpu.vector_store %arg13[%swap3A_657], %swap3A_660 {strides = array<i32>} : memref<80xi32, #tpu.memory_space<vmem>>, vector<16xi32>,
      %add3A_661 = arith.constant 1 : i32
      %add3A_662 = arith.addi %add3A_440, %add3A_661 : i32
      %mul3A_663 = arith.constant 80 : i32
      %mul3A_664 = arith.muli %add3A_662, %mul3A_663 : i32
      %add3A_665 = arith.addi %mul3A_6, %mul3A_664 : i32
      %mul3A_666 = arith.constant 160000 : i32
      %mul3A_667 = arith.muli %arg0, %mul3A_666 : i32
      %add3A_668 = arith.addi %mul3A_667, %add3A_665 : i32
      "tpu.region"() ({
        %run_scoped3A = tpu.sem_alloc : memref<!tpu.dma_semaphore, #tpu.memory_space<semaphore_mem>>
        %dma_start3A_675 = tpu.memref_slice %arg3[%add3A_668] : memref<320000xi32, #tpu.memory_space<hbm>> -> memref<80xi32, #tpu.memory_space<hbm>>
        %dma_start3A_676 = tpu.memref_slice %arg3[%add3A_668] : memref<320000xi32, #tpu.memory_space<hbm>> -> memref<80xi32, #tpu.memory_space<hbm>>
        tpu.enqueue_dma source(%dma_start3A_676 : memref<80xi32, #tpu.memory_space<hbm>>) target(%arg9 : memref<80xi32, #tpu.memory_space<vmem>>) target_semaphore(%run_scoped3A : memref<!tpu.dma_semaphore, #tpu.memory_space<semaphore_mem>>)
        %dma_wait3A_677 = tpu.memref_slice %arg3[%add3A_668] : memref<320000xi32, #tpu.memory_space<hbm>> -> memref<80xi32, #tpu.memory_space<hbm>>
        %dma_wait3A_678 = tpu.memref_slice %arg3[%add3A_668] : memref<320000xi32, #tpu.memory_space<hbm>> -> memref<80xi32, #tpu.memory_space<hbm>>
        tpu.wait_dma2 semaphore(%run_scoped3A : memref<!tpu.dma_semaphore, #tpu.memory_space<semaphore_mem>>) src(%dma_wait3A_678 : memref<80xi32, #tpu.memory_space<hbm>>) dst(%arg9 : memref<80xi32, #tpu.memory_space<vmem>>)
        tpu.yield
      }) : () -> ()
      %dma_start3A_669 = arith.constant 0 : i32
      %dma_start3A_670 = arith.constant 0 : i32
      %dma_start3A_671 = tpu.memref_slice %arg2[%dma_start3A_669, %dma_start3A_670] : memref<20000x128xf32, #tpu.memory_space<hbm>> -> memref<20000x128xf32, #tpu.memory_space<hbm>>
      tpu.enqueue_indirect_dma source(%dma_start3A_671 : memref<20000x128xf32, #tpu.memory_space<hbm>>) target(%arg15 : memref<80x128xf32, #tpu.memory_space<vmem>>) offsets(%arg9 : memref<80xi32, #tpu.memory_space<vmem>>) semaphore(%arg20 : memref<!tpu.dma_semaphore, #tpu.memory_space<semaphore_mem>>)
      %dma_wait3A_672 = arith.constant 0 : i32
      %dma_wait3A_673 = arith.constant 0 : i32
      %dma_wait3A_674 = tpu.memref_slice %arg2[%dma_wait3A_672, %dma_wait3A_673] : memref<20000x128xf32, #tpu.memory_space<hbm>> -> memref<20000x128xf32, #tpu.memory_space<hbm>>
      tpu.wait_indirect_dma semaphore(%arg21 : memref<!tpu.dma_semaphore, #tpu.memory_space<semaphore_mem>>) src(%dma_wait3A_674 : memref<20000x128xf32, #tpu.memory_space<hbm>>) dst(%arg17 : memref<80x128xf32, #tpu.memory_space<vmem>>)
      "tpu.region"() ({
        %run_scoped3A = tpu.sem_alloc : memref<!tpu.dma_semaphore, #tpu.memory_space<semaphore_mem>>
        %dma_start3A_675 = arith.constant 0 : i32
        %dma_start3A_676 = arith.constant 0 : i32
        %dma_start3A_677 = tpu.memref_slice %arg8[%dma_start3A_675, %dma_start3A_676] : memref<3464x128xf32, #tpu.memory_space<vmem_shared>> -> memref<3464x128xf32, #tpu.memory_space<vmem_shared>>
        tpu.enqueue_indirect_dma source(%arg17 : memref<80x128xf32, #tpu.memory_space<vmem>>) target(%dma_start3A_677 : memref<3464x128xf32, #tpu.memory_space<vmem_shared>>) offsets(%arg14 : memref<80xi32, #tpu.memory_space<vmem>>) semaphore(%run_scoped3A : memref<!tpu.dma_semaphore, #tpu.memory_space<semaphore_mem>>) {add = true}
        %dma_wait3A_678 = arith.constant 0 : i32
        %dma_wait3A_679 = arith.constant 0 : i32
        %dma_wait3A_680 = tpu.memref_slice %arg8[%dma_wait3A_678, %dma_wait3A_679] : memref<3464x128xf32, #tpu.memory_space<vmem_shared>> -> memref<3464x128xf32, #tpu.memory_space<vmem_shared>>
        tpu.wait_indirect_dma semaphore(%run_scoped3A : memref<!tpu.dma_semaphore, #tpu.memory_space<semaphore_mem>>) src(%arg17 : memref<80x128xf32, #tpu.memory_space<vmem>>) dst(%dma_wait3A_680 : memref<3464x128xf32, #tpu.memory_space<vmem_shared>>)
        tpu.yield
      }) : () -> ()
    }
    %scan3A_121 = arith.constant 62 : i32
    %dma_wait3A = arith.constant 0 : i32
    %dma_wait3A_122 = arith.constant 0 : i32
    %dma_wait3A_123 = tpu.memref_slice %arg2[%dma_wait3A, %dma_wait3A_122] : memref<20000x128xf32, #tpu.memory_space<hbm>> -> memref<20000x128xf32, #tpu.memory_space<hbm>>
    tpu.wait_indirect_dma semaphore(%arg20 : memref<!tpu.dma_semaphore, #tpu.memory_space<semaphore_mem>>) src(%dma_wait3A_123 : memref<20000x128xf32, #tpu.memory_space<hbm>>) dst(%arg15 : memref<80x128xf32, #tpu.memory_space<vmem>>)
    "tpu.region"() ({
      %run_scoped3A = tpu.sem_alloc : memref<!tpu.dma_semaphore, #tpu.memory_space<semaphore_mem>>
      %dma_start3A_436 = arith.constant 0 : i32
      %dma_start3A_437 = arith.constant 0 : i32
      %dma_start3A_438 = tpu.memref_slice %arg8[%dma_start3A_436, %dma_start3A_437] : memref<3464x128xf32, #tpu.memory_space<vmem_shared>> -> memref<3464x128xf32, #tpu.memory_space<vmem_shared>>
      tpu.enqueue_indirect_dma source(%arg15 : memref<80x128xf32, #tpu.memory_space<vmem>>) target(%dma_start3A_438 : memref<3464x128xf32, #tpu.memory_space<vmem_shared>>) offsets(%arg13 : memref<80xi32, #tpu.memory_space<vmem>>) semaphore(%run_scoped3A : memref<!tpu.dma_semaphore, #tpu.memory_space<semaphore_mem>>) {add = true}
      %dma_wait3A_439 = arith.constant 0 : i32
      %dma_wait3A_440 = arith.constant 0 : i32
      %dma_wait3A_441 = tpu.memref_slice %arg8[%dma_wait3A_439, %dma_wait3A_440] : memref<3464x128xf32, #tpu.memory_space<vmem_shared>> -> memref<3464x128xf32, #tpu.memory_space<vmem_shared>>
      tpu.wait_indirect_dma semaphore(%run_scoped3A : memref<!tpu.dma_semaphore, #tpu.memory_space<semaphore_mem>>) src(%arg15 : memref<80x128xf32, #tpu.memory_space<vmem>>) dst(%dma_wait3A_441 : memref<3464x128xf32, #tpu.memory_space<vmem_shared>>)
      tpu.yield
    }) : () -> ()
    %barrier3A_124 = arith.constant 0 : index
    tpu.barrier barrier_id(%barrier3A_124)
    %mul3A_125 = arith.constant 10368 : i32
    %mul3A_126 = arith.muli %arg0, %mul3A_125 : i32
    %add3A_127 = arith.constant 0 : i32
    %add3A_128 = arith.addi %mul3A_126, %add3A_127 : i32
    %mul3A_129 = arith.constant 216 : i32
    %mul3A_130 = arith.muli %arg1, %mul3A_129 : i32
    %add3A_131 = arith.addi %add3A_128, %mul3A_130 : i32
    "tpu.region"() ({
      %run_scoped3A = tpu.sem_alloc : memref<!tpu.dma_semaphore, #tpu.memory_space<semaphore_mem>>
      %dma_start3A_436 = arith.constant 0 : i32
      %dma_start3A_437 = tpu.memref_slice %arg6[%add3A_131, %dma_start3A_436] : memref<20736x128xf32, #tpu.memory_space<hbm>> -> memref<216x128xf32, #tpu.memory_space<hbm>>
      %dma_start3A_438 = arith.constant 0 : i32
      %dma_start3A_439 = tpu.memref_slice %arg8[%mul3A_8, %dma_start3A_438] : memref<3464x128xf32, #tpu.memory_space<vmem_shared>> -> memref<216x128xf32, #tpu.memory_space<vmem_shared>>
      tpu.enqueue_dma source(%dma_start3A_439 : memref<216x128xf32, #tpu.memory_space<vmem_shared>>) target(%dma_start3A_437 : memref<216x128xf32, #tpu.memory_space<hbm>>) target_semaphore(%run_scoped3A : memref<!tpu.dma_semaphore, #tpu.memory_space<semaphore_mem>>)
      %dma_wait3A_440 = arith.constant 0 : i32
      %dma_wait3A_441 = tpu.memref_slice %arg6[%add3A_131, %dma_wait3A_440] : memref<20736x128xf32, #tpu.memory_space<hbm>> -> memref<216x128xf32, #tpu.memory_space<hbm>>
      %dma_wait3A_442 = arith.constant 0 : i32
      %dma_wait3A_443 = tpu.memref_slice %arg8[%mul3A_8, %dma_wait3A_442] : memref<3464x128xf32, #tpu.memory_space<vmem_shared>> -> memref<216x128xf32, #tpu.memory_space<vmem_shared>>
      tpu.wait_dma2 semaphore(%run_scoped3A : memref<!tpu.dma_semaphore, #tpu.memory_space<semaphore_mem>>) src(%dma_wait3A_443 : memref<216x128xf32, #tpu.memory_space<vmem_shared>>) dst(%dma_wait3A_441 : memref<216x128xf32, #tpu.memory_space<hbm>>)
      tpu.yield
    }) : () -> ()
    "tpu.region"() ({
      %run_scoped3A = tpu.sem_alloc : memref<!tpu.dma_semaphore, #tpu.memory_space<semaphore_mem>>
      %dma_start3A_436 = arith.constant 0 : i32
      %dma_start3A_437 = tpu.memref_slice %arg8[%mul3A_8, %dma_start3A_436] : memref<3464x128xf32, #tpu.memory_space<vmem_shared>> -> memref<216x128xf32, #tpu.memory_space<vmem_shared>>
      tpu.enqueue_dma source(%arg5 : memref<216x128xf32, #tpu.memory_space<hbm>>) target(%dma_start3A_437 : memref<216x128xf32, #tpu.memory_space<vmem_shared>>) target_semaphore(%run_scoped3A : memref<!tpu.dma_semaphore, #tpu.memory_space<semaphore_mem>>)
      %dma_wait3A_438 = arith.constant 0 : i32
      %dma_wait3A_439 = tpu.memref_slice %arg8[%mul3A_8, %dma_wait3A_438] : memref<3464x128xf32, #tpu.memory_space<vmem_shared>> -> memref<216x128xf32, #tpu.memory_space<vmem_shared>>
      tpu.wait_dma2 semaphore(%run_scoped3A : memref<!tpu.dma_semaphore, #tpu.memory_space<semaphore_mem>>) src(%arg5 : memref<216x128xf32, #tpu.memory_space<hbm>>) dst(%dma_wait3A_439 : memref<216x128xf32, #tpu.memory_space<vmem_shared>>)
      tpu.yield
    }) : () -> ()
    %barrier3A_132 = arith.constant 0 : index
    tpu.barrier barrier_id(%barrier3A_132)
    %add3A_133 = arith.constant 0 : i32
    %add3A_134 = arith.addi %mul3A_6, %add3A_133 : i32
    "tpu.region"() ({
      %run_scoped3A = tpu.sem_alloc : memref<!tpu.dma_semaphore, #tpu.memory_space<semaphore_mem>>
      %dma_start3A_436 = tpu.memref_slice %arg4[%add3A_134] : memref<160000xi32, #tpu.memory_space<hbm>> -> memref<80xi32, #tpu.memory_space<hbm>>
      %dma_start3A_437 = tpu.memref_slice %arg4[%add3A_134] : memref<160000xi32, #tpu.memory_space<hbm>> -> memref<80xi32, #tpu.memory_space<hbm>>
      tpu.enqueue_dma source(%dma_start3A_437 : memref<80xi32, #tpu.memory_space<hbm>>) target(%arg11 : memref<80xi32, #tpu.memory_space<vmem>>) target_semaphore(%run_scoped3A : memref<!tpu.dma_semaphore, #tpu.memory_space<semaphore_mem>>)
      %dma_wait3A_438 = tpu.memref_slice %arg4[%add3A_134] : memref<160000xi32, #tpu.memory_space<hbm>> -> memref<80xi32, #tpu.memory_space<hbm>>
      %dma_wait3A_439 = tpu.memref_slice %arg4[%add3A_134] : memref<160000xi32, #tpu.memory_space<hbm>> -> memref<80xi32, #tpu.memory_space<hbm>>
      tpu.wait_dma2 semaphore(%run_scoped3A : memref<!tpu.dma_semaphore, #tpu.memory_space<semaphore_mem>>) src(%dma_wait3A_439 : memref<80xi32, #tpu.memory_space<hbm>>) dst(%arg11 : memref<80xi32, #tpu.memory_space<vmem>>)
      tpu.yield
    }) : () -> ()
    %get3A_135 = arith.constant 0 : index
    %get3A_136 = tpu.vector_load %arg11[%get3A_135] {strides = array<i32>} : memref<80xi32, #tpu.memory_space<vmem>>, vector<16xi32>,
    %get3A_137 = vector.shape_cast %get3A_136 : vector<16xi32> to vector<16xi32>
    %sub3A_138 = arith.constant 3456 : i32
    %sub3A_139 = vector.broadcast %sub3A_138 : i32 to vector<16xi32>
    %sub3A_140 = arith.subi %get3A_137, %sub3A_139 : vector<16xi32>
    %ge3A_141 = arith.constant 0 : i32
    %ge3A_142 = vector.broadcast %ge3A_141 : i32 to vector<16xi32>
    %ge3A_143 = arith.cmpi sge, %sub3A_140, %ge3A_142 : vector<16xi32>
    %lt3A_144 = arith.constant 3456 : i32
    %lt3A_145 = vector.broadcast %lt3A_144 : i32 to vector<16xi32>
    %lt3A_146 = arith.cmpi slt, %sub3A_140, %lt3A_145 : vector<16xi32>
    %and3A_147 = arith.andi %ge3A_143, %lt3A_146 : vector<16xi1>
    %jit3A_148 = arith.constant 3456 : i32
    %broadcast_in_dim3A_149 = vector.broadcast %jit3A_148 : i32 to vector<16xi32>
    %select_n3A_150 = arith.select %and3A_147, %sub3A_140, %broadcast_in_dim3A_149 : vector<16xi1>, vector<16xi32>
    %swap3A_151 = arith.constant 0 : index
    %swap3A_152 = tpu.vector_load %arg13[%swap3A_151] {strides = array<i32>} : memref<80xi32, #tpu.memory_space<vmem>>, vector<16xi32>,
    %swap3A_153 = vector.shape_cast %swap3A_152 : vector<16xi32> to vector<16xi32>
    %swap3A_154 = vector.shape_cast %select_n3A_150 : vector<16xi32> to vector<16xi32>
    tpu.vector_store %arg13[%swap3A_151], %swap3A_154 {strides = array<i32>} : memref<80xi32, #tpu.memory_space<vmem>>, vector<16xi32>,
    %get3A_155 = arith.constant 16 : index
    %get3A_156 = tpu.vector_load %arg11[%get3A_155] {strides = array<i32>} : memref<80xi32, #tpu.memory_space<vmem>>, vector<16xi32>,
    %get3A_157 = vector.shape_cast %get3A_156 : vector<16xi32> to vector<16xi32>
    %sub3A_158 = arith.constant 3456 : i32
    %sub3A_159 = vector.broadcast %sub3A_158 : i32 to vector<16xi32>
    %sub3A_160 = arith.subi %get3A_157, %sub3A_159 : vector<16xi32>
    %ge3A_161 = arith.constant 0 : i32
    %ge3A_162 = vector.broadcast %ge3A_161 : i32 to vector<16xi32>
    %ge3A_163 = arith.cmpi sge, %sub3A_160, %ge3A_162 : vector<16xi32>
    %lt3A_164 = arith.constant 3456 : i32
    %lt3A_165 = vector.broadcast %lt3A_164 : i32 to vector<16xi32>
    %lt3A_166 = arith.cmpi slt, %sub3A_160, %lt3A_165 : vector<16xi32>
    %and3A_167 = arith.andi %ge3A_163, %lt3A_166 : vector<16xi1>
    %jit3A_168 = arith.constant 3456 : i32
    %broadcast_in_dim3A_169 = vector.broadcast %jit3A_168 : i32 to vector<16xi32>
    %select_n3A_170 = arith.select %and3A_167, %sub3A_160, %broadcast_in_dim3A_169 : vector<16xi1>, vector<16xi32>
    %swap3A_171 = arith.constant 16 : index
    %swap3A_172 = tpu.vector_load %arg13[%swap3A_171] {strides = array<i32>} : memref<80xi32, #tpu.memory_space<vmem>>, vector<16xi32>,
    %swap3A_173 = vector.shape_cast %swap3A_172 : vector<16xi32> to vector<16xi32>
    %swap3A_174 = vector.shape_cast %select_n3A_170 : vector<16xi32> to vector<16xi32>
    tpu.vector_store %arg13[%swap3A_171], %swap3A_174 {strides = array<i32>} : memref<80xi32, #tpu.memory_space<vmem>>, vector<16xi32>,
    %get3A_175 = arith.constant 32 : index
    %get3A_176 = tpu.vector_load %arg11[%get3A_175] {strides = array<i32>} : memref<80xi32, #tpu.memory_space<vmem>>, vector<16xi32>,
    %get3A_177 = vector.shape_cast %get3A_176 : vector<16xi32> to vector<16xi32>
    %sub3A_178 = arith.constant 3456 : i32
    %sub3A_179 = vector.broadcast %sub3A_178 : i32 to vector<16xi32>
    %sub3A_180 = arith.subi %get3A_177, %sub3A_179 : vector<16xi32>
    %ge3A_181 = arith.constant 0 : i32
    %ge3A_182 = vector.broadcast %ge3A_181 : i32 to vector<16xi32>
    %ge3A_183 = arith.cmpi sge, %sub3A_180, %ge3A_182 : vector<16xi32>
    %lt3A_184 = arith.constant 3456 : i32
    %lt3A_185 = vector.broadcast %lt3A_184 : i32 to vector<16xi32>
    %lt3A_186 = arith.cmpi slt, %sub3A_180, %lt3A_185 : vector<16xi32>
    %and3A_187 = arith.andi %ge3A_183, %lt3A_186 : vector<16xi1>
    %jit3A_188 = arith.constant 3456 : i32
    %broadcast_in_dim3A_189 = vector.broadcast %jit3A_188 : i32 to vector<16xi32>
    %select_n3A_190 = arith.select %and3A_187, %sub3A_180, %broadcast_in_dim3A_189 : vector<16xi1>, vector<16xi32>
    %swap3A_191 = arith.constant 32 : index
    %swap3A_192 = tpu.vector_load %arg13[%swap3A_191] {strides = array<i32>} : memref<80xi32, #tpu.memory_space<vmem>>, vector<16xi32>,
    %swap3A_193 = vector.shape_cast %swap3A_192 : vector<16xi32> to vector<16xi32>
    %swap3A_194 = vector.shape_cast %select_n3A_190 : vector<16xi32> to vector<16xi32>
    tpu.vector_store %arg13[%swap3A_191], %swap3A_194 {strides = array<i32>} : memref<80xi32, #tpu.memory_space<vmem>>, vector<16xi32>,
    %get3A_195 = arith.constant 48 : index
    %get3A_196 = tpu.vector_load %arg11[%get3A_195] {strides = array<i32>} : memref<80xi32, #tpu.memory_space<vmem>>, vector<16xi32>,
    %get3A_197 = vector.shape_cast %get3A_196 : vector<16xi32> to vector<16xi32>
    %sub3A_198 = arith.constant 3456 : i32
    %sub3A_199 = vector.broadcast %sub3A_198 : i32 to vector<16xi32>
    %sub3A_200 = arith.subi %get3A_197, %sub3A_199 : vector<16xi32>
    %ge3A_201 = arith.constant 0 : i32
    %ge3A_202 = vector.broadcast %ge3A_201 : i32 to vector<16xi32>
    %ge3A_203 = arith.cmpi sge, %sub3A_200, %ge3A_202 : vector<16xi32>
    %lt3A_204 = arith.constant 3456 : i32
    %lt3A_205 = vector.broadcast %lt3A_204 : i32 to vector<16xi32>
    %lt3A_206 = arith.cmpi slt, %sub3A_200, %lt3A_205 : vector<16xi32>
    %and3A_207 = arith.andi %ge3A_203, %lt3A_206 : vector<16xi1>
    %jit3A_208 = arith.constant 3456 : i32
    %broadcast_in_dim3A_209 = vector.broadcast %jit3A_208 : i32 to vector<16xi32>
    %select_n3A_210 = arith.select %and3A_207, %sub3A_200, %broadcast_in_dim3A_209 : vector<16xi1>, vector<16xi32>
    %swap3A_211 = arith.constant 48 : index
    %swap3A_212 = tpu.vector_load %arg13[%swap3A_211] {strides = array<i32>} : memref<80xi32, #tpu.memory_space<vmem>>, vector<16xi32>,
    %swap3A_213 = vector.shape_cast %swap3A_212 : vector<16xi32> to vector<16xi32>
    %swap3A_214 = vector.shape_cast %select_n3A_210 : vector<16xi32> to vector<16xi32>
    tpu.vector_store %arg13[%swap3A_211], %swap3A_214 {strides = array<i32>} : memref<80xi32, #tpu.memory_space<vmem>>, vector<16xi32>,
    %get3A_215 = arith.constant 64 : index
    %get3A_216 = tpu.vector_load %arg11[%get3A_215] {strides = array<i32>} : memref<80xi32, #tpu.memory_space<vmem>>, vector<16xi32>,
    %get3A_217 = vector.shape_cast %get3A_216 : vector<16xi32> to vector<16xi32>
    %sub3A_218 = arith.constant 3456 : i32
    %sub3A_219 = vector.broadcast %sub3A_218 : i32 to vector<16xi32>
    %sub3A_220 = arith.subi %get3A_217, %sub3A_219 : vector<16xi32>
    %ge3A_221 = arith.constant 0 : i32
    %ge3A_222 = vector.broadcast %ge3A_221 : i32 to vector<16xi32>
    %ge3A_223 = arith.cmpi sge, %sub3A_220, %ge3A_222 : vector<16xi32>
    %lt3A_224 = arith.constant 3456 : i32
    %lt3A_225 = vector.broadcast %lt3A_224 : i32 to vector<16xi32>
    %lt3A_226 = arith.cmpi slt, %sub3A_220, %lt3A_225 : vector<16xi32>
    %and3A_227 = arith.andi %ge3A_223, %lt3A_226 : vector<16xi1>
    %jit3A_228 = arith.constant 3456 : i32
    %broadcast_in_dim3A_229 = vector.broadcast %jit3A_228 : i32 to vector<16xi32>
    %select_n3A_230 = arith.select %and3A_227, %sub3A_220, %broadcast_in_dim3A_229 : vector<16xi1>, vector<16xi32>
    %swap3A_231 = arith.constant 64 : index
    %swap3A_232 = tpu.vector_load %arg13[%swap3A_231] {strides = array<i32>} : memref<80xi32, #tpu.memory_space<vmem>>, vector<16xi32>,
    %swap3A_233 = vector.shape_cast %swap3A_232 : vector<16xi32> to vector<16xi32>
    %swap3A_234 = vector.shape_cast %select_n3A_230 : vector<16xi32> to vector<16xi32>
    tpu.vector_store %arg13[%swap3A_231], %swap3A_234 {strides = array<i32>} : memref<80xi32, #tpu.memory_space<vmem>>, vector<16xi32>,
    %add3A_235 = arith.constant 0 : i32
    %add3A_236 = arith.addi %mul3A_6, %add3A_235 : i32
    %mul3A_237 = arith.constant 160000 : i32
    %mul3A_238 = arith.muli %arg0, %mul3A_237 : i32
    %add3A_239 = arith.addi %mul3A_238, %add3A_236 : i32
    "tpu.region"() ({
      %run_scoped3A = tpu.sem_alloc : memref<!tpu.dma_semaphore, #tpu.memory_space<semaphore_mem>>
      %dma_start3A_436 = tpu.memref_slice %arg3[%add3A_239] : memref<320000xi32, #tpu.memory_space<hbm>> -> memref<80xi32, #tpu.memory_space<hbm>>
      %dma_start3A_437 = tpu.memref_slice %arg3[%add3A_239] : memref<320000xi32, #tpu.memory_space<hbm>> -> memref<80xi32, #tpu.memory_space<hbm>>
      tpu.enqueue_dma source(%dma_start3A_437 : memref<80xi32, #tpu.memory_space<hbm>>) target(%arg9 : memref<80xi32, #tpu.memory_space<vmem>>) target_semaphore(%run_scoped3A : memref<!tpu.dma_semaphore, #tpu.memory_space<semaphore_mem>>)
      %dma_wait3A_438 = tpu.memref_slice %arg3[%add3A_239] : memref<320000xi32, #tpu.memory_space<hbm>> -> memref<80xi32, #tpu.memory_space<hbm>>
      %dma_wait3A_439 = tpu.memref_slice %arg3[%add3A_239] : memref<320000xi32, #tpu.memory_space<hbm>> -> memref<80xi32, #tpu.memory_space<hbm>>
      tpu.wait_dma2 semaphore(%run_scoped3A : memref<!tpu.dma_semaphore, #tpu.memory_space<semaphore_mem>>) src(%dma_wait3A_439 : memref<80xi32, #tpu.memory_space<hbm>>) dst(%arg9 : memref<80xi32, #tpu.memory_space<vmem>>)
      tpu.yield
    }) : () -> ()
    %dma_start3A_240 = arith.constant 0 : i32
    %dma_start3A_241 = arith.constant 0 : i32
    %dma_start3A_242 = tpu.memref_slice %arg2[%dma_start3A_240, %dma_start3A_241] : memref<20000x128xf32, #tpu.memory_space<hbm>> -> memref<20000x128xf32, #tpu.memory_space<hbm>>
    tpu.enqueue_indirect_dma source(%dma_start3A_242 : memref<20000x128xf32, #tpu.memory_space<hbm>>) target(%arg15 : memref<80x128xf32, #tpu.memory_space<vmem>>) offsets(%arg9 : memref<80xi32, #tpu.memory_space<vmem>>) semaphore(%arg20 : memref<!tpu.dma_semaphore, #tpu.memory_space<semaphore_mem>>)
    %scan3A_243 = arith.constant 0 : i32
    %scan3A_244 = arith.constant 0 : i32
    %scan3A_245 = arith.constant 62 : i32
    %scan3A_246 = arith.addi %scan3A_244, %scan3A_245 : i32
    %scan3A_247 = arith.constant 1 : i32
    scf.for %scan3A_436 = %scan3A_244 to %scan3A_246 step %scan3A_247  : i32 {
      %mul3A_437 = arith.constant 2 : i32
      %mul3A_438 = arith.muli %mul3A_437, %scan3A_436 : i32
      %add3A_439 = arith.constant 1 : i32
      %add3A_440 = arith.addi %mul3A_438, %add3A_439 : i32
      %mul3A_441 = arith.constant 80 : i32
      %mul3A_442 = arith.muli %add3A_440, %mul3A_441 : i32
      %add3A_443 = arith.addi %mul3A_6, %mul3A_442 : i32
      "tpu.region"() ({
        %run_scoped3A = tpu.sem_alloc : memref<!tpu.dma_semaphore, #tpu.memory_space<semaphore_mem>>
        %dma_start3A_675 = tpu.memref_slice %arg4[%add3A_443] : memref<160000xi32, #tpu.memory_space<hbm>> -> memref<80xi32, #tpu.memory_space<hbm>>
        %dma_start3A_676 = tpu.memref_slice %arg4[%add3A_443] : memref<160000xi32, #tpu.memory_space<hbm>> -> memref<80xi32, #tpu.memory_space<hbm>>
        tpu.enqueue_dma source(%dma_start3A_676 : memref<80xi32, #tpu.memory_space<hbm>>) target(%arg12 : memref<80xi32, #tpu.memory_space<vmem>>) target_semaphore(%run_scoped3A : memref<!tpu.dma_semaphore, #tpu.memory_space<semaphore_mem>>)
        %dma_wait3A_677 = tpu.memref_slice %arg4[%add3A_443] : memref<160000xi32, #tpu.memory_space<hbm>> -> memref<80xi32, #tpu.memory_space<hbm>>
        %dma_wait3A_678 = tpu.memref_slice %arg4[%add3A_443] : memref<160000xi32, #tpu.memory_space<hbm>> -> memref<80xi32, #tpu.memory_space<hbm>>
        tpu.wait_dma2 semaphore(%run_scoped3A : memref<!tpu.dma_semaphore, #tpu.memory_space<semaphore_mem>>) src(%dma_wait3A_678 : memref<80xi32, #tpu.memory_space<hbm>>) dst(%arg12 : memref<80xi32, #tpu.memory_space<vmem>>)
        tpu.yield
      }) : () -> ()
      %get3A_444 = arith.constant 0 : index
      %get3A_445 = tpu.vector_load %arg12[%get3A_444] {strides = array<i32>} : memref<80xi32, #tpu.memory_space<vmem>>, vector<16xi32>,
      %get3A_446 = vector.shape_cast %get3A_445 : vector<16xi32> to vector<16xi32>
      %sub3A_447 = arith.constant 3456 : i32
      %sub3A_448 = vector.broadcast %sub3A_447 : i32 to vector<16xi32>
      %sub3A_449 = arith.subi %get3A_446, %sub3A_448 : vector<16xi32>
      %ge3A_450 = arith.constant 0 : i32
      %ge3A_451 = vector.broadcast %ge3A_450 : i32 to vector<16xi32>
      %ge3A_452 = arith.cmpi sge, %sub3A_449, %ge3A_451 : vector<16xi32>
      %lt3A_453 = arith.constant 3456 : i32
      %lt3A_454 = vector.broadcast %lt3A_453 : i32 to vector<16xi32>
      %lt3A_455 = arith.cmpi slt, %sub3A_449, %lt3A_454 : vector<16xi32>
      %and3A_456 = arith.andi %ge3A_452, %lt3A_455 : vector<16xi1>
      %jit3A_457 = arith.constant 3456 : i32
      %broadcast_in_dim3A_458 = vector.broadcast %jit3A_457 : i32 to vector<16xi32>
      %select_n3A_459 = arith.select %and3A_456, %sub3A_449, %broadcast_in_dim3A_458 : vector<16xi1>, vector<16xi32>
      %swap3A_460 = arith.constant 0 : index
      %swap3A_461 = tpu.vector_load %arg14[%swap3A_460] {strides = array<i32>} : memref<80xi32, #tpu.memory_space<vmem>>, vector<16xi32>,
      %swap3A_462 = vector.shape_cast %swap3A_461 : vector<16xi32> to vector<16xi32>
      %swap3A_463 = vector.shape_cast %select_n3A_459 : vector<16xi32> to vector<16xi32>
      tpu.vector_store %arg14[%swap3A_460], %swap3A_463 {strides = array<i32>} : memref<80xi32, #tpu.memory_space<vmem>>, vector<16xi32>,
      %get3A_464 = arith.constant 16 : index
      %get3A_465 = tpu.vector_load %arg12[%get3A_464] {strides = array<i32>} : memref<80xi32, #tpu.memory_space<vmem>>, vector<16xi32>,
      %get3A_466 = vector.shape_cast %get3A_465 : vector<16xi32> to vector<16xi32>
      %sub3A_467 = arith.constant 3456 : i32
      %sub3A_468 = vector.broadcast %sub3A_467 : i32 to vector<16xi32>
      %sub3A_469 = arith.subi %get3A_466, %sub3A_468 : vector<16xi32>
      %ge3A_470 = arith.constant 0 : i32
      %ge3A_471 = vector.broadcast %ge3A_470 : i32 to vector<16xi32>
      %ge3A_472 = arith.cmpi sge, %sub3A_469, %ge3A_471 : vector<16xi32>
      %lt3A_473 = arith.constant 3456 : i32
      %lt3A_474 = vector.broadcast %lt3A_473 : i32 to vector<16xi32>
      %lt3A_475 = arith.cmpi slt, %sub3A_469, %lt3A_474 : vector<16xi32>
      %and3A_476 = arith.andi %ge3A_472, %lt3A_475 : vector<16xi1>
      %jit3A_477 = arith.constant 3456 : i32
      %broadcast_in_dim3A_478 = vector.broadcast %jit3A_477 : i32 to vector<16xi32>
      %select_n3A_479 = arith.select %and3A_476, %sub3A_469, %broadcast_in_dim3A_478 : vector<16xi1>, vector<16xi32>
      %swap3A_480 = arith.constant 16 : index
      %swap3A_481 = tpu.vector_load %arg14[%swap3A_480] {strides = array<i32>} : memref<80xi32, #tpu.memory_space<vmem>>, vector<16xi32>,
      %swap3A_482 = vector.shape_cast %swap3A_481 : vector<16xi32> to vector<16xi32>
      %swap3A_483 = vector.shape_cast %select_n3A_479 : vector<16xi32> to vector<16xi32>
      tpu.vector_store %arg14[%swap3A_480], %swap3A_483 {strides = array<i32>} : memref<80xi32, #tpu.memory_space<vmem>>, vector<16xi32>,
      %get3A_484 = arith.constant 32 : index
      %get3A_485 = tpu.vector_load %arg12[%get3A_484] {strides = array<i32>} : memref<80xi32, #tpu.memory_space<vmem>>, vector<16xi32>,
      %get3A_486 = vector.shape_cast %get3A_485 : vector<16xi32> to vector<16xi32>
      %sub3A_487 = arith.constant 3456 : i32
      %sub3A_488 = vector.broadcast %sub3A_487 : i32 to vector<16xi32>
      %sub3A_489 = arith.subi %get3A_486, %sub3A_488 : vector<16xi32>
      %ge3A_490 = arith.constant 0 : i32
      %ge3A_491 = vector.broadcast %ge3A_490 : i32 to vector<16xi32>
      %ge3A_492 = arith.cmpi sge, %sub3A_489, %ge3A_491 : vector<16xi32>
      %lt3A_493 = arith.constant 3456 : i32
      %lt3A_494 = vector.broadcast %lt3A_493 : i32 to vector<16xi32>
      %lt3A_495 = arith.cmpi slt, %sub3A_489, %lt3A_494 : vector<16xi32>
      %and3A_496 = arith.andi %ge3A_492, %lt3A_495 : vector<16xi1>
      %jit3A_497 = arith.constant 3456 : i32
      %broadcast_in_dim3A_498 = vector.broadcast %jit3A_497 : i32 to vector<16xi32>
      %select_n3A_499 = arith.select %and3A_496, %sub3A_489, %broadcast_in_dim3A_498 : vector<16xi1>, vector<16xi32>
      %swap3A_500 = arith.constant 32 : index
      %swap3A_501 = tpu.vector_load %arg14[%swap3A_500] {strides = array<i32>} : memref<80xi32, #tpu.memory_space<vmem>>, vector<16xi32>,
      %swap3A_502 = vector.shape_cast %swap3A_501 : vector<16xi32> to vector<16xi32>
      %swap3A_503 = vector.shape_cast %select_n3A_499 : vector<16xi32> to vector<16xi32>
      tpu.vector_store %arg14[%swap3A_500], %swap3A_503 {strides = array<i32>} : memref<80xi32, #tpu.memory_space<vmem>>, vector<16xi32>,
      %get3A_504 = arith.constant 48 : index
      %get3A_505 = tpu.vector_load %arg12[%get3A_504] {strides = array<i32>} : memref<80xi32, #tpu.memory_space<vmem>>, vector<16xi32>,
      %get3A_506 = vector.shape_cast %get3A_505 : vector<16xi32> to vector<16xi32>
      %sub3A_507 = arith.constant 3456 : i32
      %sub3A_508 = vector.broadcast %sub3A_507 : i32 to vector<16xi32>
      %sub3A_509 = arith.subi %get3A_506, %sub3A_508 : vector<16xi32>
      %ge3A_510 = arith.constant 0 : i32
      %ge3A_511 = vector.broadcast %ge3A_510 : i32 to vector<16xi32>
      %ge3A_512 = arith.cmpi sge, %sub3A_509, %ge3A_511 : vector<16xi32>
      %lt3A_513 = arith.constant 3456 : i32
      %lt3A_514 = vector.broadcast %lt3A_513 : i32 to vector<16xi32>
      %lt3A_515 = arith.cmpi slt, %sub3A_509, %lt3A_514 : vector<16xi32>
      %and3A_516 = arith.andi %ge3A_512, %lt3A_515 : vector<16xi1>
      %jit3A_517 = arith.constant 3456 : i32
      %broadcast_in_dim3A_518 = vector.broadcast %jit3A_517 : i32 to vector<16xi32>
      %select_n3A_519 = arith.select %and3A_516, %sub3A_509, %broadcast_in_dim3A_518 : vector<16xi1>, vector<16xi32>
      %swap3A_520 = arith.constant 48 : index
      %swap3A_521 = tpu.vector_load %arg14[%swap3A_520] {strides = array<i32>} : memref<80xi32, #tpu.memory_space<vmem>>, vector<16xi32>,
      %swap3A_522 = vector.shape_cast %swap3A_521 : vector<16xi32> to vector<16xi32>
      %swap3A_523 = vector.shape_cast %select_n3A_519 : vector<16xi32> to vector<16xi32>
      tpu.vector_store %arg14[%swap3A_520], %swap3A_523 {strides = array<i32>} : memref<80xi32, #tpu.memory_space<vmem>>, vector<16xi32>,
      %get3A_524 = arith.constant 64 : index
      %get3A_525 = tpu.vector_load %arg12[%get3A_524] {strides = array<i32>} : memref<80xi32, #tpu.memory_space<vmem>>, vector<16xi32>,
      %get3A_526 = vector.shape_cast %get3A_525 : vector<16xi32> to vector<16xi32>
      %sub3A_527 = arith.constant 3456 : i32
      %sub3A_528 = vector.broadcast %sub3A_527 : i32 to vector<16xi32>
      %sub3A_529 = arith.subi %get3A_526, %sub3A_528 : vector<16xi32>
      %ge3A_530 = arith.constant 0 : i32
      %ge3A_531 = vector.broadcast %ge3A_530 : i32 to vector<16xi32>
      %ge3A_532 = arith.cmpi sge, %sub3A_529, %ge3A_531 : vector<16xi32>
      %lt3A_533 = arith.constant 3456 : i32
      %lt3A_534 = vector.broadcast %lt3A_533 : i32 to vector<16xi32>
      %lt3A_535 = arith.cmpi slt, %sub3A_529, %lt3A_534 : vector<16xi32>
      %and3A_536 = arith.andi %ge3A_532, %lt3A_535 : vector<16xi1>
      %jit3A_537 = arith.constant 3456 : i32
      %broadcast_in_dim3A_538 = vector.broadcast %jit3A_537 : i32 to vector<16xi32>
      %select_n3A_539 = arith.select %and3A_536, %sub3A_529, %broadcast_in_dim3A_538 : vector<16xi1>, vector<16xi32>
      %swap3A_540 = arith.constant 64 : index
      %swap3A_541 = tpu.vector_load %arg14[%swap3A_540] {strides = array<i32>} : memref<80xi32, #tpu.memory_space<vmem>>, vector<16xi32>,
      %swap3A_542 = vector.shape_cast %swap3A_541 : vector<16xi32> to vector<16xi32>
      %swap3A_543 = vector.shape_cast %select_n3A_539 : vector<16xi32> to vector<16xi32>
      tpu.vector_store %arg14[%swap3A_540], %swap3A_543 {strides = array<i32>} : memref<80xi32, #tpu.memory_space<vmem>>, vector<16xi32>,
      %mul3A_544 = arith.constant 80 : i32
      %mul3A_545 = arith.muli %add3A_440, %mul3A_544 : i32
      %add3A_546 = arith.addi %mul3A_6, %mul3A_545 : i32
      %mul3A_547 = arith.constant 160000 : i32
      %mul3A_548 = arith.muli %arg0, %mul3A_547 : i32
      %add3A_549 = arith.addi %mul3A_548, %add3A_546 : i32
      "tpu.region"() ({
        %run_scoped3A = tpu.sem_alloc : memref<!tpu.dma_semaphore, #tpu.memory_space<semaphore_mem>>
        %dma_start3A_675 = tpu.memref_slice %arg3[%add3A_549] : memref<320000xi32, #tpu.memory_space<hbm>> -> memref<80xi32, #tpu.memory_space<hbm>>
        %dma_start3A_676 = tpu.memref_slice %arg3[%add3A_549] : memref<320000xi32, #tpu.memory_space<hbm>> -> memref<80xi32, #tpu.memory_space<hbm>>
        tpu.enqueue_dma source(%dma_start3A_676 : memref<80xi32, #tpu.memory_space<hbm>>) target(%arg10 : memref<80xi32, #tpu.memory_space<vmem>>) target_semaphore(%run_scoped3A : memref<!tpu.dma_semaphore, #tpu.memory_space<semaphore_mem>>)
        %dma_wait3A_677 = tpu.memref_slice %arg3[%add3A_549] : memref<320000xi32, #tpu.memory_space<hbm>> -> memref<80xi32, #tpu.memory_space<hbm>>
        %dma_wait3A_678 = tpu.memref_slice %arg3[%add3A_549] : memref<320000xi32, #tpu.memory_space<hbm>> -> memref<80xi32, #tpu.memory_space<hbm>>
        tpu.wait_dma2 semaphore(%run_scoped3A : memref<!tpu.dma_semaphore, #tpu.memory_space<semaphore_mem>>) src(%dma_wait3A_678 : memref<80xi32, #tpu.memory_space<hbm>>) dst(%arg10 : memref<80xi32, #tpu.memory_space<vmem>>)
        tpu.yield
      }) : () -> ()
      %dma_start3A_550 = arith.constant 0 : i32
      %dma_start3A_551 = arith.constant 0 : i32
      %dma_start3A_552 = tpu.memref_slice %arg2[%dma_start3A_550, %dma_start3A_551] : memref<20000x128xf32, #tpu.memory_space<hbm>> -> memref<20000x128xf32, #tpu.memory_space<hbm>>
      tpu.enqueue_indirect_dma source(%dma_start3A_552 : memref<20000x128xf32, #tpu.memory_space<hbm>>) target(%arg17 : memref<80x128xf32, #tpu.memory_space<vmem>>) offsets(%arg10 : memref<80xi32, #tpu.memory_space<vmem>>) semaphore(%arg21 : memref<!tpu.dma_semaphore, #tpu.memory_space<semaphore_mem>>)
      %dma_wait3A_553 = arith.constant 0 : i32
      %dma_wait3A_554 = arith.constant 0 : i32
      %dma_wait3A_555 = tpu.memref_slice %arg2[%dma_wait3A_553, %dma_wait3A_554] : memref<20000x128xf32, #tpu.memory_space<hbm>> -> memref<20000x128xf32, #tpu.memory_space<hbm>>
      tpu.wait_indirect_dma semaphore(%arg20 : memref<!tpu.dma_semaphore, #tpu.memory_space<semaphore_mem>>) src(%dma_wait3A_555 : memref<20000x128xf32, #tpu.memory_space<hbm>>) dst(%arg15 : memref<80x128xf32, #tpu.memory_space<vmem>>)
      "tpu.region"() ({
        %run_scoped3A = tpu.sem_alloc : memref<!tpu.dma_semaphore, #tpu.memory_space<semaphore_mem>>
        %dma_start3A_675 = arith.constant 0 : i32
        %dma_start3A_676 = arith.constant 0 : i32
        %dma_start3A_677 = tpu.memref_slice %arg8[%dma_start3A_675, %dma_start3A_676] : memref<3464x128xf32, #tpu.memory_space<vmem_shared>> -> memref<3464x128xf32, #tpu.memory_space<vmem_shared>>
        tpu.enqueue_indirect_dma source(%arg15 : memref<80x128xf32, #tpu.memory_space<vmem>>) target(%dma_start3A_677 : memref<3464x128xf32, #tpu.memory_space<vmem_shared>>) offsets(%arg13 : memref<80xi32, #tpu.memory_space<vmem>>) semaphore(%run_scoped3A : memref<!tpu.dma_semaphore, #tpu.memory_space<semaphore_mem>>) {add = true}
        %dma_wait3A_678 = arith.constant 0 : i32
        %dma_wait3A_679 = arith.constant 0 : i32
        %dma_wait3A_680 = tpu.memref_slice %arg8[%dma_wait3A_678, %dma_wait3A_679] : memref<3464x128xf32, #tpu.memory_space<vmem_shared>> -> memref<3464x128xf32, #tpu.memory_space<vmem_shared>>
        tpu.wait_indirect_dma semaphore(%run_scoped3A : memref<!tpu.dma_semaphore, #tpu.memory_space<semaphore_mem>>) src(%arg15 : memref<80x128xf32, #tpu.memory_space<vmem>>) dst(%dma_wait3A_680 : memref<3464x128xf32, #tpu.memory_space<vmem_shared>>)
        tpu.yield
      }) : () -> ()
      %add3A_556 = arith.constant 1 : i32
      %add3A_557 = arith.addi %add3A_440, %add3A_556 : i32
      %mul3A_558 = arith.constant 80 : i32
      %mul3A_559 = arith.muli %add3A_557, %mul3A_558 : i32
      %add3A_560 = arith.addi %mul3A_6, %mul3A_559 : i32
      "tpu.region"() ({
        %run_scoped3A = tpu.sem_alloc : memref<!tpu.dma_semaphore, #tpu.memory_space<semaphore_mem>>
        %dma_start3A_675 = tpu.memref_slice %arg4[%add3A_560] : memref<160000xi32, #tpu.memory_space<hbm>> -> memref<80xi32, #tpu.memory_space<hbm>>
        %dma_start3A_676 = tpu.memref_slice %arg4[%add3A_560] : memref<160000xi32, #tpu.memory_space<hbm>> -> memref<80xi32, #tpu.memory_space<hbm>>
        tpu.enqueue_dma source(%dma_start3A_676 : memref<80xi32, #tpu.memory_space<hbm>>) target(%arg11 : memref<80xi32, #tpu.memory_space<vmem>>) target_semaphore(%run_scoped3A : memref<!tpu.dma_semaphore, #tpu.memory_space<semaphore_mem>>)
        %dma_wait3A_677 = tpu.memref_slice %arg4[%add3A_560] : memref<160000xi32, #tpu.memory_space<hbm>> -> memref<80xi32, #tpu.memory_space<hbm>>
        %dma_wait3A_678 = tpu.memref_slice %arg4[%add3A_560] : memref<160000xi32, #tpu.memory_space<hbm>> -> memref<80xi32, #tpu.memory_space<hbm>>
        tpu.wait_dma2 semaphore(%run_scoped3A : memref<!tpu.dma_semaphore, #tpu.memory_space<semaphore_mem>>) src(%dma_wait3A_678 : memref<80xi32, #tpu.memory_space<hbm>>) dst(%arg11 : memref<80xi32, #tpu.memory_space<vmem>>)
        tpu.yield
      }) : () -> ()
      %get3A_561 = arith.constant 0 : index
      %get3A_562 = tpu.vector_load %arg11[%get3A_561] {strides = array<i32>} : memref<80xi32, #tpu.memory_space<vmem>>, vector<16xi32>,
      %get3A_563 = vector.shape_cast %get3A_562 : vector<16xi32> to vector<16xi32>
      %sub3A_564 = arith.constant 3456 : i32
      %sub3A_565 = vector.broadcast %sub3A_564 : i32 to vector<16xi32>
      %sub3A_566 = arith.subi %get3A_563, %sub3A_565 : vector<16xi32>
      %ge3A_567 = arith.constant 0 : i32
      %ge3A_568 = vector.broadcast %ge3A_567 : i32 to vector<16xi32>
      %ge3A_569 = arith.cmpi sge, %sub3A_566, %ge3A_568 : vector<16xi32>
      %lt3A_570 = arith.constant 3456 : i32
      %lt3A_571 = vector.broadcast %lt3A_570 : i32 to vector<16xi32>
      %lt3A_572 = arith.cmpi slt, %sub3A_566, %lt3A_571 : vector<16xi32>
      %and3A_573 = arith.andi %ge3A_569, %lt3A_572 : vector<16xi1>
      %jit3A_574 = arith.constant 3456 : i32
      %broadcast_in_dim3A_575 = vector.broadcast %jit3A_574 : i32 to vector<16xi32>
      %select_n3A_576 = arith.select %and3A_573, %sub3A_566, %broadcast_in_dim3A_575 : vector<16xi1>, vector<16xi32>
      %swap3A_577 = arith.constant 0 : index
      %swap3A_578 = tpu.vector_load %arg13[%swap3A_577] {strides = array<i32>} : memref<80xi32, #tpu.memory_space<vmem>>, vector<16xi32>,
      %swap3A_579 = vector.shape_cast %swap3A_578 : vector<16xi32> to vector<16xi32>
      %swap3A_580 = vector.shape_cast %select_n3A_576 : vector<16xi32> to vector<16xi32>
      tpu.vector_store %arg13[%swap3A_577], %swap3A_580 {strides = array<i32>} : memref<80xi32, #tpu.memory_space<vmem>>, vector<16xi32>,
      %get3A_581 = arith.constant 16 : index
      %get3A_582 = tpu.vector_load %arg11[%get3A_581] {strides = array<i32>} : memref<80xi32, #tpu.memory_space<vmem>>, vector<16xi32>,
      %get3A_583 = vector.shape_cast %get3A_582 : vector<16xi32> to vector<16xi32>
      %sub3A_584 = arith.constant 3456 : i32
      %sub3A_585 = vector.broadcast %sub3A_584 : i32 to vector<16xi32>
      %sub3A_586 = arith.subi %get3A_583, %sub3A_585 : vector<16xi32>
      %ge3A_587 = arith.constant 0 : i32
      %ge3A_588 = vector.broadcast %ge3A_587 : i32 to vector<16xi32>
      %ge3A_589 = arith.cmpi sge, %sub3A_586, %ge3A_588 : vector<16xi32>
      %lt3A_590 = arith.constant 3456 : i32
      %lt3A_591 = vector.broadcast %lt3A_590 : i32 to vector<16xi32>
      %lt3A_592 = arith.cmpi slt, %sub3A_586, %lt3A_591 : vector<16xi32>
      %and3A_593 = arith.andi %ge3A_589, %lt3A_592 : vector<16xi1>
      %jit3A_594 = arith.constant 3456 : i32
      %broadcast_in_dim3A_595 = vector.broadcast %jit3A_594 : i32 to vector<16xi32>
      %select_n3A_596 = arith.select %and3A_593, %sub3A_586, %broadcast_in_dim3A_595 : vector<16xi1>, vector<16xi32>
      %swap3A_597 = arith.constant 16 : index
      %swap3A_598 = tpu.vector_load %arg13[%swap3A_597] {strides = array<i32>} : memref<80xi32, #tpu.memory_space<vmem>>, vector<16xi32>,
      %swap3A_599 = vector.shape_cast %swap3A_598 : vector<16xi32> to vector<16xi32>
      %swap3A_600 = vector.shape_cast %select_n3A_596 : vector<16xi32> to vector<16xi32>
      tpu.vector_store %arg13[%swap3A_597], %swap3A_600 {strides = array<i32>} : memref<80xi32, #tpu.memory_space<vmem>>, vector<16xi32>,
      %get3A_601 = arith.constant 32 : index
      %get3A_602 = tpu.vector_load %arg11[%get3A_601] {strides = array<i32>} : memref<80xi32, #tpu.memory_space<vmem>>, vector<16xi32>,
      %get3A_603 = vector.shape_cast %get3A_602 : vector<16xi32> to vector<16xi32>
      %sub3A_604 = arith.constant 3456 : i32
      %sub3A_605 = vector.broadcast %sub3A_604 : i32 to vector<16xi32>
      %sub3A_606 = arith.subi %get3A_603, %sub3A_605 : vector<16xi32>
      %ge3A_607 = arith.constant 0 : i32
      %ge3A_608 = vector.broadcast %ge3A_607 : i32 to vector<16xi32>
      %ge3A_609 = arith.cmpi sge, %sub3A_606, %ge3A_608 : vector<16xi32>
      %lt3A_610 = arith.constant 3456 : i32
      %lt3A_611 = vector.broadcast %lt3A_610 : i32 to vector<16xi32>
      %lt3A_612 = arith.cmpi slt, %sub3A_606, %lt3A_611 : vector<16xi32>
      %and3A_613 = arith.andi %ge3A_609, %lt3A_612 : vector<16xi1>
      %jit3A_614 = arith.constant 3456 : i32
      %broadcast_in_dim3A_615 = vector.broadcast %jit3A_614 : i32 to vector<16xi32>
      %select_n3A_616 = arith.select %and3A_613, %sub3A_606, %broadcast_in_dim3A_615 : vector<16xi1>, vector<16xi32>
      %swap3A_617 = arith.constant 32 : index
      %swap3A_618 = tpu.vector_load %arg13[%swap3A_617] {strides = array<i32>} : memref<80xi32, #tpu.memory_space<vmem>>, vector<16xi32>,
      %swap3A_619 = vector.shape_cast %swap3A_618 : vector<16xi32> to vector<16xi32>
      %swap3A_620 = vector.shape_cast %select_n3A_616 : vector<16xi32> to vector<16xi32>
      tpu.vector_store %arg13[%swap3A_617], %swap3A_620 {strides = array<i32>} : memref<80xi32, #tpu.memory_space<vmem>>, vector<16xi32>,
      %get3A_621 = arith.constant 48 : index
      %get3A_622 = tpu.vector_load %arg11[%get3A_621] {strides = array<i32>} : memref<80xi32, #tpu.memory_space<vmem>>, vector<16xi32>,
      %get3A_623 = vector.shape_cast %get3A_622 : vector<16xi32> to vector<16xi32>
      %sub3A_624 = arith.constant 3456 : i32
      %sub3A_625 = vector.broadcast %sub3A_624 : i32 to vector<16xi32>
      %sub3A_626 = arith.subi %get3A_623, %sub3A_625 : vector<16xi32>
      %ge3A_627 = arith.constant 0 : i32
      %ge3A_628 = vector.broadcast %ge3A_627 : i32 to vector<16xi32>
      %ge3A_629 = arith.cmpi sge, %sub3A_626, %ge3A_628 : vector<16xi32>
      %lt3A_630 = arith.constant 3456 : i32
      %lt3A_631 = vector.broadcast %lt3A_630 : i32 to vector<16xi32>
      %lt3A_632 = arith.cmpi slt, %sub3A_626, %lt3A_631 : vector<16xi32>
      %and3A_633 = arith.andi %ge3A_629, %lt3A_632 : vector<16xi1>
      %jit3A_634 = arith.constant 3456 : i32
      %broadcast_in_dim3A_635 = vector.broadcast %jit3A_634 : i32 to vector<16xi32>
      %select_n3A_636 = arith.select %and3A_633, %sub3A_626, %broadcast_in_dim3A_635 : vector<16xi1>, vector<16xi32>
      %swap3A_637 = arith.constant 48 : index
      %swap3A_638 = tpu.vector_load %arg13[%swap3A_637] {strides = array<i32>} : memref<80xi32, #tpu.memory_space<vmem>>, vector<16xi32>,
      %swap3A_639 = vector.shape_cast %swap3A_638 : vector<16xi32> to vector<16xi32>
      %swap3A_640 = vector.shape_cast %select_n3A_636 : vector<16xi32> to vector<16xi32>
      tpu.vector_store %arg13[%swap3A_637], %swap3A_640 {strides = array<i32>} : memref<80xi32, #tpu.memory_space<vmem>>, vector<16xi32>,
      %get3A_641 = arith.constant 64 : index
      %get3A_642 = tpu.vector_load %arg11[%get3A_641] {strides = array<i32>} : memref<80xi32, #tpu.memory_space<vmem>>, vector<16xi32>,
      %get3A_643 = vector.shape_cast %get3A_642 : vector<16xi32> to vector<16xi32>
      %sub3A_644 = arith.constant 3456 : i32
      %sub3A_645 = vector.broadcast %sub3A_644 : i32 to vector<16xi32>
      %sub3A_646 = arith.subi %get3A_643, %sub3A_645 : vector<16xi32>
      %ge3A_647 = arith.constant 0 : i32
      %ge3A_648 = vector.broadcast %ge3A_647 : i32 to vector<16xi32>
      %ge3A_649 = arith.cmpi sge, %sub3A_646, %ge3A_648 : vector<16xi32>
      %lt3A_650 = arith.constant 3456 : i32
      %lt3A_651 = vector.broadcast %lt3A_650 : i32 to vector<16xi32>
      %lt3A_652 = arith.cmpi slt, %sub3A_646, %lt3A_651 : vector<16xi32>
      %and3A_653 = arith.andi %ge3A_649, %lt3A_652 : vector<16xi1>
      %jit3A_654 = arith.constant 3456 : i32
      %broadcast_in_dim3A_655 = vector.broadcast %jit3A_654 : i32 to vector<16xi32>
      %select_n3A_656 = arith.select %and3A_653, %sub3A_646, %broadcast_in_dim3A_655 : vector<16xi1>, vector<16xi32>
      %swap3A_657 = arith.constant 64 : index
      %swap3A_658 = tpu.vector_load %arg13[%swap3A_657] {strides = array<i32>} : memref<80xi32, #tpu.memory_space<vmem>>, vector<16xi32>,
      %swap3A_659 = vector.shape_cast %swap3A_658 : vector<16xi32> to vector<16xi32>
      %swap3A_660 = vector.shape_cast %select_n3A_656 : vector<16xi32> to vector<16xi32>
      tpu.vector_store %arg13[%swap3A_657], %swap3A_660 {strides = array<i32>} : memref<80xi32, #tpu.memory_space<vmem>>, vector<16xi32>,
      %add3A_661 = arith.constant 1 : i32
      %add3A_662 = arith.addi %add3A_440, %add3A_661 : i32
      %mul3A_663 = arith.constant 80 : i32
      %mul3A_664 = arith.muli %add3A_662, %mul3A_663 : i32
      %add3A_665 = arith.addi %mul3A_6, %mul3A_664 : i32
      %mul3A_666 = arith.constant 160000 : i32
      %mul3A_667 = arith.muli %arg0, %mul3A_666 : i32
      %add3A_668 = arith.addi %mul3A_667, %add3A_665 : i32
      "tpu.region"() ({
        %run_scoped3A = tpu.sem_alloc : memref<!tpu.dma_semaphore, #tpu.memory_space<semaphore_mem>>
        %dma_start3A_675 = tpu.memref_slice %arg3[%add3A_668] : memref<320000xi32, #tpu.memory_space<hbm>> -> memref<80xi32, #tpu.memory_space<hbm>>
        %dma_start3A_676 = tpu.memref_slice %arg3[%add3A_668] : memref<320000xi32, #tpu.memory_space<hbm>> -> memref<80xi32, #tpu.memory_space<hbm>>
        tpu.enqueue_dma source(%dma_start3A_676 : memref<80xi32, #tpu.memory_space<hbm>>) target(%arg9 : memref<80xi32, #tpu.memory_space<vmem>>) target_semaphore(%run_scoped3A : memref<!tpu.dma_semaphore, #tpu.memory_space<semaphore_mem>>)
        %dma_wait3A_677 = tpu.memref_slice %arg3[%add3A_668] : memref<320000xi32, #tpu.memory_space<hbm>> -> memref<80xi32, #tpu.memory_space<hbm>>
        %dma_wait3A_678 = tpu.memref_slice %arg3[%add3A_668] : memref<320000xi32, #tpu.memory_space<hbm>> -> memref<80xi32, #tpu.memory_space<hbm>>
        tpu.wait_dma2 semaphore(%run_scoped3A : memref<!tpu.dma_semaphore, #tpu.memory_space<semaphore_mem>>) src(%dma_wait3A_678 : memref<80xi32, #tpu.memory_space<hbm>>) dst(%arg9 : memref<80xi32, #tpu.memory_space<vmem>>)
        tpu.yield
      }) : () -> ()
      %dma_start3A_669 = arith.constant 0 : i32
      %dma_start3A_670 = arith.constant 0 : i32
      %dma_start3A_671 = tpu.memref_slice %arg2[%dma_start3A_669, %dma_start3A_670] : memref<20000x128xf32, #tpu.memory_space<hbm>> -> memref<20000x128xf32, #tpu.memory_space<hbm>>
      tpu.enqueue_indirect_dma source(%dma_start3A_671 : memref<20000x128xf32, #tpu.memory_space<hbm>>) target(%arg15 : memref<80x128xf32, #tpu.memory_space<vmem>>) offsets(%arg9 : memref<80xi32, #tpu.memory_space<vmem>>) semaphore(%arg20 : memref<!tpu.dma_semaphore, #tpu.memory_space<semaphore_mem>>)
      %dma_wait3A_672 = arith.constant 0 : i32
      %dma_wait3A_673 = arith.constant 0 : i32
      %dma_wait3A_674 = tpu.memref_slice %arg2[%dma_wait3A_672, %dma_wait3A_673] : memref<20000x128xf32, #tpu.memory_space<hbm>> -> memref<20000x128xf32, #tpu.memory_space<hbm>>
      tpu.wait_indirect_dma semaphore(%arg21 : memref<!tpu.dma_semaphore, #tpu.memory_space<semaphore_mem>>) src(%dma_wait3A_674 : memref<20000x128xf32, #tpu.memory_space<hbm>>) dst(%arg17 : memref<80x128xf32, #tpu.memory_space<vmem>>)
      "tpu.region"() ({
        %run_scoped3A = tpu.sem_alloc : memref<!tpu.dma_semaphore, #tpu.memory_space<semaphore_mem>>
        %dma_start3A_675 = arith.constant 0 : i32
        %dma_start3A_676 = arith.constant 0 : i32
        %dma_start3A_677 = tpu.memref_slice %arg8[%dma_start3A_675, %dma_start3A_676] : memref<3464x128xf32, #tpu.memory_space<vmem_shared>> -> memref<3464x128xf32, #tpu.memory_space<vmem_shared>>
        tpu.enqueue_indirect_dma source(%arg17 : memref<80x128xf32, #tpu.memory_space<vmem>>) target(%dma_start3A_677 : memref<3464x128xf32, #tpu.memory_space<vmem_shared>>) offsets(%arg14 : memref<80xi32, #tpu.memory_space<vmem>>) semaphore(%run_scoped3A : memref<!tpu.dma_semaphore, #tpu.memory_space<semaphore_mem>>) {add = true}
        %dma_wait3A_678 = arith.constant 0 : i32
        %dma_wait3A_679 = arith.constant 0 : i32
        %dma_wait3A_680 = tpu.memref_slice %arg8[%dma_wait3A_678, %dma_wait3A_679] : memref<3464x128xf32, #tpu.memory_space<vmem_shared>> -> memref<3464x128xf32, #tpu.memory_space<vmem_shared>>
        tpu.wait_indirect_dma semaphore(%run_scoped3A : memref<!tpu.dma_semaphore, #tpu.memory_space<semaphore_mem>>) src(%arg17 : memref<80x128xf32, #tpu.memory_space<vmem>>) dst(%dma_wait3A_680 : memref<3464x128xf32, #tpu.memory_space<vmem_shared>>)
        tpu.yield
      }) : () -> ()
    }
    %scan3A_248 = arith.constant 62 : i32
    %dma_wait3A_249 = arith.constant 0 : i32
    %dma_wait3A_250 = arith.constant 0 : i32
    %dma_wait3A_251 = tpu.memref_slice %arg2[%dma_wait3A_249, %dma_wait3A_250] : memref<20000x128xf32, #tpu.memory_space<hbm>> -> memref<20000x128xf32, #tpu.memory_space<hbm>>
    tpu.wait_indirect_dma semaphore(%arg20 : memref<!tpu.dma_semaphore, #tpu.memory_space<semaphore_mem>>) src(%dma_wait3A_251 : memref<20000x128xf32, #tpu.memory_space<hbm>>) dst(%arg15 : memref<80x128xf32, #tpu.memory_space<vmem>>)
    "tpu.region"() ({
      %run_scoped3A = tpu.sem_alloc : memref<!tpu.dma_semaphore, #tpu.memory_space<semaphore_mem>>
      %dma_start3A_436 = arith.constant 0 : i32
      %dma_start3A_437 = arith.constant 0 : i32
      %dma_start3A_438 = tpu.memref_slice %arg8[%dma_start3A_436, %dma_start3A_437] : memref<3464x128xf32, #tpu.memory_space<vmem_shared>> -> memref<3464x128xf32, #tpu.memory_space<vmem_shared>>
      tpu.enqueue_indirect_dma source(%arg15 : memref<80x128xf32, #tpu.memory_space<vmem>>) target(%dma_start3A_438 : memref<3464x128xf32, #tpu.memory_space<vmem_shared>>) offsets(%arg13 : memref<80xi32, #tpu.memory_space<vmem>>) semaphore(%run_scoped3A : memref<!tpu.dma_semaphore, #tpu.memory_space<semaphore_mem>>) {add = true}
      %dma_wait3A_439 = arith.constant 0 : i32
      %dma_wait3A_440 = arith.constant 0 : i32
      %dma_wait3A_441 = tpu.memref_slice %arg8[%dma_wait3A_439, %dma_wait3A_440] : memref<3464x128xf32, #tpu.memory_space<vmem_shared>> -> memref<3464x128xf32, #tpu.memory_space<vmem_shared>>
      tpu.wait_indirect_dma semaphore(%run_scoped3A : memref<!tpu.dma_semaphore, #tpu.memory_space<semaphore_mem>>) src(%arg15 : memref<80x128xf32, #tpu.memory_space<vmem>>) dst(%dma_wait3A_441 : memref<3464x128xf32, #tpu.memory_space<vmem_shared>>)
      tpu.yield
    }) : () -> ()
    %barrier3A_252 = arith.constant 0 : index
    tpu.barrier barrier_id(%barrier3A_252)
    %mul3A_253 = arith.constant 10368 : i32
    %mul3A_254 = arith.muli %arg0, %mul3A_253 : i32
    %add3A_255 = arith.constant 3456 : i32
    %add3A_256 = arith.addi %mul3A_254, %add3A_255 : i32
    %mul3A_257 = arith.constant 216 : i32
    %mul3A_258 = arith.muli %arg1, %mul3A_257 : i32
    %add3A_259 = arith.addi %add3A_256, %mul3A_258 : i32
    "tpu.region"() ({
      %run_scoped3A = tpu.sem_alloc : memref<!tpu.dma_semaphore, #tpu.memory_space<semaphore_mem>>
      %dma_start3A_436 = arith.constant 0 : i32
      %dma_start3A_437 = tpu.memref_slice %arg6[%add3A_259, %dma_start3A_436] : memref<20736x128xf32, #tpu.memory_space<hbm>> -> memref<216x128xf32, #tpu.memory_space<hbm>>
      %dma_start3A_438 = arith.constant 0 : i32
      %dma_start3A_439 = tpu.memref_slice %arg8[%mul3A_8, %dma_start3A_438] : memref<3464x128xf32, #tpu.memory_space<vmem_shared>> -> memref<216x128xf32, #tpu.memory_space<vmem_shared>>
      tpu.enqueue_dma source(%dma_start3A_439 : memref<216x128xf32, #tpu.memory_space<vmem_shared>>) target(%dma_start3A_437 : memref<216x128xf32, #tpu.memory_space<hbm>>) target_semaphore(%run_scoped3A : memref<!tpu.dma_semaphore, #tpu.memory_space<semaphore_mem>>)
      %dma_wait3A_440 = arith.constant 0 : i32
      %dma_wait3A_441 = tpu.memref_slice %arg6[%add3A_259, %dma_wait3A_440] : memref<20736x128xf32, #tpu.memory_space<hbm>> -> memref<216x128xf32, #tpu.memory_space<hbm>>
      %dma_wait3A_442 = arith.constant 0 : i32
      %dma_wait3A_443 = tpu.memref_slice %arg8[%mul3A_8, %dma_wait3A_442] : memref<3464x128xf32, #tpu.memory_space<vmem_shared>> -> memref<216x128xf32, #tpu.memory_space<vmem_shared>>
      tpu.wait_dma2 semaphore(%run_scoped3A : memref<!tpu.dma_semaphore, #tpu.memory_space<semaphore_mem>>) src(%dma_wait3A_443 : memref<216x128xf32, #tpu.memory_space<vmem_shared>>) dst(%dma_wait3A_441 : memref<216x128xf32, #tpu.memory_space<hbm>>)
      tpu.yield
    }) : () -> ()
    "tpu.region"() ({
      %run_scoped3A = tpu.sem_alloc : memref<!tpu.dma_semaphore, #tpu.memory_space<semaphore_mem>>
      %dma_start3A_436 = arith.constant 0 : i32
      %dma_start3A_437 = tpu.memref_slice %arg8[%mul3A_8, %dma_start3A_436] : memref<3464x128xf32, #tpu.memory_space<vmem_shared>> -> memref<216x128xf32, #tpu.memory_space<vmem_shared>>
      tpu.enqueue_dma source(%arg5 : memref<216x128xf32, #tpu.memory_space<hbm>>) target(%dma_start3A_437 : memref<216x128xf32, #tpu.memory_space<vmem_shared>>) target_semaphore(%run_scoped3A : memref<!tpu.dma_semaphore, #tpu.memory_space<semaphore_mem>>)
      %dma_wait3A_438 = arith.constant 0 : i32
      %dma_wait3A_439 = tpu.memref_slice %arg8[%mul3A_8, %dma_wait3A_438] : memref<3464x128xf32, #tpu.memory_space<vmem_shared>> -> memref<216x128xf32, #tpu.memory_space<vmem_shared>>
      tpu.wait_dma2 semaphore(%run_scoped3A : memref<!tpu.dma_semaphore, #tpu.memory_space<semaphore_mem>>) src(%arg5 : memref<216x128xf32, #tpu.memory_space<hbm>>) dst(%dma_wait3A_439 : memref<216x128xf32, #tpu.memory_space<vmem_shared>>)
      tpu.yield
    }) : () -> ()
    %barrier3A_260 = arith.constant 0 : index
    tpu.barrier barrier_id(%barrier3A_260)
    %add3A_261 = arith.constant 0 : i32
    %add3A_262 = arith.addi %mul3A_6, %add3A_261 : i32
    "tpu.region"() ({
      %run_scoped3A = tpu.sem_alloc : memref<!tpu.dma_semaphore, #tpu.memory_space<semaphore_mem>>
      %dma_start3A_436 = tpu.memref_slice %arg4[%add3A_262] : memref<160000xi32, #tpu.memory_space<hbm>> -> memref<80xi32, #tpu.memory_space<hbm>>
      %dma_start3A_437 = tpu.memref_slice %arg4[%add3A_262] : memref<160000xi32, #tpu.memory_space<hbm>> -> memref<80xi32, #tpu.memory_space<hbm>>
      tpu.enqueue_dma source(%dma_start3A_437 : memref<80xi32, #tpu.memory_space<hbm>>) target(%arg11 : memref<80xi32, #tpu.memory_space<vmem>>) target_semaphore(%run_scoped3A : memref<!tpu.dma_semaphore, #tpu.memory_space<semaphore_mem>>)
      %dma_wait3A_438 = tpu.memref_slice %arg4[%add3A_262] : memref<160000xi32, #tpu.memory_space<hbm>> -> memref<80xi32, #tpu.memory_space<hbm>>
      %dma_wait3A_439 = tpu.memref_slice %arg4[%add3A_262] : memref<160000xi32, #tpu.memory_space<hbm>> -> memref<80xi32, #tpu.memory_space<hbm>>
      tpu.wait_dma2 semaphore(%run_scoped3A : memref<!tpu.dma_semaphore, #tpu.memory_space<semaphore_mem>>) src(%dma_wait3A_439 : memref<80xi32, #tpu.memory_space<hbm>>) dst(%arg11 : memref<80xi32, #tpu.memory_space<vmem>>)
      tpu.yield
    }) : () -> ()
    %get3A_263 = arith.constant 0 : index
    %get3A_264 = tpu.vector_load %arg11[%get3A_263] {strides = array<i32>} : memref<80xi32, #tpu.memory_space<vmem>>, vector<16xi32>,
    %get3A_265 = vector.shape_cast %get3A_264 : vector<16xi32> to vector<16xi32>
    %sub3A_266 = arith.constant 6912 : i32
    %sub3A_267 = vector.broadcast %sub3A_266 : i32 to vector<16xi32>
    %sub3A_268 = arith.subi %get3A_265, %sub3A_267 : vector<16xi32>
    %ge3A_269 = arith.constant 0 : i32
    %ge3A_270 = vector.broadcast %ge3A_269 : i32 to vector<16xi32>
    %ge3A_271 = arith.cmpi sge, %sub3A_268, %ge3A_270 : vector<16xi32>
    %lt3A_272 = arith.constant 3456 : i32
    %lt3A_273 = vector.broadcast %lt3A_272 : i32 to vector<16xi32>
    %lt3A_274 = arith.cmpi slt, %sub3A_268, %lt3A_273 : vector<16xi32>
    %and3A_275 = arith.andi %ge3A_271, %lt3A_274 : vector<16xi1>
    %jit3A_276 = arith.constant 3456 : i32
    %broadcast_in_dim3A_277 = vector.broadcast %jit3A_276 : i32 to vector<16xi32>
    %select_n3A_278 = arith.select %and3A_275, %sub3A_268, %broadcast_in_dim3A_277 : vector<16xi1>, vector<16xi32>
    %swap3A_279 = arith.constant 0 : index
    %swap3A_280 = tpu.vector_load %arg13[%swap3A_279] {strides = array<i32>} : memref<80xi32, #tpu.memory_space<vmem>>, vector<16xi32>,
    %swap3A_281 = vector.shape_cast %swap3A_280 : vector<16xi32> to vector<16xi32>
    %swap3A_282 = vector.shape_cast %select_n3A_278 : vector<16xi32> to vector<16xi32>
    tpu.vector_store %arg13[%swap3A_279], %swap3A_282 {strides = array<i32>} : memref<80xi32, #tpu.memory_space<vmem>>, vector<16xi32>,
    %get3A_283 = arith.constant 16 : index
    %get3A_284 = tpu.vector_load %arg11[%get3A_283] {strides = array<i32>} : memref<80xi32, #tpu.memory_space<vmem>>, vector<16xi32>,
    %get3A_285 = vector.shape_cast %get3A_284 : vector<16xi32> to vector<16xi32>
    %sub3A_286 = arith.constant 6912 : i32
    %sub3A_287 = vector.broadcast %sub3A_286 : i32 to vector<16xi32>
    %sub3A_288 = arith.subi %get3A_285, %sub3A_287 : vector<16xi32>
    %ge3A_289 = arith.constant 0 : i32
    %ge3A_290 = vector.broadcast %ge3A_289 : i32 to vector<16xi32>
    %ge3A_291 = arith.cmpi sge, %sub3A_288, %ge3A_290 : vector<16xi32>
    %lt3A_292 = arith.constant 3456 : i32
    %lt3A_293 = vector.broadcast %lt3A_292 : i32 to vector<16xi32>
    %lt3A_294 = arith.cmpi slt, %sub3A_288, %lt3A_293 : vector<16xi32>
    %and3A_295 = arith.andi %ge3A_291, %lt3A_294 : vector<16xi1>
    %jit3A_296 = arith.constant 3456 : i32
    %broadcast_in_dim3A_297 = vector.broadcast %jit3A_296 : i32 to vector<16xi32>
    %select_n3A_298 = arith.select %and3A_295, %sub3A_288, %broadcast_in_dim3A_297 : vector<16xi1>, vector<16xi32>
    %swap3A_299 = arith.constant 16 : index
    %swap3A_300 = tpu.vector_load %arg13[%swap3A_299] {strides = array<i32>} : memref<80xi32, #tpu.memory_space<vmem>>, vector<16xi32>,
    %swap3A_301 = vector.shape_cast %swap3A_300 : vector<16xi32> to vector<16xi32>
    %swap3A_302 = vector.shape_cast %select_n3A_298 : vector<16xi32> to vector<16xi32>
    tpu.vector_store %arg13[%swap3A_299], %swap3A_302 {strides = array<i32>} : memref<80xi32, #tpu.memory_space<vmem>>, vector<16xi32>,
    %get3A_303 = arith.constant 32 : index
    %get3A_304 = tpu.vector_load %arg11[%get3A_303] {strides = array<i32>} : memref<80xi32, #tpu.memory_space<vmem>>, vector<16xi32>,
    %get3A_305 = vector.shape_cast %get3A_304 : vector<16xi32> to vector<16xi32>
    %sub3A_306 = arith.constant 6912 : i32
    %sub3A_307 = vector.broadcast %sub3A_306 : i32 to vector<16xi32>
    %sub3A_308 = arith.subi %get3A_305, %sub3A_307 : vector<16xi32>
    %ge3A_309 = arith.constant 0 : i32
    %ge3A_310 = vector.broadcast %ge3A_309 : i32 to vector<16xi32>
    %ge3A_311 = arith.cmpi sge, %sub3A_308, %ge3A_310 : vector<16xi32>
    %lt3A_312 = arith.constant 3456 : i32
    %lt3A_313 = vector.broadcast %lt3A_312 : i32 to vector<16xi32>
    %lt3A_314 = arith.cmpi slt, %sub3A_308, %lt3A_313 : vector<16xi32>
    %and3A_315 = arith.andi %ge3A_311, %lt3A_314 : vector<16xi1>
    %jit3A_316 = arith.constant 3456 : i32
    %broadcast_in_dim3A_317 = vector.broadcast %jit3A_316 : i32 to vector<16xi32>
    %select_n3A_318 = arith.select %and3A_315, %sub3A_308, %broadcast_in_dim3A_317 : vector<16xi1>, vector<16xi32>
    %swap3A_319 = arith.constant 32 : index
    %swap3A_320 = tpu.vector_load %arg13[%swap3A_319] {strides = array<i32>} : memref<80xi32, #tpu.memory_space<vmem>>, vector<16xi32>,
    %swap3A_321 = vector.shape_cast %swap3A_320 : vector<16xi32> to vector<16xi32>
    %swap3A_322 = vector.shape_cast %select_n3A_318 : vector<16xi32> to vector<16xi32>
    tpu.vector_store %arg13[%swap3A_319], %swap3A_322 {strides = array<i32>} : memref<80xi32, #tpu.memory_space<vmem>>, vector<16xi32>,
    %get3A_323 = arith.constant 48 : index
    %get3A_324 = tpu.vector_load %arg11[%get3A_323] {strides = array<i32>} : memref<80xi32, #tpu.memory_space<vmem>>, vector<16xi32>,
    %get3A_325 = vector.shape_cast %get3A_324 : vector<16xi32> to vector<16xi32>
    %sub3A_326 = arith.constant 6912 : i32
    %sub3A_327 = vector.broadcast %sub3A_326 : i32 to vector<16xi32>
    %sub3A_328 = arith.subi %get3A_325, %sub3A_327 : vector<16xi32>
    %ge3A_329 = arith.constant 0 : i32
    %ge3A_330 = vector.broadcast %ge3A_329 : i32 to vector<16xi32>
    %ge3A_331 = arith.cmpi sge, %sub3A_328, %ge3A_330 : vector<16xi32>
    %lt3A_332 = arith.constant 3456 : i32
    %lt3A_333 = vector.broadcast %lt3A_332 : i32 to vector<16xi32>
    %lt3A_334 = arith.cmpi slt, %sub3A_328, %lt3A_333 : vector<16xi32>
    %and3A_335 = arith.andi %ge3A_331, %lt3A_334 : vector<16xi1>
    %jit3A_336 = arith.constant 3456 : i32
    %broadcast_in_dim3A_337 = vector.broadcast %jit3A_336 : i32 to vector<16xi32>
    %select_n3A_338 = arith.select %and3A_335, %sub3A_328, %broadcast_in_dim3A_337 : vector<16xi1>, vector<16xi32>
    %swap3A_339 = arith.constant 48 : index
    %swap3A_340 = tpu.vector_load %arg13[%swap3A_339] {strides = array<i32>} : memref<80xi32, #tpu.memory_space<vmem>>, vector<16xi32>,
    %swap3A_341 = vector.shape_cast %swap3A_340 : vector<16xi32> to vector<16xi32>
    %swap3A_342 = vector.shape_cast %select_n3A_338 : vector<16xi32> to vector<16xi32>
    tpu.vector_store %arg13[%swap3A_339], %swap3A_342 {strides = array<i32>} : memref<80xi32, #tpu.memory_space<vmem>>, vector<16xi32>,
    %get3A_343 = arith.constant 64 : index
    %get3A_344 = tpu.vector_load %arg11[%get3A_343] {strides = array<i32>} : memref<80xi32, #tpu.memory_space<vmem>>, vector<16xi32>,
    %get3A_345 = vector.shape_cast %get3A_344 : vector<16xi32> to vector<16xi32>
    %sub3A_346 = arith.constant 6912 : i32
    %sub3A_347 = vector.broadcast %sub3A_346 : i32 to vector<16xi32>
    %sub3A_348 = arith.subi %get3A_345, %sub3A_347 : vector<16xi32>
    %ge3A_349 = arith.constant 0 : i32
    %ge3A_350 = vector.broadcast %ge3A_349 : i32 to vector<16xi32>
    %ge3A_351 = arith.cmpi sge, %sub3A_348, %ge3A_350 : vector<16xi32>
    %lt3A_352 = arith.constant 3456 : i32
    %lt3A_353 = vector.broadcast %lt3A_352 : i32 to vector<16xi32>
    %lt3A_354 = arith.cmpi slt, %sub3A_348, %lt3A_353 : vector<16xi32>
    %and3A_355 = arith.andi %ge3A_351, %lt3A_354 : vector<16xi1>
    %jit3A_356 = arith.constant 3456 : i32
    %broadcast_in_dim3A_357 = vector.broadcast %jit3A_356 : i32 to vector<16xi32>
    %select_n3A_358 = arith.select %and3A_355, %sub3A_348, %broadcast_in_dim3A_357 : vector<16xi1>, vector<16xi32>
    %swap3A_359 = arith.constant 64 : index
    %swap3A_360 = tpu.vector_load %arg13[%swap3A_359] {strides = array<i32>} : memref<80xi32, #tpu.memory_space<vmem>>, vector<16xi32>,
    %swap3A_361 = vector.shape_cast %swap3A_360 : vector<16xi32> to vector<16xi32>
    %swap3A_362 = vector.shape_cast %select_n3A_358 : vector<16xi32> to vector<16xi32>
    tpu.vector_store %arg13[%swap3A_359], %swap3A_362 {strides = array<i32>} : memref<80xi32, #tpu.memory_space<vmem>>, vector<16xi32>,
    %add3A_363 = arith.constant 0 : i32
    %add3A_364 = arith.addi %mul3A_6, %add3A_363 : i32
    %mul3A_365 = arith.constant 160000 : i32
    %mul3A_366 = arith.muli %arg0, %mul3A_365 : i32
    %add3A_367 = arith.addi %mul3A_366, %add3A_364 : i32
    "tpu.region"() ({
      %run_scoped3A = tpu.sem_alloc : memref<!tpu.dma_semaphore, #tpu.memory_space<semaphore_mem>>
      %dma_start3A_436 = tpu.memref_slice %arg3[%add3A_367] : memref<320000xi32, #tpu.memory_space<hbm>> -> memref<80xi32, #tpu.memory_space<hbm>>
      %dma_start3A_437 = tpu.memref_slice %arg3[%add3A_367] : memref<320000xi32, #tpu.memory_space<hbm>> -> memref<80xi32, #tpu.memory_space<hbm>>
      tpu.enqueue_dma source(%dma_start3A_437 : memref<80xi32, #tpu.memory_space<hbm>>) target(%arg9 : memref<80xi32, #tpu.memory_space<vmem>>) target_semaphore(%run_scoped3A : memref<!tpu.dma_semaphore, #tpu.memory_space<semaphore_mem>>)
      %dma_wait3A_438 = tpu.memref_slice %arg3[%add3A_367] : memref<320000xi32, #tpu.memory_space<hbm>> -> memref<80xi32, #tpu.memory_space<hbm>>
      %dma_wait3A_439 = tpu.memref_slice %arg3[%add3A_367] : memref<320000xi32, #tpu.memory_space<hbm>> -> memref<80xi32, #tpu.memory_space<hbm>>
      tpu.wait_dma2 semaphore(%run_scoped3A : memref<!tpu.dma_semaphore, #tpu.memory_space<semaphore_mem>>) src(%dma_wait3A_439 : memref<80xi32, #tpu.memory_space<hbm>>) dst(%arg9 : memref<80xi32, #tpu.memory_space<vmem>>)
      tpu.yield
    }) : () -> ()
    %dma_start3A_368 = arith.constant 0 : i32
    %dma_start3A_369 = arith.constant 0 : i32
    %dma_start3A_370 = tpu.memref_slice %arg2[%dma_start3A_368, %dma_start3A_369] : memref<20000x128xf32, #tpu.memory_space<hbm>> -> memref<20000x128xf32, #tpu.memory_space<hbm>>
    tpu.enqueue_indirect_dma source(%dma_start3A_370 : memref<20000x128xf32, #tpu.memory_space<hbm>>) target(%arg15 : memref<80x128xf32, #tpu.memory_space<vmem>>) offsets(%arg9 : memref<80xi32, #tpu.memory_space<vmem>>) semaphore(%arg20 : memref<!tpu.dma_semaphore, #tpu.memory_space<semaphore_mem>>)
    %scan3A_371 = arith.constant 0 : i32
    %scan3A_372 = arith.constant 0 : i32
    %scan3A_373 = arith.constant 62 : i32
    %scan3A_374 = arith.addi %scan3A_372, %scan3A_373 : i32
    %scan3A_375 = arith.constant 1 : i32
    scf.for %scan3A_436 = %scan3A_372 to %scan3A_374 step %scan3A_375  : i32 {
      %mul3A_437 = arith.constant 2 : i32
      %mul3A_438 = arith.muli %mul3A_437, %scan3A_436 : i32
      %add3A_439 = arith.constant 1 : i32
      %add3A_440 = arith.addi %mul3A_438, %add3A_439 : i32
      %mul3A_441 = arith.constant 80 : i32
      %mul3A_442 = arith.muli %add3A_440, %mul3A_441 : i32
      %add3A_443 = arith.addi %mul3A_6, %mul3A_442 : i32
      "tpu.region"() ({
        %run_scoped3A = tpu.sem_alloc : memref<!tpu.dma_semaphore, #tpu.memory_space<semaphore_mem>>
        %dma_start3A_675 = tpu.memref_slice %arg4[%add3A_443] : memref<160000xi32, #tpu.memory_space<hbm>> -> memref<80xi32, #tpu.memory_space<hbm>>
        %dma_start3A_676 = tpu.memref_slice %arg4[%add3A_443] : memref<160000xi32, #tpu.memory_space<hbm>> -> memref<80xi32, #tpu.memory_space<hbm>>
        tpu.enqueue_dma source(%dma_start3A_676 : memref<80xi32, #tpu.memory_space<hbm>>) target(%arg12 : memref<80xi32, #tpu.memory_space<vmem>>) target_semaphore(%run_scoped3A : memref<!tpu.dma_semaphore, #tpu.memory_space<semaphore_mem>>)
        %dma_wait3A_677 = tpu.memref_slice %arg4[%add3A_443] : memref<160000xi32, #tpu.memory_space<hbm>> -> memref<80xi32, #tpu.memory_space<hbm>>
        %dma_wait3A_678 = tpu.memref_slice %arg4[%add3A_443] : memref<160000xi32, #tpu.memory_space<hbm>> -> memref<80xi32, #tpu.memory_space<hbm>>
        tpu.wait_dma2 semaphore(%run_scoped3A : memref<!tpu.dma_semaphore, #tpu.memory_space<semaphore_mem>>) src(%dma_wait3A_678 : memref<80xi32, #tpu.memory_space<hbm>>) dst(%arg12 : memref<80xi32, #tpu.memory_space<vmem>>)
        tpu.yield
      }) : () -> ()
      %get3A_444 = arith.constant 0 : index
      %get3A_445 = tpu.vector_load %arg12[%get3A_444] {strides = array<i32>} : memref<80xi32, #tpu.memory_space<vmem>>, vector<16xi32>,
      %get3A_446 = vector.shape_cast %get3A_445 : vector<16xi32> to vector<16xi32>
      %sub3A_447 = arith.constant 6912 : i32
      %sub3A_448 = vector.broadcast %sub3A_447 : i32 to vector<16xi32>
      %sub3A_449 = arith.subi %get3A_446, %sub3A_448 : vector<16xi32>
      %ge3A_450 = arith.constant 0 : i32
      %ge3A_451 = vector.broadcast %ge3A_450 : i32 to vector<16xi32>
      %ge3A_452 = arith.cmpi sge, %sub3A_449, %ge3A_451 : vector<16xi32>
      %lt3A_453 = arith.constant 3456 : i32
      %lt3A_454 = vector.broadcast %lt3A_453 : i32 to vector<16xi32>
      %lt3A_455 = arith.cmpi slt, %sub3A_449, %lt3A_454 : vector<16xi32>
      %and3A_456 = arith.andi %ge3A_452, %lt3A_455 : vector<16xi1>
      %jit3A_457 = arith.constant 3456 : i32
      %broadcast_in_dim3A_458 = vector.broadcast %jit3A_457 : i32 to vector<16xi32>
      %select_n3A_459 = arith.select %and3A_456, %sub3A_449, %broadcast_in_dim3A_458 : vector<16xi1>, vector<16xi32>
      %swap3A_460 = arith.constant 0 : index
      %swap3A_461 = tpu.vector_load %arg14[%swap3A_460] {strides = array<i32>} : memref<80xi32, #tpu.memory_space<vmem>>, vector<16xi32>,
      %swap3A_462 = vector.shape_cast %swap3A_461 : vector<16xi32> to vector<16xi32>
      %swap3A_463 = vector.shape_cast %select_n3A_459 : vector<16xi32> to vector<16xi32>
      tpu.vector_store %arg14[%swap3A_460], %swap3A_463 {strides = array<i32>} : memref<80xi32, #tpu.memory_space<vmem>>, vector<16xi32>,
      %get3A_464 = arith.constant 16 : index
      %get3A_465 = tpu.vector_load %arg12[%get3A_464] {strides = array<i32>} : memref<80xi32, #tpu.memory_space<vmem>>, vector<16xi32>,
      %get3A_466 = vector.shape_cast %get3A_465 : vector<16xi32> to vector<16xi32>
      %sub3A_467 = arith.constant 6912 : i32
      %sub3A_468 = vector.broadcast %sub3A_467 : i32 to vector<16xi32>
      %sub3A_469 = arith.subi %get3A_466, %sub3A_468 : vector<16xi32>
      %ge3A_470 = arith.constant 0 : i32
      %ge3A_471 = vector.broadcast %ge3A_470 : i32 to vector<16xi32>
      %ge3A_472 = arith.cmpi sge, %sub3A_469, %ge3A_471 : vector<16xi32>
      %lt3A_473 = arith.constant 3456 : i32
      %lt3A_474 = vector.broadcast %lt3A_473 : i32 to vector<16xi32>
      %lt3A_475 = arith.cmpi slt, %sub3A_469, %lt3A_474 : vector<16xi32>
      %and3A_476 = arith.andi %ge3A_472, %lt3A_475 : vector<16xi1>
      %jit3A_477 = arith.constant 3456 : i32
      %broadcast_in_dim3A_478 = vector.broadcast %jit3A_477 : i32 to vector<16xi32>
      %select_n3A_479 = arith.select %and3A_476, %sub3A_469, %broadcast_in_dim3A_478 : vector<16xi1>, vector<16xi32>
      %swap3A_480 = arith.constant 16 : index
      %swap3A_481 = tpu.vector_load %arg14[%swap3A_480] {strides = array<i32>} : memref<80xi32, #tpu.memory_space<vmem>>, vector<16xi32>,
      %swap3A_482 = vector.shape_cast %swap3A_481 : vector<16xi32> to vector<16xi32>
      %swap3A_483 = vector.shape_cast %select_n3A_479 : vector<16xi32> to vector<16xi32>
      tpu.vector_store %arg14[%swap3A_480], %swap3A_483 {strides = array<i32>} : memref<80xi32, #tpu.memory_space<vmem>>, vector<16xi32>,
      %get3A_484 = arith.constant 32 : index
      %get3A_485 = tpu.vector_load %arg12[%get3A_484] {strides = array<i32>} : memref<80xi32, #tpu.memory_space<vmem>>, vector<16xi32>,
      %get3A_486 = vector.shape_cast %get3A_485 : vector<16xi32> to vector<16xi32>
      %sub3A_487 = arith.constant 6912 : i32
      %sub3A_488 = vector.broadcast %sub3A_487 : i32 to vector<16xi32>
      %sub3A_489 = arith.subi %get3A_486, %sub3A_488 : vector<16xi32>
      %ge3A_490 = arith.constant 0 : i32
      %ge3A_491 = vector.broadcast %ge3A_490 : i32 to vector<16xi32>
      %ge3A_492 = arith.cmpi sge, %sub3A_489, %ge3A_491 : vector<16xi32>
      %lt3A_493 = arith.constant 3456 : i32
      %lt3A_494 = vector.broadcast %lt3A_493 : i32 to vector<16xi32>
      %lt3A_495 = arith.cmpi slt, %sub3A_489, %lt3A_494 : vector<16xi32>
      %and3A_496 = arith.andi %ge3A_492, %lt3A_495 : vector<16xi1>
      %jit3A_497 = arith.constant 3456 : i32
      %broadcast_in_dim3A_498 = vector.broadcast %jit3A_497 : i32 to vector<16xi32>
      %select_n3A_499 = arith.select %and3A_496, %sub3A_489, %broadcast_in_dim3A_498 : vector<16xi1>, vector<16xi32>
      %swap3A_500 = arith.constant 32 : index
      %swap3A_501 = tpu.vector_load %arg14[%swap3A_500] {strides = array<i32>} : memref<80xi32, #tpu.memory_space<vmem>>, vector<16xi32>,
      %swap3A_502 = vector.shape_cast %swap3A_501 : vector<16xi32> to vector<16xi32>
      %swap3A_503 = vector.shape_cast %select_n3A_499 : vector<16xi32> to vector<16xi32>
      tpu.vector_store %arg14[%swap3A_500], %swap3A_503 {strides = array<i32>} : memref<80xi32, #tpu.memory_space<vmem>>, vector<16xi32>,
      %get3A_504 = arith.constant 48 : index
      %get3A_505 = tpu.vector_load %arg12[%get3A_504] {strides = array<i32>} : memref<80xi32, #tpu.memory_space<vmem>>, vector<16xi32>,
      %get3A_506 = vector.shape_cast %get3A_505 : vector<16xi32> to vector<16xi32>
      %sub3A_507 = arith.constant 6912 : i32
      %sub3A_508 = vector.broadcast %sub3A_507 : i32 to vector<16xi32>
      %sub3A_509 = arith.subi %get3A_506, %sub3A_508 : vector<16xi32>
      %ge3A_510 = arith.constant 0 : i32
      %ge3A_511 = vector.broadcast %ge3A_510 : i32 to vector<16xi32>
      %ge3A_512 = arith.cmpi sge, %sub3A_509, %ge3A_511 : vector<16xi32>
      %lt3A_513 = arith.constant 3456 : i32
      %lt3A_514 = vector.broadcast %lt3A_513 : i32 to vector<16xi32>
      %lt3A_515 = arith.cmpi slt, %sub3A_509, %lt3A_514 : vector<16xi32>
      %and3A_516 = arith.andi %ge3A_512, %lt3A_515 : vector<16xi1>
      %jit3A_517 = arith.constant 3456 : i32
      %broadcast_in_dim3A_518 = vector.broadcast %jit3A_517 : i32 to vector<16xi32>
      %select_n3A_519 = arith.select %and3A_516, %sub3A_509, %broadcast_in_dim3A_518 : vector<16xi1>, vector<16xi32>
      %swap3A_520 = arith.constant 48 : index
      %swap3A_521 = tpu.vector_load %arg14[%swap3A_520] {strides = array<i32>} : memref<80xi32, #tpu.memory_space<vmem>>, vector<16xi32>,
      %swap3A_522 = vector.shape_cast %swap3A_521 : vector<16xi32> to vector<16xi32>
      %swap3A_523 = vector.shape_cast %select_n3A_519 : vector<16xi32> to vector<16xi32>
      tpu.vector_store %arg14[%swap3A_520], %swap3A_523 {strides = array<i32>} : memref<80xi32, #tpu.memory_space<vmem>>, vector<16xi32>,
      %get3A_524 = arith.constant 64 : index
      %get3A_525 = tpu.vector_load %arg12[%get3A_524] {strides = array<i32>} : memref<80xi32, #tpu.memory_space<vmem>>, vector<16xi32>,
      %get3A_526 = vector.shape_cast %get3A_525 : vector<16xi32> to vector<16xi32>
      %sub3A_527 = arith.constant 6912 : i32
      %sub3A_528 = vector.broadcast %sub3A_527 : i32 to vector<16xi32>
      %sub3A_529 = arith.subi %get3A_526, %sub3A_528 : vector<16xi32>
      %ge3A_530 = arith.constant 0 : i32
      %ge3A_531 = vector.broadcast %ge3A_530 : i32 to vector<16xi32>
      %ge3A_532 = arith.cmpi sge, %sub3A_529, %ge3A_531 : vector<16xi32>
      %lt3A_533 = arith.constant 3456 : i32
      %lt3A_534 = vector.broadcast %lt3A_533 : i32 to vector<16xi32>
      %lt3A_535 = arith.cmpi slt, %sub3A_529, %lt3A_534 : vector<16xi32>
      %and3A_536 = arith.andi %ge3A_532, %lt3A_535 : vector<16xi1>
      %jit3A_537 = arith.constant 3456 : i32
      %broadcast_in_dim3A_538 = vector.broadcast %jit3A_537 : i32 to vector<16xi32>
      %select_n3A_539 = arith.select %and3A_536, %sub3A_529, %broadcast_in_dim3A_538 : vector<16xi1>, vector<16xi32>
      %swap3A_540 = arith.constant 64 : index
      %swap3A_541 = tpu.vector_load %arg14[%swap3A_540] {strides = array<i32>} : memref<80xi32, #tpu.memory_space<vmem>>, vector<16xi32>,
      %swap3A_542 = vector.shape_cast %swap3A_541 : vector<16xi32> to vector<16xi32>
      %swap3A_543 = vector.shape_cast %select_n3A_539 : vector<16xi32> to vector<16xi32>
      tpu.vector_store %arg14[%swap3A_540], %swap3A_543 {strides = array<i32>} : memref<80xi32, #tpu.memory_space<vmem>>, vector<16xi32>,
      %mul3A_544 = arith.constant 80 : i32
      %mul3A_545 = arith.muli %add3A_440, %mul3A_544 : i32
      %add3A_546 = arith.addi %mul3A_6, %mul3A_545 : i32
      %mul3A_547 = arith.constant 160000 : i32
      %mul3A_548 = arith.muli %arg0, %mul3A_547 : i32
      %add3A_549 = arith.addi %mul3A_548, %add3A_546 : i32
      "tpu.region"() ({
        %run_scoped3A = tpu.sem_alloc : memref<!tpu.dma_semaphore, #tpu.memory_space<semaphore_mem>>
        %dma_start3A_675 = tpu.memref_slice %arg3[%add3A_549] : memref<320000xi32, #tpu.memory_space<hbm>> -> memref<80xi32, #tpu.memory_space<hbm>>
        %dma_start3A_676 = tpu.memref_slice %arg3[%add3A_549] : memref<320000xi32, #tpu.memory_space<hbm>> -> memref<80xi32, #tpu.memory_space<hbm>>
        tpu.enqueue_dma source(%dma_start3A_676 : memref<80xi32, #tpu.memory_space<hbm>>) target(%arg10 : memref<80xi32, #tpu.memory_space<vmem>>) target_semaphore(%run_scoped3A : memref<!tpu.dma_semaphore, #tpu.memory_space<semaphore_mem>>)
        %dma_wait3A_677 = tpu.memref_slice %arg3[%add3A_549] : memref<320000xi32, #tpu.memory_space<hbm>> -> memref<80xi32, #tpu.memory_space<hbm>>
        %dma_wait3A_678 = tpu.memref_slice %arg3[%add3A_549] : memref<320000xi32, #tpu.memory_space<hbm>> -> memref<80xi32, #tpu.memory_space<hbm>>
        tpu.wait_dma2 semaphore(%run_scoped3A : memref<!tpu.dma_semaphore, #tpu.memory_space<semaphore_mem>>) src(%dma_wait3A_678 : memref<80xi32, #tpu.memory_space<hbm>>) dst(%arg10 : memref<80xi32, #tpu.memory_space<vmem>>)
        tpu.yield
      }) : () -> ()
      %dma_start3A_550 = arith.constant 0 : i32
      %dma_start3A_551 = arith.constant 0 : i32
      %dma_start3A_552 = tpu.memref_slice %arg2[%dma_start3A_550, %dma_start3A_551] : memref<20000x128xf32, #tpu.memory_space<hbm>> -> memref<20000x128xf32, #tpu.memory_space<hbm>>
      tpu.enqueue_indirect_dma source(%dma_start3A_552 : memref<20000x128xf32, #tpu.memory_space<hbm>>) target(%arg17 : memref<80x128xf32, #tpu.memory_space<vmem>>) offsets(%arg10 : memref<80xi32, #tpu.memory_space<vmem>>) semaphore(%arg21 : memref<!tpu.dma_semaphore, #tpu.memory_space<semaphore_mem>>)
      %dma_wait3A_553 = arith.constant 0 : i32
      %dma_wait3A_554 = arith.constant 0 : i32
      %dma_wait3A_555 = tpu.memref_slice %arg2[%dma_wait3A_553, %dma_wait3A_554] : memref<20000x128xf32, #tpu.memory_space<hbm>> -> memref<20000x128xf32, #tpu.memory_space<hbm>>
      tpu.wait_indirect_dma semaphore(%arg20 : memref<!tpu.dma_semaphore, #tpu.memory_space<semaphore_mem>>) src(%dma_wait3A_555 : memref<20000x128xf32, #tpu.memory_space<hbm>>) dst(%arg15 : memref<80x128xf32, #tpu.memory_space<vmem>>)
      "tpu.region"() ({
        %run_scoped3A = tpu.sem_alloc : memref<!tpu.dma_semaphore, #tpu.memory_space<semaphore_mem>>
        %dma_start3A_675 = arith.constant 0 : i32
        %dma_start3A_676 = arith.constant 0 : i32
        %dma_start3A_677 = tpu.memref_slice %arg8[%dma_start3A_675, %dma_start3A_676] : memref<3464x128xf32, #tpu.memory_space<vmem_shared>> -> memref<3464x128xf32, #tpu.memory_space<vmem_shared>>
        tpu.enqueue_indirect_dma source(%arg15 : memref<80x128xf32, #tpu.memory_space<vmem>>) target(%dma_start3A_677 : memref<3464x128xf32, #tpu.memory_space<vmem_shared>>) offsets(%arg13 : memref<80xi32, #tpu.memory_space<vmem>>) semaphore(%run_scoped3A : memref<!tpu.dma_semaphore, #tpu.memory_space<semaphore_mem>>) {add = true}
        %dma_wait3A_678 = arith.constant 0 : i32
        %dma_wait3A_679 = arith.constant 0 : i32
        %dma_wait3A_680 = tpu.memref_slice %arg8[%dma_wait3A_678, %dma_wait3A_679] : memref<3464x128xf32, #tpu.memory_space<vmem_shared>> -> memref<3464x128xf32, #tpu.memory_space<vmem_shared>>
        tpu.wait_indirect_dma semaphore(%run_scoped3A : memref<!tpu.dma_semaphore, #tpu.memory_space<semaphore_mem>>) src(%arg15 : memref<80x128xf32, #tpu.memory_space<vmem>>) dst(%dma_wait3A_680 : memref<3464x128xf32, #tpu.memory_space<vmem_shared>>)
        tpu.yield
      }) : () -> ()
      %add3A_556 = arith.constant 1 : i32
      %add3A_557 = arith.addi %add3A_440, %add3A_556 : i32
      %mul3A_558 = arith.constant 80 : i32
      %mul3A_559 = arith.muli %add3A_557, %mul3A_558 : i32
      %add3A_560 = arith.addi %mul3A_6, %mul3A_559 : i32
      "tpu.region"() ({
        %run_scoped3A = tpu.sem_alloc : memref<!tpu.dma_semaphore, #tpu.memory_space<semaphore_mem>>
        %dma_start3A_675 = tpu.memref_slice %arg4[%add3A_560] : memref<160000xi32, #tpu.memory_space<hbm>> -> memref<80xi32, #tpu.memory_space<hbm>>
        %dma_start3A_676 = tpu.memref_slice %arg4[%add3A_560] : memref<160000xi32, #tpu.memory_space<hbm>> -> memref<80xi32, #tpu.memory_space<hbm>>
        tpu.enqueue_dma source(%dma_start3A_676 : memref<80xi32, #tpu.memory_space<hbm>>) target(%arg11 : memref<80xi32, #tpu.memory_space<vmem>>) target_semaphore(%run_scoped3A : memref<!tpu.dma_semaphore, #tpu.memory_space<semaphore_mem>>)
        %dma_wait3A_677 = tpu.memref_slice %arg4[%add3A_560] : memref<160000xi32, #tpu.memory_space<hbm>> -> memref<80xi32, #tpu.memory_space<hbm>>
        %dma_wait3A_678 = tpu.memref_slice %arg4[%add3A_560] : memref<160000xi32, #tpu.memory_space<hbm>> -> memref<80xi32, #tpu.memory_space<hbm>>
        tpu.wait_dma2 semaphore(%run_scoped3A : memref<!tpu.dma_semaphore, #tpu.memory_space<semaphore_mem>>) src(%dma_wait3A_678 : memref<80xi32, #tpu.memory_space<hbm>>) dst(%arg11 : memref<80xi32, #tpu.memory_space<vmem>>)
        tpu.yield
      }) : () -> ()
      %get3A_561 = arith.constant 0 : index
      %get3A_562 = tpu.vector_load %arg11[%get3A_561] {strides = array<i32>} : memref<80xi32, #tpu.memory_space<vmem>>, vector<16xi32>,
      %get3A_563 = vector.shape_cast %get3A_562 : vector<16xi32> to vector<16xi32>
      %sub3A_564 = arith.constant 6912 : i32
      %sub3A_565 = vector.broadcast %sub3A_564 : i32 to vector<16xi32>
      %sub3A_566 = arith.subi %get3A_563, %sub3A_565 : vector<16xi32>
      %ge3A_567 = arith.constant 0 : i32
      %ge3A_568 = vector.broadcast %ge3A_567 : i32 to vector<16xi32>
      %ge3A_569 = arith.cmpi sge, %sub3A_566, %ge3A_568 : vector<16xi32>
      %lt3A_570 = arith.constant 3456 : i32
      %lt3A_571 = vector.broadcast %lt3A_570 : i32 to vector<16xi32>
      %lt3A_572 = arith.cmpi slt, %sub3A_566, %lt3A_571 : vector<16xi32>
      %and3A_573 = arith.andi %ge3A_569, %lt3A_572 : vector<16xi1>
      %jit3A_574 = arith.constant 3456 : i32
      %broadcast_in_dim3A_575 = vector.broadcast %jit3A_574 : i32 to vector<16xi32>
      %select_n3A_576 = arith.select %and3A_573, %sub3A_566, %broadcast_in_dim3A_575 : vector<16xi1>, vector<16xi32>
      %swap3A_577 = arith.constant 0 : index
      %swap3A_578 = tpu.vector_load %arg13[%swap3A_577] {strides = array<i32>} : memref<80xi32, #tpu.memory_space<vmem>>, vector<16xi32>,
      %swap3A_579 = vector.shape_cast %swap3A_578 : vector<16xi32> to vector<16xi32>
      %swap3A_580 = vector.shape_cast %select_n3A_576 : vector<16xi32> to vector<16xi32>
      tpu.vector_store %arg13[%swap3A_577], %swap3A_580 {strides = array<i32>} : memref<80xi32, #tpu.memory_space<vmem>>, vector<16xi32>,
      %get3A_581 = arith.constant 16 : index
      %get3A_582 = tpu.vector_load %arg11[%get3A_581] {strides = array<i32>} : memref<80xi32, #tpu.memory_space<vmem>>, vector<16xi32>,
      %get3A_583 = vector.shape_cast %get3A_582 : vector<16xi32> to vector<16xi32>
      %sub3A_584 = arith.constant 6912 : i32
      %sub3A_585 = vector.broadcast %sub3A_584 : i32 to vector<16xi32>
      %sub3A_586 = arith.subi %get3A_583, %sub3A_585 : vector<16xi32>
      %ge3A_587 = arith.constant 0 : i32
      %ge3A_588 = vector.broadcast %ge3A_587 : i32 to vector<16xi32>
      %ge3A_589 = arith.cmpi sge, %sub3A_586, %ge3A_588 : vector<16xi32>
      %lt3A_590 = arith.constant 3456 : i32
      %lt3A_591 = vector.broadcast %lt3A_590 : i32 to vector<16xi32>
      %lt3A_592 = arith.cmpi slt, %sub3A_586, %lt3A_591 : vector<16xi32>
      %and3A_593 = arith.andi %ge3A_589, %lt3A_592 : vector<16xi1>
      %jit3A_594 = arith.constant 3456 : i32
      %broadcast_in_dim3A_595 = vector.broadcast %jit3A_594 : i32 to vector<16xi32>
      %select_n3A_596 = arith.select %and3A_593, %sub3A_586, %broadcast_in_dim3A_595 : vector<16xi1>, vector<16xi32>
      %swap3A_597 = arith.constant 16 : index
      %swap3A_598 = tpu.vector_load %arg13[%swap3A_597] {strides = array<i32>} : memref<80xi32, #tpu.memory_space<vmem>>, vector<16xi32>,
      %swap3A_599 = vector.shape_cast %swap3A_598 : vector<16xi32> to vector<16xi32>
      %swap3A_600 = vector.shape_cast %select_n3A_596 : vector<16xi32> to vector<16xi32>
      tpu.vector_store %arg13[%swap3A_597], %swap3A_600 {strides = array<i32>} : memref<80xi32, #tpu.memory_space<vmem>>, vector<16xi32>,
      %get3A_601 = arith.constant 32 : index
      %get3A_602 = tpu.vector_load %arg11[%get3A_601] {strides = array<i32>} : memref<80xi32, #tpu.memory_space<vmem>>, vector<16xi32>,
      %get3A_603 = vector.shape_cast %get3A_602 : vector<16xi32> to vector<16xi32>
      %sub3A_604 = arith.constant 6912 : i32
      %sub3A_605 = vector.broadcast %sub3A_604 : i32 to vector<16xi32>
      %sub3A_606 = arith.subi %get3A_603, %sub3A_605 : vector<16xi32>
      %ge3A_607 = arith.constant 0 : i32
      %ge3A_608 = vector.broadcast %ge3A_607 : i32 to vector<16xi32>
      %ge3A_609 = arith.cmpi sge, %sub3A_606, %ge3A_608 : vector<16xi32>
      %lt3A_610 = arith.constant 3456 : i32
      %lt3A_611 = vector.broadcast %lt3A_610 : i32 to vector<16xi32>
      %lt3A_612 = arith.cmpi slt, %sub3A_606, %lt3A_611 : vector<16xi32>
      %and3A_613 = arith.andi %ge3A_609, %lt3A_612 : vector<16xi1>
      %jit3A_614 = arith.constant 3456 : i32
      %broadcast_in_dim3A_615 = vector.broadcast %jit3A_614 : i32 to vector<16xi32>
      %select_n3A_616 = arith.select %and3A_613, %sub3A_606, %broadcast_in_dim3A_615 : vector<16xi1>, vector<16xi32>
      %swap3A_617 = arith.constant 32 : index
      %swap3A_618 = tpu.vector_load %arg13[%swap3A_617] {strides = array<i32>} : memref<80xi32, #tpu.memory_space<vmem>>, vector<16xi32>,
      %swap3A_619 = vector.shape_cast %swap3A_618 : vector<16xi32> to vector<16xi32>
      %swap3A_620 = vector.shape_cast %select_n3A_616 : vector<16xi32> to vector<16xi32>
      tpu.vector_store %arg13[%swap3A_617], %swap3A_620 {strides = array<i32>} : memref<80xi32, #tpu.memory_space<vmem>>, vector<16xi32>,
      %get3A_621 = arith.constant 48 : index
      %get3A_622 = tpu.vector_load %arg11[%get3A_621] {strides = array<i32>} : memref<80xi32, #tpu.memory_space<vmem>>, vector<16xi32>,
      %get3A_623 = vector.shape_cast %get3A_622 : vector<16xi32> to vector<16xi32>
      %sub3A_624 = arith.constant 6912 : i32
      %sub3A_625 = vector.broadcast %sub3A_624 : i32 to vector<16xi32>
      %sub3A_626 = arith.subi %get3A_623, %sub3A_625 : vector<16xi32>
      %ge3A_627 = arith.constant 0 : i32
      %ge3A_628 = vector.broadcast %ge3A_627 : i32 to vector<16xi32>
      %ge3A_629 = arith.cmpi sge, %sub3A_626, %ge3A_628 : vector<16xi32>
      %lt3A_630 = arith.constant 3456 : i32
      %lt3A_631 = vector.broadcast %lt3A_630 : i32 to vector<16xi32>
      %lt3A_632 = arith.cmpi slt, %sub3A_626, %lt3A_631 : vector<16xi32>
      %and3A_633 = arith.andi %ge3A_629, %lt3A_632 : vector<16xi1>
      %jit3A_634 = arith.constant 3456 : i32
      %broadcast_in_dim3A_635 = vector.broadcast %jit3A_634 : i32 to vector<16xi32>
      %select_n3A_636 = arith.select %and3A_633, %sub3A_626, %broadcast_in_dim3A_635 : vector<16xi1>, vector<16xi32>
      %swap3A_637 = arith.constant 48 : index
      %swap3A_638 = tpu.vector_load %arg13[%swap3A_637] {strides = array<i32>} : memref<80xi32, #tpu.memory_space<vmem>>, vector<16xi32>,
      %swap3A_639 = vector.shape_cast %swap3A_638 : vector<16xi32> to vector<16xi32>
      %swap3A_640 = vector.shape_cast %select_n3A_636 : vector<16xi32> to vector<16xi32>
      tpu.vector_store %arg13[%swap3A_637], %swap3A_640 {strides = array<i32>} : memref<80xi32, #tpu.memory_space<vmem>>, vector<16xi32>,
      %get3A_641 = arith.constant 64 : index
      %get3A_642 = tpu.vector_load %arg11[%get3A_641] {strides = array<i32>} : memref<80xi32, #tpu.memory_space<vmem>>, vector<16xi32>,
      %get3A_643 = vector.shape_cast %get3A_642 : vector<16xi32> to vector<16xi32>
      %sub3A_644 = arith.constant 6912 : i32
      %sub3A_645 = vector.broadcast %sub3A_644 : i32 to vector<16xi32>
      %sub3A_646 = arith.subi %get3A_643, %sub3A_645 : vector<16xi32>
      %ge3A_647 = arith.constant 0 : i32
      %ge3A_648 = vector.broadcast %ge3A_647 : i32 to vector<16xi32>
      %ge3A_649 = arith.cmpi sge, %sub3A_646, %ge3A_648 : vector<16xi32>
      %lt3A_650 = arith.constant 3456 : i32
      %lt3A_651 = vector.broadcast %lt3A_650 : i32 to vector<16xi32>
      %lt3A_652 = arith.cmpi slt, %sub3A_646, %lt3A_651 : vector<16xi32>
      %and3A_653 = arith.andi %ge3A_649, %lt3A_652 : vector<16xi1>
      %jit3A_654 = arith.constant 3456 : i32
      %broadcast_in_dim3A_655 = vector.broadcast %jit3A_654 : i32 to vector<16xi32>
      %select_n3A_656 = arith.select %and3A_653, %sub3A_646, %broadcast_in_dim3A_655 : vector<16xi1>, vector<16xi32>
      %swap3A_657 = arith.constant 64 : index
      %swap3A_658 = tpu.vector_load %arg13[%swap3A_657] {strides = array<i32>} : memref<80xi32, #tpu.memory_space<vmem>>, vector<16xi32>,
      %swap3A_659 = vector.shape_cast %swap3A_658 : vector<16xi32> to vector<16xi32>
      %swap3A_660 = vector.shape_cast %select_n3A_656 : vector<16xi32> to vector<16xi32>
      tpu.vector_store %arg13[%swap3A_657], %swap3A_660 {strides = array<i32>} : memref<80xi32, #tpu.memory_space<vmem>>, vector<16xi32>,
      %add3A_661 = arith.constant 1 : i32
      %add3A_662 = arith.addi %add3A_440, %add3A_661 : i32
      %mul3A_663 = arith.constant 80 : i32
      %mul3A_664 = arith.muli %add3A_662, %mul3A_663 : i32
      %add3A_665 = arith.addi %mul3A_6, %mul3A_664 : i32
      %mul3A_666 = arith.constant 160000 : i32
      %mul3A_667 = arith.muli %arg0, %mul3A_666 : i32
      %add3A_668 = arith.addi %mul3A_667, %add3A_665 : i32
      "tpu.region"() ({
        %run_scoped3A = tpu.sem_alloc : memref<!tpu.dma_semaphore, #tpu.memory_space<semaphore_mem>>
        %dma_start3A_675 = tpu.memref_slice %arg3[%add3A_668] : memref<320000xi32, #tpu.memory_space<hbm>> -> memref<80xi32, #tpu.memory_space<hbm>>
        %dma_start3A_676 = tpu.memref_slice %arg3[%add3A_668] : memref<320000xi32, #tpu.memory_space<hbm>> -> memref<80xi32, #tpu.memory_space<hbm>>
        tpu.enqueue_dma source(%dma_start3A_676 : memref<80xi32, #tpu.memory_space<hbm>>) target(%arg9 : memref<80xi32, #tpu.memory_space<vmem>>) target_semaphore(%run_scoped3A : memref<!tpu.dma_semaphore, #tpu.memory_space<semaphore_mem>>)
        %dma_wait3A_677 = tpu.memref_slice %arg3[%add3A_668] : memref<320000xi32, #tpu.memory_space<hbm>> -> memref<80xi32, #tpu.memory_space<hbm>>
        %dma_wait3A_678 = tpu.memref_slice %arg3[%add3A_668] : memref<320000xi32, #tpu.memory_space<hbm>> -> memref<80xi32, #tpu.memory_space<hbm>>
        tpu.wait_dma2 semaphore(%run_scoped3A : memref<!tpu.dma_semaphore, #tpu.memory_space<semaphore_mem>>) src(%dma_wait3A_678 : memref<80xi32, #tpu.memory_space<hbm>>) dst(%arg9 : memref<80xi32, #tpu.memory_space<vmem>>)
        tpu.yield
      }) : () -> ()
      %dma_start3A_669 = arith.constant 0 : i32
      %dma_start3A_670 = arith.constant 0 : i32
      %dma_start3A_671 = tpu.memref_slice %arg2[%dma_start3A_669, %dma_start3A_670] : memref<20000x128xf32, #tpu.memory_space<hbm>> -> memref<20000x128xf32, #tpu.memory_space<hbm>>
      tpu.enqueue_indirect_dma source(%dma_start3A_671 : memref<20000x128xf32, #tpu.memory_space<hbm>>) target(%arg15 : memref<80x128xf32, #tpu.memory_space<vmem>>) offsets(%arg9 : memref<80xi32, #tpu.memory_space<vmem>>) semaphore(%arg20 : memref<!tpu.dma_semaphore, #tpu.memory_space<semaphore_mem>>)
      %dma_wait3A_672 = arith.constant 0 : i32
      %dma_wait3A_673 = arith.constant 0 : i32
      %dma_wait3A_674 = tpu.memref_slice %arg2[%dma_wait3A_672, %dma_wait3A_673] : memref<20000x128xf32, #tpu.memory_space<hbm>> -> memref<20000x128xf32, #tpu.memory_space<hbm>>
      tpu.wait_indirect_dma semaphore(%arg21 : memref<!tpu.dma_semaphore, #tpu.memory_space<semaphore_mem>>) src(%dma_wait3A_674 : memref<20000x128xf32, #tpu.memory_space<hbm>>) dst(%arg17 : memref<80x128xf32, #tpu.memory_space<vmem>>)
      "tpu.region"() ({
        %run_scoped3A = tpu.sem_alloc : memref<!tpu.dma_semaphore, #tpu.memory_space<semaphore_mem>>
        %dma_start3A_675 = arith.constant 0 : i32
        %dma_start3A_676 = arith.constant 0 : i32
        %dma_start3A_677 = tpu.memref_slice %arg8[%dma_start3A_675, %dma_start3A_676] : memref<3464x128xf32, #tpu.memory_space<vmem_shared>> -> memref<3464x128xf32, #tpu.memory_space<vmem_shared>>
        tpu.enqueue_indirect_dma source(%arg17 : memref<80x128xf32, #tpu.memory_space<vmem>>) target(%dma_start3A_677 : memref<3464x128xf32, #tpu.memory_space<vmem_shared>>) offsets(%arg14 : memref<80xi32, #tpu.memory_space<vmem>>) semaphore(%run_scoped3A : memref<!tpu.dma_semaphore, #tpu.memory_space<semaphore_mem>>) {add = true}
        %dma_wait3A_678 = arith.constant 0 : i32
        %dma_wait3A_679 = arith.constant 0 : i32
        %dma_wait3A_680 = tpu.memref_slice %arg8[%dma_wait3A_678, %dma_wait3A_679] : memref<3464x128xf32, #tpu.memory_space<vmem_shared>> -> memref<3464x128xf32, #tpu.memory_space<vmem_shared>>
        tpu.wait_indirect_dma semaphore(%run_scoped3A : memref<!tpu.dma_semaphore, #tpu.memory_space<semaphore_mem>>) src(%arg17 : memref<80x128xf32, #tpu.memory_space<vmem>>) dst(%dma_wait3A_680 : memref<3464x128xf32, #tpu.memory_space<vmem_shared>>)
        tpu.yield
      }) : () -> ()
    }
    %scan3A_376 = arith.constant 62 : i32
    %dma_wait3A_377 = arith.constant 0 : i32
    %dma_wait3A_378 = arith.constant 0 : i32
    %dma_wait3A_379 = tpu.memref_slice %arg2[%dma_wait3A_377, %dma_wait3A_378] : memref<20000x128xf32, #tpu.memory_space<hbm>> -> memref<20000x128xf32, #tpu.memory_space<hbm>>
    tpu.wait_indirect_dma semaphore(%arg20 : memref<!tpu.dma_semaphore, #tpu.memory_space<semaphore_mem>>) src(%dma_wait3A_379 : memref<20000x128xf32, #tpu.memory_space<hbm>>) dst(%arg15 : memref<80x128xf32, #tpu.memory_space<vmem>>)
    "tpu.region"() ({
      %run_scoped3A = tpu.sem_alloc : memref<!tpu.dma_semaphore, #tpu.memory_space<semaphore_mem>>
      %dma_start3A_436 = arith.constant 0 : i32
      %dma_start3A_437 = arith.constant 0 : i32
      %dma_start3A_438 = tpu.memref_slice %arg8[%dma_start3A_436, %dma_start3A_437] : memref<3464x128xf32, #tpu.memory_space<vmem_shared>> -> memref<3464x128xf32, #tpu.memory_space<vmem_shared>>
      tpu.enqueue_indirect_dma source(%arg15 : memref<80x128xf32, #tpu.memory_space<vmem>>) target(%dma_start3A_438 : memref<3464x128xf32, #tpu.memory_space<vmem_shared>>) offsets(%arg13 : memref<80xi32, #tpu.memory_space<vmem>>) semaphore(%run_scoped3A : memref<!tpu.dma_semaphore, #tpu.memory_space<semaphore_mem>>) {add = true}
      %dma_wait3A_439 = arith.constant 0 : i32
      %dma_wait3A_440 = arith.constant 0 : i32
      %dma_wait3A_441 = tpu.memref_slice %arg8[%dma_wait3A_439, %dma_wait3A_440] : memref<3464x128xf32, #tpu.memory_space<vmem_shared>> -> memref<3464x128xf32, #tpu.memory_space<vmem_shared>>
      tpu.wait_indirect_dma semaphore(%run_scoped3A : memref<!tpu.dma_semaphore, #tpu.memory_space<semaphore_mem>>) src(%arg15 : memref<80x128xf32, #tpu.memory_space<vmem>>) dst(%dma_wait3A_441 : memref<3464x128xf32, #tpu.memory_space<vmem_shared>>)
      tpu.yield
    }) : () -> ()
    %barrier3A_380 = arith.constant 0 : index
    tpu.barrier barrier_id(%barrier3A_380)
    %mul3A_381 = arith.constant 10368 : i32
    %mul3A_382 = arith.muli %arg0, %mul3A_381 : i32
    %add3A_383 = arith.constant 6912 : i32
    %add3A_384 = arith.addi %mul3A_382, %add3A_383 : i32
    %mul3A_385 = arith.constant 216 : i32
    %mul3A_386 = arith.muli %arg1, %mul3A_385 : i32
    %add3A_387 = arith.addi %add3A_384, %mul3A_386 : i32
    "tpu.region"() ({
      %run_scoped3A = tpu.sem_alloc : memref<!tpu.dma_semaphore, #tpu.memory_space<semaphore_mem>>
      %dma_start3A_436 = arith.constant 0 : i32
      %dma_start3A_437 = tpu.memref_slice %arg6[%add3A_387, %dma_start3A_436] : memref<20736x128xf32, #tpu.memory_space<hbm>> -> memref<216x128xf32, #tpu.memory_space<hbm>>
      %dma_start3A_438 = arith.constant 0 : i32
      %dma_start3A_439 = tpu.memref_slice %arg8[%mul3A_8, %dma_start3A_438] : memref<3464x128xf32, #tpu.memory_space<vmem_shared>> -> memref<216x128xf32, #tpu.memory_space<vmem_shared>>
      tpu.enqueue_dma source(%dma_start3A_439 : memref<216x128xf32, #tpu.memory_space<vmem_shared>>) target(%dma_start3A_437 : memref<216x128xf32, #tpu.memory_space<hbm>>) target_semaphore(%run_scoped3A : memref<!tpu.dma_semaphore, #tpu.memory_space<semaphore_mem>>)
      %dma_wait3A_440 = arith.constant 0 : i32
      %dma_wait3A_441 = tpu.memref_slice %arg6[%add3A_387, %dma_wait3A_440] : memref<20736x128xf32, #tpu.memory_space<hbm>> -> memref<216x128xf32, #tpu.memory_space<hbm>>
      %dma_wait3A_442 = arith.constant 0 : i32
      %dma_wait3A_443 = tpu.memref_slice %arg8[%mul3A_8, %dma_wait3A_442] : memref<3464x128xf32, #tpu.memory_space<vmem_shared>> -> memref<216x128xf32, #tpu.memory_space<vmem_shared>>
      tpu.wait_dma2 semaphore(%run_scoped3A : memref<!tpu.dma_semaphore, #tpu.memory_space<semaphore_mem>>) src(%dma_wait3A_443 : memref<216x128xf32, #tpu.memory_space<vmem_shared>>) dst(%dma_wait3A_441 : memref<216x128xf32, #tpu.memory_space<hbm>>)
      tpu.yield
    }) : () -> ()
    "tpu.region"() ({
      %run_scoped3A = tpu.sem_alloc : memref<!tpu.dma_semaphore, #tpu.memory_space<semaphore_mem>>
      %dma_start3A_436 = arith.constant 0 : i32
      %dma_start3A_437 = tpu.memref_slice %arg8[%mul3A_8, %dma_start3A_436] : memref<3464x128xf32, #tpu.memory_space<vmem_shared>> -> memref<216x128xf32, #tpu.memory_space<vmem_shared>>
      tpu.enqueue_dma source(%arg5 : memref<216x128xf32, #tpu.memory_space<hbm>>) target(%dma_start3A_437 : memref<216x128xf32, #tpu.memory_space<vmem_shared>>) target_semaphore(%run_scoped3A : memref<!tpu.dma_semaphore, #tpu.memory_space<semaphore_mem>>)
      %dma_wait3A_438 = arith.constant 0 : i32
      %dma_wait3A_439 = tpu.memref_slice %arg8[%mul3A_8, %dma_wait3A_438] : memref<3464x128xf32, #tpu.memory_space<vmem_shared>> -> memref<216x128xf32, #tpu.memory_space<vmem_shared>>
      tpu.wait_dma2 semaphore(%run_scoped3A : memref<!tpu.dma_semaphore, #tpu.memory_space<semaphore_mem>>) src(%arg5 : memref<216x128xf32, #tpu.memory_space<hbm>>) dst(%dma_wait3A_439 : memref<216x128xf32, #tpu.memory_space<vmem_shared>>)
      tpu.yield
    }) : () -> ()
    %barrier3A_388 = arith.constant 0 : index
    tpu.barrier barrier_id(%barrier3A_388)
    %scan3A_389 = arith.constant 0 : i32
    %scan3A_390 = arith.constant 0 : i32
    %scan3A_391 = arith.constant 63 : i32
    %scan3A_392 = arith.addi %scan3A_390, %scan3A_391 : i32
    %scan3A_393 = arith.constant 1 : i32
    scf.for %scan3A_436 = %scan3A_390 to %scan3A_392 step %scan3A_393  : i32 {
      %mul3A_437 = arith.constant 2 : i32
      %mul3A_438 = arith.muli %mul3A_437, %scan3A_436 : i32
      %add3A_439 = arith.addi %mul3A_438, %arg0 : i32
      %lt3A_440 = arith.constant 125 : i32
      %lt3A_441 = arith.cmpi slt, %add3A_439, %lt3A_440 : i32
      %convert_element_type3A = arith.extui %lt3A_441 : i1 to i32
      %cond3A = arith.constant 0 : i32
      %cond3A_442 = arith.cmpi ne, %convert_element_type3A, %cond3A : i32
      scf.if %cond3A_442 {
        %mul3A_443 = arith.constant 80 : i32
        %mul3A_444 = arith.muli %add3A_439, %mul3A_443 : i32
        %add3A_445 = arith.addi %mul3A_6, %mul3A_444 : i32
        "tpu.region"() ({
          %run_scoped3A = tpu.sem_alloc : memref<!tpu.dma_semaphore, #tpu.memory_space<semaphore_mem>>
          %dma_start3A_546 = tpu.memref_slice %arg4[%add3A_445] : memref<160000xi32, #tpu.memory_space<hbm>> -> memref<80xi32, #tpu.memory_space<hbm>>
          %dma_start3A_547 = tpu.memref_slice %arg4[%add3A_445] : memref<160000xi32, #tpu.memory_space<hbm>> -> memref<80xi32, #tpu.memory_space<hbm>>
          tpu.enqueue_dma source(%dma_start3A_547 : memref<80xi32, #tpu.memory_space<hbm>>) target(%arg11 : memref<80xi32, #tpu.memory_space<vmem>>) target_semaphore(%run_scoped3A : memref<!tpu.dma_semaphore, #tpu.memory_space<semaphore_mem>>)
          %dma_wait3A_548 = tpu.memref_slice %arg4[%add3A_445] : memref<160000xi32, #tpu.memory_space<hbm>> -> memref<80xi32, #tpu.memory_space<hbm>>
          %dma_wait3A_549 = tpu.memref_slice %arg4[%add3A_445] : memref<160000xi32, #tpu.memory_space<hbm>> -> memref<80xi32, #tpu.memory_space<hbm>>
          tpu.wait_dma2 semaphore(%run_scoped3A : memref<!tpu.dma_semaphore, #tpu.memory_space<semaphore_mem>>) src(%dma_wait3A_549 : memref<80xi32, #tpu.memory_space<hbm>>) dst(%arg11 : memref<80xi32, #tpu.memory_space<vmem>>)
          tpu.yield
        }) : () -> ()
        %get3A_446 = arith.constant 0 : index
        %get3A_447 = tpu.vector_load %arg11[%get3A_446] {strides = array<i32>} : memref<80xi32, #tpu.memory_space<vmem>>, vector<16xi32>,
        %get3A_448 = vector.shape_cast %get3A_447 : vector<16xi32> to vector<16xi32>
        %sub3A_449 = arith.constant 0 : i32
        %sub3A_450 = vector.broadcast %sub3A_449 : i32 to vector<16xi32>
        %sub3A_451 = arith.subi %get3A_448, %sub3A_450 : vector<16xi32>
        %ge3A_452 = arith.constant 0 : i32
        %ge3A_453 = vector.broadcast %ge3A_452 : i32 to vector<16xi32>
        %ge3A_454 = arith.cmpi sge, %sub3A_451, %ge3A_453 : vector<16xi32>
        %lt3A_455 = arith.constant 3456 : i32
        %lt3A_456 = vector.broadcast %lt3A_455 : i32 to vector<16xi32>
        %lt3A_457 = arith.cmpi slt, %sub3A_451, %lt3A_456 : vector<16xi32>
        %and3A_458 = arith.andi %ge3A_454, %lt3A_457 : vector<16xi1>
        %jit3A_459 = arith.constant 3456 : i32
        %broadcast_in_dim3A_460 = vector.broadcast %jit3A_459 : i32 to vector<16xi32>
        %select_n3A_461 = arith.select %and3A_458, %sub3A_451, %broadcast_in_dim3A_460 : vector<16xi1>, vector<16xi32>
        %swap3A_462 = arith.constant 0 : index
        %swap3A_463 = tpu.vector_load %arg13[%swap3A_462] {strides = array<i32>} : memref<80xi32, #tpu.memory_space<vmem>>, vector<16xi32>,
        %swap3A_464 = vector.shape_cast %swap3A_463 : vector<16xi32> to vector<16xi32>
        %swap3A_465 = vector.shape_cast %select_n3A_461 : vector<16xi32> to vector<16xi32>
        tpu.vector_store %arg13[%swap3A_462], %swap3A_465 {strides = array<i32>} : memref<80xi32, #tpu.memory_space<vmem>>, vector<16xi32>,
        %get3A_466 = arith.constant 16 : index
        %get3A_467 = tpu.vector_load %arg11[%get3A_466] {strides = array<i32>} : memref<80xi32, #tpu.memory_space<vmem>>, vector<16xi32>,
        %get3A_468 = vector.shape_cast %get3A_467 : vector<16xi32> to vector<16xi32>
        %sub3A_469 = arith.constant 0 : i32
        %sub3A_470 = vector.broadcast %sub3A_469 : i32 to vector<16xi32>
        %sub3A_471 = arith.subi %get3A_468, %sub3A_470 : vector<16xi32>
        %ge3A_472 = arith.constant 0 : i32
        %ge3A_473 = vector.broadcast %ge3A_472 : i32 to vector<16xi32>
        %ge3A_474 = arith.cmpi sge, %sub3A_471, %ge3A_473 : vector<16xi32>
        %lt3A_475 = arith.constant 3456 : i32
        %lt3A_476 = vector.broadcast %lt3A_475 : i32 to vector<16xi32>
        %lt3A_477 = arith.cmpi slt, %sub3A_471, %lt3A_476 : vector<16xi32>
        %and3A_478 = arith.andi %ge3A_474, %lt3A_477 : vector<16xi1>
        %jit3A_479 = arith.constant 3456 : i32
        %broadcast_in_dim3A_480 = vector.broadcast %jit3A_479 : i32 to vector<16xi32>
        %select_n3A_481 = arith.select %and3A_478, %sub3A_471, %broadcast_in_dim3A_480 : vector<16xi1>, vector<16xi32>
        %swap3A_482 = arith.constant 16 : index
        %swap3A_483 = tpu.vector_load %arg13[%swap3A_482] {strides = array<i32>} : memref<80xi32, #tpu.memory_space<vmem>>, vector<16xi32>,
        %swap3A_484 = vector.shape_cast %swap3A_483 : vector<16xi32> to vector<16xi32>
        %swap3A_485 = vector.shape_cast %select_n3A_481 : vector<16xi32> to vector<16xi32>
        tpu.vector_store %arg13[%swap3A_482], %swap3A_485 {strides = array<i32>} : memref<80xi32, #tpu.memory_space<vmem>>, vector<16xi32>,
        %get3A_486 = arith.constant 32 : index
        %get3A_487 = tpu.vector_load %arg11[%get3A_486] {strides = array<i32>} : memref<80xi32, #tpu.memory_space<vmem>>, vector<16xi32>,
        %get3A_488 = vector.shape_cast %get3A_487 : vector<16xi32> to vector<16xi32>
        %sub3A_489 = arith.constant 0 : i32
        %sub3A_490 = vector.broadcast %sub3A_489 : i32 to vector<16xi32>
        %sub3A_491 = arith.subi %get3A_488, %sub3A_490 : vector<16xi32>
        %ge3A_492 = arith.constant 0 : i32
        %ge3A_493 = vector.broadcast %ge3A_492 : i32 to vector<16xi32>
        %ge3A_494 = arith.cmpi sge, %sub3A_491, %ge3A_493 : vector<16xi32>
        %lt3A_495 = arith.constant 3456 : i32
        %lt3A_496 = vector.broadcast %lt3A_495 : i32 to vector<16xi32>
        %lt3A_497 = arith.cmpi slt, %sub3A_491, %lt3A_496 : vector<16xi32>
        %and3A_498 = arith.andi %ge3A_494, %lt3A_497 : vector<16xi1>
        %jit3A_499 = arith.constant 3456 : i32
        %broadcast_in_dim3A_500 = vector.broadcast %jit3A_499 : i32 to vector<16xi32>
        %select_n3A_501 = arith.select %and3A_498, %sub3A_491, %broadcast_in_dim3A_500 : vector<16xi1>, vector<16xi32>
        %swap3A_502 = arith.constant 32 : index
        %swap3A_503 = tpu.vector_load %arg13[%swap3A_502] {strides = array<i32>} : memref<80xi32, #tpu.memory_space<vmem>>, vector<16xi32>,
        %swap3A_504 = vector.shape_cast %swap3A_503 : vector<16xi32> to vector<16xi32>
        %swap3A_505 = vector.shape_cast %select_n3A_501 : vector<16xi32> to vector<16xi32>
        tpu.vector_store %arg13[%swap3A_502], %swap3A_505 {strides = array<i32>} : memref<80xi32, #tpu.memory_space<vmem>>, vector<16xi32>,
        %get3A_506 = arith.constant 48 : index
        %get3A_507 = tpu.vector_load %arg11[%get3A_506] {strides = array<i32>} : memref<80xi32, #tpu.memory_space<vmem>>, vector<16xi32>,
        %get3A_508 = vector.shape_cast %get3A_507 : vector<16xi32> to vector<16xi32>
        %sub3A_509 = arith.constant 0 : i32
        %sub3A_510 = vector.broadcast %sub3A_509 : i32 to vector<16xi32>
        %sub3A_511 = arith.subi %get3A_508, %sub3A_510 : vector<16xi32>
        %ge3A_512 = arith.constant 0 : i32
        %ge3A_513 = vector.broadcast %ge3A_512 : i32 to vector<16xi32>
        %ge3A_514 = arith.cmpi sge, %sub3A_511, %ge3A_513 : vector<16xi32>
        %lt3A_515 = arith.constant 3456 : i32
        %lt3A_516 = vector.broadcast %lt3A_515 : i32 to vector<16xi32>
        %lt3A_517 = arith.cmpi slt, %sub3A_511, %lt3A_516 : vector<16xi32>
        %and3A_518 = arith.andi %ge3A_514, %lt3A_517 : vector<16xi1>
        %jit3A_519 = arith.constant 3456 : i32
        %broadcast_in_dim3A_520 = vector.broadcast %jit3A_519 : i32 to vector<16xi32>
        %select_n3A_521 = arith.select %and3A_518, %sub3A_511, %broadcast_in_dim3A_520 : vector<16xi1>, vector<16xi32>
        %swap3A_522 = arith.constant 48 : index
        %swap3A_523 = tpu.vector_load %arg13[%swap3A_522] {strides = array<i32>} : memref<80xi32, #tpu.memory_space<vmem>>, vector<16xi32>,
        %swap3A_524 = vector.shape_cast %swap3A_523 : vector<16xi32> to vector<16xi32>
        %swap3A_525 = vector.shape_cast %select_n3A_521 : vector<16xi32> to vector<16xi32>
        tpu.vector_store %arg13[%swap3A_522], %swap3A_525 {strides = array<i32>} : memref<80xi32, #tpu.memory_space<vmem>>, vector<16xi32>,
        %get3A_526 = arith.constant 64 : index
        %get3A_527 = tpu.vector_load %arg11[%get3A_526] {strides = array<i32>} : memref<80xi32, #tpu.memory_space<vmem>>, vector<16xi32>,
        %get3A_528 = vector.shape_cast %get3A_527 : vector<16xi32> to vector<16xi32>
        %sub3A_529 = arith.constant 0 : i32
        %sub3A_530 = vector.broadcast %sub3A_529 : i32 to vector<16xi32>
        %sub3A_531 = arith.subi %get3A_528, %sub3A_530 : vector<16xi32>
        %ge3A_532 = arith.constant 0 : i32
        %ge3A_533 = vector.broadcast %ge3A_532 : i32 to vector<16xi32>
        %ge3A_534 = arith.cmpi sge, %sub3A_531, %ge3A_533 : vector<16xi32>
        %lt3A_535 = arith.constant 3456 : i32
        %lt3A_536 = vector.broadcast %lt3A_535 : i32 to vector<16xi32>
        %lt3A_537 = arith.cmpi slt, %sub3A_531, %lt3A_536 : vector<16xi32>
        %and3A_538 = arith.andi %ge3A_534, %lt3A_537 : vector<16xi1>
        %jit3A_539 = arith.constant 3456 : i32
        %broadcast_in_dim3A_540 = vector.broadcast %jit3A_539 : i32 to vector<16xi32>
        %select_n3A_541 = arith.select %and3A_538, %sub3A_531, %broadcast_in_dim3A_540 : vector<16xi1>, vector<16xi32>
        %swap3A_542 = arith.constant 64 : index
        %swap3A_543 = tpu.vector_load %arg13[%swap3A_542] {strides = array<i32>} : memref<80xi32, #tpu.memory_space<vmem>>, vector<16xi32>,
        %swap3A_544 = vector.shape_cast %swap3A_543 : vector<16xi32> to vector<16xi32>
        %swap3A_545 = vector.shape_cast %select_n3A_541 : vector<16xi32> to vector<16xi32>
        tpu.vector_store %arg13[%swap3A_542], %swap3A_545 {strides = array<i32>} : memref<80xi32, #tpu.memory_space<vmem>>, vector<16xi32>,
        "tpu.region"() ({
          %run_scoped3A = tpu.sem_alloc : memref<!tpu.dma_semaphore, #tpu.memory_space<semaphore_mem>>
          %dma_start3A_546 = arith.constant 0 : i32
          %dma_start3A_547 = arith.constant 0 : i32
          %dma_start3A_548 = tpu.memref_slice %arg8[%dma_start3A_546, %dma_start3A_547] : memref<3464x128xf32, #tpu.memory_space<vmem_shared>> -> memref<3464x128xf32, #tpu.memory_space<vmem_shared>>
          tpu.enqueue_indirect_dma source(%arg19 : memref<80x128xf32, #tpu.memory_space<vmem>>) target(%dma_start3A_548 : memref<3464x128xf32, #tpu.memory_space<vmem_shared>>) offsets(%arg13 : memref<80xi32, #tpu.memory_space<vmem>>) semaphore(%run_scoped3A : memref<!tpu.dma_semaphore, #tpu.memory_space<semaphore_mem>>) {add = true}
          %dma_wait3A_549 = arith.constant 0 : i32
          %dma_wait3A_550 = arith.constant 0 : i32
          %dma_wait3A_551 = tpu.memref_slice %arg8[%dma_wait3A_549, %dma_wait3A_550] : memref<3464x128xf32, #tpu.memory_space<vmem_shared>> -> memref<3464x128xf32, #tpu.memory_space<vmem_shared>>
          tpu.wait_indirect_dma semaphore(%run_scoped3A : memref<!tpu.dma_semaphore, #tpu.memory_space<semaphore_mem>>) src(%arg19 : memref<80x128xf32, #tpu.memory_space<vmem>>) dst(%dma_wait3A_551 : memref<3464x128xf32, #tpu.memory_space<vmem_shared>>)
          tpu.yield
        }) : () -> ()
      } else {
      }
    }
    %scan3A_394 = arith.constant 63 : i32
    %barrier3A_395 = arith.constant 0 : index
    tpu.barrier barrier_id(%barrier3A_395)
    %mul3A_396 = arith.constant 10368 : i32
    %mul3A_397 = arith.muli %arg0, %mul3A_396 : i32
    %add3A_398 = arith.constant 0 : i32
    %add3A_399 = arith.addi %mul3A_397, %add3A_398 : i32
    %mul3A_400 = arith.constant 216 : i32
    %mul3A_401 = arith.muli %arg1, %mul3A_400 : i32
    %add3A_402 = arith.addi %add3A_399, %mul3A_401 : i32
    "tpu.region"() ({
      %run_scoped3A = tpu.sem_alloc : memref<!tpu.dma_semaphore, #tpu.memory_space<semaphore_mem>>
      %dma_start3A_436 = arith.constant 0 : i32
      %dma_start3A_437 = tpu.memref_slice %arg7[%add3A_402, %dma_start3A_436] : memref<20736x128xf32, #tpu.memory_space<hbm>> -> memref<216x128xf32, #tpu.memory_space<hbm>>
      %dma_start3A_438 = arith.constant 0 : i32
      %dma_start3A_439 = tpu.memref_slice %arg8[%mul3A_8, %dma_start3A_438] : memref<3464x128xf32, #tpu.memory_space<vmem_shared>> -> memref<216x128xf32, #tpu.memory_space<vmem_shared>>
      tpu.enqueue_dma source(%dma_start3A_439 : memref<216x128xf32, #tpu.memory_space<vmem_shared>>) target(%dma_start3A_437 : memref<216x128xf32, #tpu.memory_space<hbm>>) target_semaphore(%run_scoped3A : memref<!tpu.dma_semaphore, #tpu.memory_space<semaphore_mem>>)
      %dma_wait3A_440 = arith.constant 0 : i32
      %dma_wait3A_441 = tpu.memref_slice %arg7[%add3A_402, %dma_wait3A_440] : memref<20736x128xf32, #tpu.memory_space<hbm>> -> memref<216x128xf32, #tpu.memory_space<hbm>>
      %dma_wait3A_442 = arith.constant 0 : i32
      %dma_wait3A_443 = tpu.memref_slice %arg8[%mul3A_8, %dma_wait3A_442] : memref<3464x128xf32, #tpu.memory_space<vmem_shared>> -> memref<216x128xf32, #tpu.memory_space<vmem_shared>>
      tpu.wait_dma2 semaphore(%run_scoped3A : memref<!tpu.dma_semaphore, #tpu.memory_space<semaphore_mem>>) src(%dma_wait3A_443 : memref<216x128xf32, #tpu.memory_space<vmem_shared>>) dst(%dma_wait3A_441 : memref<216x128xf32, #tpu.memory_space<hbm>>)
      tpu.yield
    }) : () -> ()
    %barrier3A_403 = arith.constant 0 : index
    tpu.barrier barrier_id(%barrier3A_403)
    "tpu.region"() ({
      %run_scoped3A = tpu.sem_alloc : memref<!tpu.dma_semaphore, #tpu.memory_space<semaphore_mem>>
      %dma_start3A_436 = arith.constant 0 : i32
      %dma_start3A_437 = tpu.memref_slice %arg8[%mul3A_8, %dma_start3A_436] : memref<3464x128xf32, #tpu.memory_space<vmem_shared>> -> memref<216x128xf32, #tpu.memory_space<vmem_shared>>
      tpu.enqueue_dma source(%arg5 : memref<216x128xf32, #tpu.memory_space<hbm>>) target(%dma_start3A_437 : memref<216x128xf32, #tpu.memory_space<vmem_shared>>) target_semaphore(%run_scoped3A : memref<!tpu.dma_semaphore, #tpu.memory_space<semaphore_mem>>)
      %dma_wait3A_438 = arith.constant 0 : i32
      %dma_wait3A_439 = tpu.memref_slice %arg8[%mul3A_8, %dma_wait3A_438] : memref<3464x128xf32, #tpu.memory_space<vmem_shared>> -> memref<216x128xf32, #tpu.memory_space<vmem_shared>>
      tpu.wait_dma2 semaphore(%run_scoped3A : memref<!tpu.dma_semaphore, #tpu.memory_space<semaphore_mem>>) src(%arg5 : memref<216x128xf32, #tpu.memory_space<hbm>>) dst(%dma_wait3A_439 : memref<216x128xf32, #tpu.memory_space<vmem_shared>>)
      tpu.yield
    }) : () -> ()
    %barrier3A_404 = arith.constant 0 : index
    tpu.barrier barrier_id(%barrier3A_404)
    %scan3A_405 = arith.constant 0 : i32
    %scan3A_406 = arith.constant 0 : i32
    %scan3A_407 = arith.constant 63 : i32
    %scan3A_408 = arith.addi %scan3A_406, %scan3A_407 : i32
    %scan3A_409 = arith.constant 1 : i32
    scf.for %scan3A_436 = %scan3A_406 to %scan3A_408 step %scan3A_409  : i32 {
      %mul3A_437 = arith.constant 2 : i32
      %mul3A_438 = arith.muli %mul3A_437, %scan3A_436 : i32
      %add3A_439 = arith.addi %mul3A_438, %arg0 : i32
      %lt3A_440 = arith.constant 125 : i32
      %lt3A_441 = arith.cmpi slt, %add3A_439, %lt3A_440 : i32
      %convert_element_type3A = arith.extui %lt3A_441 : i1 to i32
      %cond3A = arith.constant 0 : i32
      %cond3A_442 = arith.cmpi ne, %convert_element_type3A, %cond3A : i32
      scf.if %cond3A_442 {
        %mul3A_443 = arith.constant 80 : i32
        %mul3A_444 = arith.muli %add3A_439, %mul3A_443 : i32
        %add3A_445 = arith.addi %mul3A_6, %mul3A_444 : i32
        "tpu.region"() ({
          %run_scoped3A = tpu.sem_alloc : memref<!tpu.dma_semaphore, #tpu.memory_space<semaphore_mem>>
          %dma_start3A_546 = tpu.memref_slice %arg4[%add3A_445] : memref<160000xi32, #tpu.memory_space<hbm>> -> memref<80xi32, #tpu.memory_space<hbm>>
          %dma_start3A_547 = tpu.memref_slice %arg4[%add3A_445] : memref<160000xi32, #tpu.memory_space<hbm>> -> memref<80xi32, #tpu.memory_space<hbm>>
          tpu.enqueue_dma source(%dma_start3A_547 : memref<80xi32, #tpu.memory_space<hbm>>) target(%arg11 : memref<80xi32, #tpu.memory_space<vmem>>) target_semaphore(%run_scoped3A : memref<!tpu.dma_semaphore, #tpu.memory_space<semaphore_mem>>)
          %dma_wait3A_548 = tpu.memref_slice %arg4[%add3A_445] : memref<160000xi32, #tpu.memory_space<hbm>> -> memref<80xi32, #tpu.memory_space<hbm>>
          %dma_wait3A_549 = tpu.memref_slice %arg4[%add3A_445] : memref<160000xi32, #tpu.memory_space<hbm>> -> memref<80xi32, #tpu.memory_space<hbm>>
          tpu.wait_dma2 semaphore(%run_scoped3A : memref<!tpu.dma_semaphore, #tpu.memory_space<semaphore_mem>>) src(%dma_wait3A_549 : memref<80xi32, #tpu.memory_space<hbm>>) dst(%arg11 : memref<80xi32, #tpu.memory_space<vmem>>)
          tpu.yield
        }) : () -> ()
        %get3A_446 = arith.constant 0 : index
        %get3A_447 = tpu.vector_load %arg11[%get3A_446] {strides = array<i32>} : memref<80xi32, #tpu.memory_space<vmem>>, vector<16xi32>,
        %get3A_448 = vector.shape_cast %get3A_447 : vector<16xi32> to vector<16xi32>
        %sub3A_449 = arith.constant 3456 : i32
        %sub3A_450 = vector.broadcast %sub3A_449 : i32 to vector<16xi32>
        %sub3A_451 = arith.subi %get3A_448, %sub3A_450 : vector<16xi32>
        %ge3A_452 = arith.constant 0 : i32
        %ge3A_453 = vector.broadcast %ge3A_452 : i32 to vector<16xi32>
        %ge3A_454 = arith.cmpi sge, %sub3A_451, %ge3A_453 : vector<16xi32>
        %lt3A_455 = arith.constant 3456 : i32
        %lt3A_456 = vector.broadcast %lt3A_455 : i32 to vector<16xi32>
        %lt3A_457 = arith.cmpi slt, %sub3A_451, %lt3A_456 : vector<16xi32>
        %and3A_458 = arith.andi %ge3A_454, %lt3A_457 : vector<16xi1>
        %jit3A_459 = arith.constant 3456 : i32
        %broadcast_in_dim3A_460 = vector.broadcast %jit3A_459 : i32 to vector<16xi32>
        %select_n3A_461 = arith.select %and3A_458, %sub3A_451, %broadcast_in_dim3A_460 : vector<16xi1>, vector<16xi32>
        %swap3A_462 = arith.constant 0 : index
        %swap3A_463 = tpu.vector_load %arg13[%swap3A_462] {strides = array<i32>} : memref<80xi32, #tpu.memory_space<vmem>>, vector<16xi32>,
        %swap3A_464 = vector.shape_cast %swap3A_463 : vector<16xi32> to vector<16xi32>
        %swap3A_465 = vector.shape_cast %select_n3A_461 : vector<16xi32> to vector<16xi32>
        tpu.vector_store %arg13[%swap3A_462], %swap3A_465 {strides = array<i32>} : memref<80xi32, #tpu.memory_space<vmem>>, vector<16xi32>,
        %get3A_466 = arith.constant 16 : index
        %get3A_467 = tpu.vector_load %arg11[%get3A_466] {strides = array<i32>} : memref<80xi32, #tpu.memory_space<vmem>>, vector<16xi32>,
        %get3A_468 = vector.shape_cast %get3A_467 : vector<16xi32> to vector<16xi32>
        %sub3A_469 = arith.constant 3456 : i32
        %sub3A_470 = vector.broadcast %sub3A_469 : i32 to vector<16xi32>
        %sub3A_471 = arith.subi %get3A_468, %sub3A_470 : vector<16xi32>
        %ge3A_472 = arith.constant 0 : i32
        %ge3A_473 = vector.broadcast %ge3A_472 : i32 to vector<16xi32>
        %ge3A_474 = arith.cmpi sge, %sub3A_471, %ge3A_473 : vector<16xi32>
        %lt3A_475 = arith.constant 3456 : i32
        %lt3A_476 = vector.broadcast %lt3A_475 : i32 to vector<16xi32>
        %lt3A_477 = arith.cmpi slt, %sub3A_471, %lt3A_476 : vector<16xi32>
        %and3A_478 = arith.andi %ge3A_474, %lt3A_477 : vector<16xi1>
        %jit3A_479 = arith.constant 3456 : i32
        %broadcast_in_dim3A_480 = vector.broadcast %jit3A_479 : i32 to vector<16xi32>
        %select_n3A_481 = arith.select %and3A_478, %sub3A_471, %broadcast_in_dim3A_480 : vector<16xi1>, vector<16xi32>
        %swap3A_482 = arith.constant 16 : index
        %swap3A_483 = tpu.vector_load %arg13[%swap3A_482] {strides = array<i32>} : memref<80xi32, #tpu.memory_space<vmem>>, vector<16xi32>,
        %swap3A_484 = vector.shape_cast %swap3A_483 : vector<16xi32> to vector<16xi32>
        %swap3A_485 = vector.shape_cast %select_n3A_481 : vector<16xi32> to vector<16xi32>
        tpu.vector_store %arg13[%swap3A_482], %swap3A_485 {strides = array<i32>} : memref<80xi32, #tpu.memory_space<vmem>>, vector<16xi32>,
        %get3A_486 = arith.constant 32 : index
        %get3A_487 = tpu.vector_load %arg11[%get3A_486] {strides = array<i32>} : memref<80xi32, #tpu.memory_space<vmem>>, vector<16xi32>,
        %get3A_488 = vector.shape_cast %get3A_487 : vector<16xi32> to vector<16xi32>
        %sub3A_489 = arith.constant 3456 : i32
        %sub3A_490 = vector.broadcast %sub3A_489 : i32 to vector<16xi32>
        %sub3A_491 = arith.subi %get3A_488, %sub3A_490 : vector<16xi32>
        %ge3A_492 = arith.constant 0 : i32
        %ge3A_493 = vector.broadcast %ge3A_492 : i32 to vector<16xi32>
        %ge3A_494 = arith.cmpi sge, %sub3A_491, %ge3A_493 : vector<16xi32>
        %lt3A_495 = arith.constant 3456 : i32
        %lt3A_496 = vector.broadcast %lt3A_495 : i32 to vector<16xi32>
        %lt3A_497 = arith.cmpi slt, %sub3A_491, %lt3A_496 : vector<16xi32>
        %and3A_498 = arith.andi %ge3A_494, %lt3A_497 : vector<16xi1>
        %jit3A_499 = arith.constant 3456 : i32
        %broadcast_in_dim3A_500 = vector.broadcast %jit3A_499 : i32 to vector<16xi32>
        %select_n3A_501 = arith.select %and3A_498, %sub3A_491, %broadcast_in_dim3A_500 : vector<16xi1>, vector<16xi32>
        %swap3A_502 = arith.constant 32 : index
        %swap3A_503 = tpu.vector_load %arg13[%swap3A_502] {strides = array<i32>} : memref<80xi32, #tpu.memory_space<vmem>>, vector<16xi32>,
        %swap3A_504 = vector.shape_cast %swap3A_503 : vector<16xi32> to vector<16xi32>
        %swap3A_505 = vector.shape_cast %select_n3A_501 : vector<16xi32> to vector<16xi32>
        tpu.vector_store %arg13[%swap3A_502], %swap3A_505 {strides = array<i32>} : memref<80xi32, #tpu.memory_space<vmem>>, vector<16xi32>,
        %get3A_506 = arith.constant 48 : index
        %get3A_507 = tpu.vector_load %arg11[%get3A_506] {strides = array<i32>} : memref<80xi32, #tpu.memory_space<vmem>>, vector<16xi32>,
        %get3A_508 = vector.shape_cast %get3A_507 : vector<16xi32> to vector<16xi32>
        %sub3A_509 = arith.constant 3456 : i32
        %sub3A_510 = vector.broadcast %sub3A_509 : i32 to vector<16xi32>
        %sub3A_511 = arith.subi %get3A_508, %sub3A_510 : vector<16xi32>
        %ge3A_512 = arith.constant 0 : i32
        %ge3A_513 = vector.broadcast %ge3A_512 : i32 to vector<16xi32>
        %ge3A_514 = arith.cmpi sge, %sub3A_511, %ge3A_513 : vector<16xi32>
        %lt3A_515 = arith.constant 3456 : i32
        %lt3A_516 = vector.broadcast %lt3A_515 : i32 to vector<16xi32>
        %lt3A_517 = arith.cmpi slt, %sub3A_511, %lt3A_516 : vector<16xi32>
        %and3A_518 = arith.andi %ge3A_514, %lt3A_517 : vector<16xi1>
        %jit3A_519 = arith.constant 3456 : i32
        %broadcast_in_dim3A_520 = vector.broadcast %jit3A_519 : i32 to vector<16xi32>
        %select_n3A_521 = arith.select %and3A_518, %sub3A_511, %broadcast_in_dim3A_520 : vector<16xi1>, vector<16xi32>
        %swap3A_522 = arith.constant 48 : index
        %swap3A_523 = tpu.vector_load %arg13[%swap3A_522] {strides = array<i32>} : memref<80xi32, #tpu.memory_space<vmem>>, vector<16xi32>,
        %swap3A_524 = vector.shape_cast %swap3A_523 : vector<16xi32> to vector<16xi32>
        %swap3A_525 = vector.shape_cast %select_n3A_521 : vector<16xi32> to vector<16xi32>
        tpu.vector_store %arg13[%swap3A_522], %swap3A_525 {strides = array<i32>} : memref<80xi32, #tpu.memory_space<vmem>>, vector<16xi32>,
        %get3A_526 = arith.constant 64 : index
        %get3A_527 = tpu.vector_load %arg11[%get3A_526] {strides = array<i32>} : memref<80xi32, #tpu.memory_space<vmem>>, vector<16xi32>,
        %get3A_528 = vector.shape_cast %get3A_527 : vector<16xi32> to vector<16xi32>
        %sub3A_529 = arith.constant 3456 : i32
        %sub3A_530 = vector.broadcast %sub3A_529 : i32 to vector<16xi32>
        %sub3A_531 = arith.subi %get3A_528, %sub3A_530 : vector<16xi32>
        %ge3A_532 = arith.constant 0 : i32
        %ge3A_533 = vector.broadcast %ge3A_532 : i32 to vector<16xi32>
        %ge3A_534 = arith.cmpi sge, %sub3A_531, %ge3A_533 : vector<16xi32>
        %lt3A_535 = arith.constant 3456 : i32
        %lt3A_536 = vector.broadcast %lt3A_535 : i32 to vector<16xi32>
        %lt3A_537 = arith.cmpi slt, %sub3A_531, %lt3A_536 : vector<16xi32>
        %and3A_538 = arith.andi %ge3A_534, %lt3A_537 : vector<16xi1>
        %jit3A_539 = arith.constant 3456 : i32
        %broadcast_in_dim3A_540 = vector.broadcast %jit3A_539 : i32 to vector<16xi32>
        %select_n3A_541 = arith.select %and3A_538, %sub3A_531, %broadcast_in_dim3A_540 : vector<16xi1>, vector<16xi32>
        %swap3A_542 = arith.constant 64 : index
        %swap3A_543 = tpu.vector_load %arg13[%swap3A_542] {strides = array<i32>} : memref<80xi32, #tpu.memory_space<vmem>>, vector<16xi32>,
        %swap3A_544 = vector.shape_cast %swap3A_543 : vector<16xi32> to vector<16xi32>
        %swap3A_545 = vector.shape_cast %select_n3A_541 : vector<16xi32> to vector<16xi32>
        tpu.vector_store %arg13[%swap3A_542], %swap3A_545 {strides = array<i32>} : memref<80xi32, #tpu.memory_space<vmem>>, vector<16xi32>,
        "tpu.region"() ({
          %run_scoped3A = tpu.sem_alloc : memref<!tpu.dma_semaphore, #tpu.memory_space<semaphore_mem>>
          %dma_start3A_546 = arith.constant 0 : i32
          %dma_start3A_547 = arith.constant 0 : i32
          %dma_start3A_548 = tpu.memref_slice %arg8[%dma_start3A_546, %dma_start3A_547] : memref<3464x128xf32, #tpu.memory_space<vmem_shared>> -> memref<3464x128xf32, #tpu.memory_space<vmem_shared>>
          tpu.enqueue_indirect_dma source(%arg19 : memref<80x128xf32, #tpu.memory_space<vmem>>) target(%dma_start3A_548 : memref<3464x128xf32, #tpu.memory_space<vmem_shared>>) offsets(%arg13 : memref<80xi32, #tpu.memory_space<vmem>>) semaphore(%run_scoped3A : memref<!tpu.dma_semaphore, #tpu.memory_space<semaphore_mem>>) {add = true}
          %dma_wait3A_549 = arith.constant 0 : i32
          %dma_wait3A_550 = arith.constant 0 : i32
          %dma_wait3A_551 = tpu.memref_slice %arg8[%dma_wait3A_549, %dma_wait3A_550] : memref<3464x128xf32, #tpu.memory_space<vmem_shared>> -> memref<3464x128xf32, #tpu.memory_space<vmem_shared>>
          tpu.wait_indirect_dma semaphore(%run_scoped3A : memref<!tpu.dma_semaphore, #tpu.memory_space<semaphore_mem>>) src(%arg19 : memref<80x128xf32, #tpu.memory_space<vmem>>) dst(%dma_wait3A_551 : memref<3464x128xf32, #tpu.memory_space<vmem_shared>>)
          tpu.yield
        }) : () -> ()
      } else {
      }
    }
    %scan3A_410 = arith.constant 63 : i32
    %barrier3A_411 = arith.constant 0 : index
    tpu.barrier barrier_id(%barrier3A_411)
    %mul3A_412 = arith.constant 10368 : i32
    %mul3A_413 = arith.muli %arg0, %mul3A_412 : i32
    %add3A_414 = arith.constant 3456 : i32
    %add3A_415 = arith.addi %mul3A_413, %add3A_414 : i32
    %mul3A_416 = arith.constant 216 : i32
    %mul3A_417 = arith.muli %arg1, %mul3A_416 : i32
    %add3A_418 = arith.addi %add3A_415, %mul3A_417 : i32
    "tpu.region"() ({
      %run_scoped3A = tpu.sem_alloc : memref<!tpu.dma_semaphore, #tpu.memory_space<semaphore_mem>>
      %dma_start3A_436 = arith.constant 0 : i32
      %dma_start3A_437 = tpu.memref_slice %arg7[%add3A_418, %dma_start3A_436] : memref<20736x128xf32, #tpu.memory_space<hbm>> -> memref<216x128xf32, #tpu.memory_space<hbm>>
      %dma_start3A_438 = arith.constant 0 : i32
      %dma_start3A_439 = tpu.memref_slice %arg8[%mul3A_8, %dma_start3A_438] : memref<3464x128xf32, #tpu.memory_space<vmem_shared>> -> memref<216x128xf32, #tpu.memory_space<vmem_shared>>
      tpu.enqueue_dma source(%dma_start3A_439 : memref<216x128xf32, #tpu.memory_space<vmem_shared>>) target(%dma_start3A_437 : memref<216x128xf32, #tpu.memory_space<hbm>>) target_semaphore(%run_scoped3A : memref<!tpu.dma_semaphore, #tpu.memory_space<semaphore_mem>>)
      %dma_wait3A_440 = arith.constant 0 : i32
      %dma_wait3A_441 = tpu.memref_slice %arg7[%add3A_418, %dma_wait3A_440] : memref<20736x128xf32, #tpu.memory_space<hbm>> -> memref<216x128xf32, #tpu.memory_space<hbm>>
      %dma_wait3A_442 = arith.constant 0 : i32
      %dma_wait3A_443 = tpu.memref_slice %arg8[%mul3A_8, %dma_wait3A_442] : memref<3464x128xf32, #tpu.memory_space<vmem_shared>> -> memref<216x128xf32, #tpu.memory_space<vmem_shared>>
      tpu.wait_dma2 semaphore(%run_scoped3A : memref<!tpu.dma_semaphore, #tpu.memory_space<semaphore_mem>>) src(%dma_wait3A_443 : memref<216x128xf32, #tpu.memory_space<vmem_shared>>) dst(%dma_wait3A_441 : memref<216x128xf32, #tpu.memory_space<hbm>>)
      tpu.yield
    }) : () -> ()
    %barrier3A_419 = arith.constant 0 : index
    tpu.barrier barrier_id(%barrier3A_419)
    "tpu.region"() ({
      %run_scoped3A = tpu.sem_alloc : memref<!tpu.dma_semaphore, #tpu.memory_space<semaphore_mem>>
      %dma_start3A_436 = arith.constant 0 : i32
      %dma_start3A_437 = tpu.memref_slice %arg8[%mul3A_8, %dma_start3A_436] : memref<3464x128xf32, #tpu.memory_space<vmem_shared>> -> memref<216x128xf32, #tpu.memory_space<vmem_shared>>
      tpu.enqueue_dma source(%arg5 : memref<216x128xf32, #tpu.memory_space<hbm>>) target(%dma_start3A_437 : memref<216x128xf32, #tpu.memory_space<vmem_shared>>) target_semaphore(%run_scoped3A : memref<!tpu.dma_semaphore, #tpu.memory_space<semaphore_mem>>)
      %dma_wait3A_438 = arith.constant 0 : i32
      %dma_wait3A_439 = tpu.memref_slice %arg8[%mul3A_8, %dma_wait3A_438] : memref<3464x128xf32, #tpu.memory_space<vmem_shared>> -> memref<216x128xf32, #tpu.memory_space<vmem_shared>>
      tpu.wait_dma2 semaphore(%run_scoped3A : memref<!tpu.dma_semaphore, #tpu.memory_space<semaphore_mem>>) src(%arg5 : memref<216x128xf32, #tpu.memory_space<hbm>>) dst(%dma_wait3A_439 : memref<216x128xf32, #tpu.memory_space<vmem_shared>>)
      tpu.yield
    }) : () -> ()
    %barrier3A_420 = arith.constant 0 : index
    tpu.barrier barrier_id(%barrier3A_420)
    %scan3A_421 = arith.constant 0 : i32
    %scan3A_422 = arith.constant 0 : i32
    %scan3A_423 = arith.constant 63 : i32
    %scan3A_424 = arith.addi %scan3A_422, %scan3A_423 : i32
    %scan3A_425 = arith.constant 1 : i32
    scf.for %scan3A_436 = %scan3A_422 to %scan3A_424 step %scan3A_425  : i32 {
      %mul3A_437 = arith.constant 2 : i32
      %mul3A_438 = arith.muli %mul3A_437, %scan3A_436 : i32
      %add3A_439 = arith.addi %mul3A_438, %arg0 : i32
      %lt3A_440 = arith.constant 125 : i32
      %lt3A_441 = arith.cmpi slt, %add3A_439, %lt3A_440 : i32
      %convert_element_type3A = arith.extui %lt3A_441 : i1 to i32
      %cond3A = arith.constant 0 : i32
      %cond3A_442 = arith.cmpi ne, %convert_element_type3A, %cond3A : i32
      scf.if %cond3A_442 {
        %mul3A_443 = arith.constant 80 : i32
        %mul3A_444 = arith.muli %add3A_439, %mul3A_443 : i32
        %add3A_445 = arith.addi %mul3A_6, %mul3A_444 : i32
        "tpu.region"() ({
          %run_scoped3A = tpu.sem_alloc : memref<!tpu.dma_semaphore, #tpu.memory_space<semaphore_mem>>
          %dma_start3A_546 = tpu.memref_slice %arg4[%add3A_445] : memref<160000xi32, #tpu.memory_space<hbm>> -> memref<80xi32, #tpu.memory_space<hbm>>
          %dma_start3A_547 = tpu.memref_slice %arg4[%add3A_445] : memref<160000xi32, #tpu.memory_space<hbm>> -> memref<80xi32, #tpu.memory_space<hbm>>
          tpu.enqueue_dma source(%dma_start3A_547 : memref<80xi32, #tpu.memory_space<hbm>>) target(%arg11 : memref<80xi32, #tpu.memory_space<vmem>>) target_semaphore(%run_scoped3A : memref<!tpu.dma_semaphore, #tpu.memory_space<semaphore_mem>>)
          %dma_wait3A_548 = tpu.memref_slice %arg4[%add3A_445] : memref<160000xi32, #tpu.memory_space<hbm>> -> memref<80xi32, #tpu.memory_space<hbm>>
          %dma_wait3A_549 = tpu.memref_slice %arg4[%add3A_445] : memref<160000xi32, #tpu.memory_space<hbm>> -> memref<80xi32, #tpu.memory_space<hbm>>
          tpu.wait_dma2 semaphore(%run_scoped3A : memref<!tpu.dma_semaphore, #tpu.memory_space<semaphore_mem>>) src(%dma_wait3A_549 : memref<80xi32, #tpu.memory_space<hbm>>) dst(%arg11 : memref<80xi32, #tpu.memory_space<vmem>>)
          tpu.yield
        }) : () -> ()
        %get3A_446 = arith.constant 0 : index
        %get3A_447 = tpu.vector_load %arg11[%get3A_446] {strides = array<i32>} : memref<80xi32, #tpu.memory_space<vmem>>, vector<16xi32>,
        %get3A_448 = vector.shape_cast %get3A_447 : vector<16xi32> to vector<16xi32>
        %sub3A_449 = arith.constant 6912 : i32
        %sub3A_450 = vector.broadcast %sub3A_449 : i32 to vector<16xi32>
        %sub3A_451 = arith.subi %get3A_448, %sub3A_450 : vector<16xi32>
        %ge3A_452 = arith.constant 0 : i32
        %ge3A_453 = vector.broadcast %ge3A_452 : i32 to vector<16xi32>
        %ge3A_454 = arith.cmpi sge, %sub3A_451, %ge3A_453 : vector<16xi32>
        %lt3A_455 = arith.constant 3456 : i32
        %lt3A_456 = vector.broadcast %lt3A_455 : i32 to vector<16xi32>
        %lt3A_457 = arith.cmpi slt, %sub3A_451, %lt3A_456 : vector<16xi32>
        %and3A_458 = arith.andi %ge3A_454, %lt3A_457 : vector<16xi1>
        %jit3A_459 = arith.constant 3456 : i32
        %broadcast_in_dim3A_460 = vector.broadcast %jit3A_459 : i32 to vector<16xi32>
        %select_n3A_461 = arith.select %and3A_458, %sub3A_451, %broadcast_in_dim3A_460 : vector<16xi1>, vector<16xi32>
        %swap3A_462 = arith.constant 0 : index
        %swap3A_463 = tpu.vector_load %arg13[%swap3A_462] {strides = array<i32>} : memref<80xi32, #tpu.memory_space<vmem>>, vector<16xi32>,
        %swap3A_464 = vector.shape_cast %swap3A_463 : vector<16xi32> to vector<16xi32>
        %swap3A_465 = vector.shape_cast %select_n3A_461 : vector<16xi32> to vector<16xi32>
        tpu.vector_store %arg13[%swap3A_462], %swap3A_465 {strides = array<i32>} : memref<80xi32, #tpu.memory_space<vmem>>, vector<16xi32>,
        %get3A_466 = arith.constant 16 : index
        %get3A_467 = tpu.vector_load %arg11[%get3A_466] {strides = array<i32>} : memref<80xi32, #tpu.memory_space<vmem>>, vector<16xi32>,
        %get3A_468 = vector.shape_cast %get3A_467 : vector<16xi32> to vector<16xi32>
        %sub3A_469 = arith.constant 6912 : i32
        %sub3A_470 = vector.broadcast %sub3A_469 : i32 to vector<16xi32>
        %sub3A_471 = arith.subi %get3A_468, %sub3A_470 : vector<16xi32>
        %ge3A_472 = arith.constant 0 : i32
        %ge3A_473 = vector.broadcast %ge3A_472 : i32 to vector<16xi32>
        %ge3A_474 = arith.cmpi sge, %sub3A_471, %ge3A_473 : vector<16xi32>
        %lt3A_475 = arith.constant 3456 : i32
        %lt3A_476 = vector.broadcast %lt3A_475 : i32 to vector<16xi32>
        %lt3A_477 = arith.cmpi slt, %sub3A_471, %lt3A_476 : vector<16xi32>
        %and3A_478 = arith.andi %ge3A_474, %lt3A_477 : vector<16xi1>
        %jit3A_479 = arith.constant 3456 : i32
        %broadcast_in_dim3A_480 = vector.broadcast %jit3A_479 : i32 to vector<16xi32>
        %select_n3A_481 = arith.select %and3A_478, %sub3A_471, %broadcast_in_dim3A_480 : vector<16xi1>, vector<16xi32>
        %swap3A_482 = arith.constant 16 : index
        %swap3A_483 = tpu.vector_load %arg13[%swap3A_482] {strides = array<i32>} : memref<80xi32, #tpu.memory_space<vmem>>, vector<16xi32>,
        %swap3A_484 = vector.shape_cast %swap3A_483 : vector<16xi32> to vector<16xi32>
        %swap3A_485 = vector.shape_cast %select_n3A_481 : vector<16xi32> to vector<16xi32>
        tpu.vector_store %arg13[%swap3A_482], %swap3A_485 {strides = array<i32>} : memref<80xi32, #tpu.memory_space<vmem>>, vector<16xi32>,
        %get3A_486 = arith.constant 32 : index
        %get3A_487 = tpu.vector_load %arg11[%get3A_486] {strides = array<i32>} : memref<80xi32, #tpu.memory_space<vmem>>, vector<16xi32>,
        %get3A_488 = vector.shape_cast %get3A_487 : vector<16xi32> to vector<16xi32>
        %sub3A_489 = arith.constant 6912 : i32
        %sub3A_490 = vector.broadcast %sub3A_489 : i32 to vector<16xi32>
        %sub3A_491 = arith.subi %get3A_488, %sub3A_490 : vector<16xi32>
        %ge3A_492 = arith.constant 0 : i32
        %ge3A_493 = vector.broadcast %ge3A_492 : i32 to vector<16xi32>
        %ge3A_494 = arith.cmpi sge, %sub3A_491, %ge3A_493 : vector<16xi32>
        %lt3A_495 = arith.constant 3456 : i32
        %lt3A_496 = vector.broadcast %lt3A_495 : i32 to vector<16xi32>
        %lt3A_497 = arith.cmpi slt, %sub3A_491, %lt3A_496 : vector<16xi32>
        %and3A_498 = arith.andi %ge3A_494, %lt3A_497 : vector<16xi1>
        %jit3A_499 = arith.constant 3456 : i32
        %broadcast_in_dim3A_500 = vector.broadcast %jit3A_499 : i32 to vector<16xi32>
        %select_n3A_501 = arith.select %and3A_498, %sub3A_491, %broadcast_in_dim3A_500 : vector<16xi1>, vector<16xi32>
        %swap3A_502 = arith.constant 32 : index
        %swap3A_503 = tpu.vector_load %arg13[%swap3A_502] {strides = array<i32>} : memref<80xi32, #tpu.memory_space<vmem>>, vector<16xi32>,
        %swap3A_504 = vector.shape_cast %swap3A_503 : vector<16xi32> to vector<16xi32>
        %swap3A_505 = vector.shape_cast %select_n3A_501 : vector<16xi32> to vector<16xi32>
        tpu.vector_store %arg13[%swap3A_502], %swap3A_505 {strides = array<i32>} : memref<80xi32, #tpu.memory_space<vmem>>, vector<16xi32>,
        %get3A_506 = arith.constant 48 : index
        %get3A_507 = tpu.vector_load %arg11[%get3A_506] {strides = array<i32>} : memref<80xi32, #tpu.memory_space<vmem>>, vector<16xi32>,
        %get3A_508 = vector.shape_cast %get3A_507 : vector<16xi32> to vector<16xi32>
        %sub3A_509 = arith.constant 6912 : i32
        %sub3A_510 = vector.broadcast %sub3A_509 : i32 to vector<16xi32>
        %sub3A_511 = arith.subi %get3A_508, %sub3A_510 : vector<16xi32>
        %ge3A_512 = arith.constant 0 : i32
        %ge3A_513 = vector.broadcast %ge3A_512 : i32 to vector<16xi32>
        %ge3A_514 = arith.cmpi sge, %sub3A_511, %ge3A_513 : vector<16xi32>
        %lt3A_515 = arith.constant 3456 : i32
        %lt3A_516 = vector.broadcast %lt3A_515 : i32 to vector<16xi32>
        %lt3A_517 = arith.cmpi slt, %sub3A_511, %lt3A_516 : vector<16xi32>
        %and3A_518 = arith.andi %ge3A_514, %lt3A_517 : vector<16xi1>
        %jit3A_519 = arith.constant 3456 : i32
        %broadcast_in_dim3A_520 = vector.broadcast %jit3A_519 : i32 to vector<16xi32>
        %select_n3A_521 = arith.select %and3A_518, %sub3A_511, %broadcast_in_dim3A_520 : vector<16xi1>, vector<16xi32>
        %swap3A_522 = arith.constant 48 : index
        %swap3A_523 = tpu.vector_load %arg13[%swap3A_522] {strides = array<i32>} : memref<80xi32, #tpu.memory_space<vmem>>, vector<16xi32>,
        %swap3A_524 = vector.shape_cast %swap3A_523 : vector<16xi32> to vector<16xi32>
        %swap3A_525 = vector.shape_cast %select_n3A_521 : vector<16xi32> to vector<16xi32>
        tpu.vector_store %arg13[%swap3A_522], %swap3A_525 {strides = array<i32>} : memref<80xi32, #tpu.memory_space<vmem>>, vector<16xi32>,
        %get3A_526 = arith.constant 64 : index
        %get3A_527 = tpu.vector_load %arg11[%get3A_526] {strides = array<i32>} : memref<80xi32, #tpu.memory_space<vmem>>, vector<16xi32>,
        %get3A_528 = vector.shape_cast %get3A_527 : vector<16xi32> to vector<16xi32>
        %sub3A_529 = arith.constant 6912 : i32
        %sub3A_530 = vector.broadcast %sub3A_529 : i32 to vector<16xi32>
        %sub3A_531 = arith.subi %get3A_528, %sub3A_530 : vector<16xi32>
        %ge3A_532 = arith.constant 0 : i32
        %ge3A_533 = vector.broadcast %ge3A_532 : i32 to vector<16xi32>
        %ge3A_534 = arith.cmpi sge, %sub3A_531, %ge3A_533 : vector<16xi32>
        %lt3A_535 = arith.constant 3456 : i32
        %lt3A_536 = vector.broadcast %lt3A_535 : i32 to vector<16xi32>
        %lt3A_537 = arith.cmpi slt, %sub3A_531, %lt3A_536 : vector<16xi32>
        %and3A_538 = arith.andi %ge3A_534, %lt3A_537 : vector<16xi1>
        %jit3A_539 = arith.constant 3456 : i32
        %broadcast_in_dim3A_540 = vector.broadcast %jit3A_539 : i32 to vector<16xi32>
        %select_n3A_541 = arith.select %and3A_538, %sub3A_531, %broadcast_in_dim3A_540 : vector<16xi1>, vector<16xi32>
        %swap3A_542 = arith.constant 64 : index
        %swap3A_543 = tpu.vector_load %arg13[%swap3A_542] {strides = array<i32>} : memref<80xi32, #tpu.memory_space<vmem>>, vector<16xi32>,
        %swap3A_544 = vector.shape_cast %swap3A_543 : vector<16xi32> to vector<16xi32>
        %swap3A_545 = vector.shape_cast %select_n3A_541 : vector<16xi32> to vector<16xi32>
        tpu.vector_store %arg13[%swap3A_542], %swap3A_545 {strides = array<i32>} : memref<80xi32, #tpu.memory_space<vmem>>, vector<16xi32>,
        "tpu.region"() ({
          %run_scoped3A = tpu.sem_alloc : memref<!tpu.dma_semaphore, #tpu.memory_space<semaphore_mem>>
          %dma_start3A_546 = arith.constant 0 : i32
          %dma_start3A_547 = arith.constant 0 : i32
          %dma_start3A_548 = tpu.memref_slice %arg8[%dma_start3A_546, %dma_start3A_547] : memref<3464x128xf32, #tpu.memory_space<vmem_shared>> -> memref<3464x128xf32, #tpu.memory_space<vmem_shared>>
          tpu.enqueue_indirect_dma source(%arg19 : memref<80x128xf32, #tpu.memory_space<vmem>>) target(%dma_start3A_548 : memref<3464x128xf32, #tpu.memory_space<vmem_shared>>) offsets(%arg13 : memref<80xi32, #tpu.memory_space<vmem>>) semaphore(%run_scoped3A : memref<!tpu.dma_semaphore, #tpu.memory_space<semaphore_mem>>) {add = true}
          %dma_wait3A_549 = arith.constant 0 : i32
          %dma_wait3A_550 = arith.constant 0 : i32
          %dma_wait3A_551 = tpu.memref_slice %arg8[%dma_wait3A_549, %dma_wait3A_550] : memref<3464x128xf32, #tpu.memory_space<vmem_shared>> -> memref<3464x128xf32, #tpu.memory_space<vmem_shared>>
          tpu.wait_indirect_dma semaphore(%run_scoped3A : memref<!tpu.dma_semaphore, #tpu.memory_space<semaphore_mem>>) src(%arg19 : memref<80x128xf32, #tpu.memory_space<vmem>>) dst(%dma_wait3A_551 : memref<3464x128xf32, #tpu.memory_space<vmem_shared>>)
          tpu.yield
        }) : () -> ()
      } else {
      }
    }
    %scan3A_426 = arith.constant 63 : i32
    %barrier3A_427 = arith.constant 0 : index
    tpu.barrier barrier_id(%barrier3A_427)
    %mul3A_428 = arith.constant 10368 : i32
    %mul3A_429 = arith.muli %arg0, %mul3A_428 : i32
    %add3A_430 = arith.constant 6912 : i32
    %add3A_431 = arith.addi %mul3A_429, %add3A_430 : i32
    %mul3A_432 = arith.constant 216 : i32
    %mul3A_433 = arith.muli %arg1, %mul3A_432 : i32
    %add3A_434 = arith.addi %add3A_431, %mul3A_433 : i32
    "tpu.region"() ({
      %run_scoped3A = tpu.sem_alloc : memref<!tpu.dma_semaphore, #tpu.memory_space<semaphore_mem>>
      %dma_start3A_436 = arith.constant 0 : i32
      %dma_start3A_437 = tpu.memref_slice %arg7[%add3A_434, %dma_start3A_436] : memref<20736x128xf32, #tpu.memory_space<hbm>> -> memref<216x128xf32, #tpu.memory_space<hbm>>
      %dma_start3A_438 = arith.constant 0 : i32
      %dma_start3A_439 = tpu.memref_slice %arg8[%mul3A_8, %dma_start3A_438] : memref<3464x128xf32, #tpu.memory_space<vmem_shared>> -> memref<216x128xf32, #tpu.memory_space<vmem_shared>>
      tpu.enqueue_dma source(%dma_start3A_439 : memref<216x128xf32, #tpu.memory_space<vmem_shared>>) target(%dma_start3A_437 : memref<216x128xf32, #tpu.memory_space<hbm>>) target_semaphore(%run_scoped3A : memref<!tpu.dma_semaphore, #tpu.memory_space<semaphore_mem>>)
      %dma_wait3A_440 = arith.constant 0 : i32
      %dma_wait3A_441 = tpu.memref_slice %arg7[%add3A_434, %dma_wait3A_440] : memref<20736x128xf32, #tpu.memory_space<hbm>> -> memref<216x128xf32, #tpu.memory_space<hbm>>
      %dma_wait3A_442 = arith.constant 0 : i32
      %dma_wait3A_443 = tpu.memref_slice %arg8[%mul3A_8, %dma_wait3A_442] : memref<3464x128xf32, #tpu.memory_space<vmem_shared>> -> memref<216x128xf32, #tpu.memory_space<vmem_shared>>
      tpu.wait_dma2 semaphore(%run_scoped3A : memref<!tpu.dma_semaphore, #tpu.memory_space<semaphore_mem>>) src(%dma_wait3A_443 : memref<216x128xf32, #tpu.memory_space<vmem_shared>>) dst(%dma_wait3A_441 : memref<216x128xf32, #tpu.memory_space<hbm>>)
      tpu.yield
    }) : () -> ()
    %barrier3A_435 = arith.constant 0 : index
    tpu.barrier barrier_id(%barrier3A_435)
    return
  }
}

module attributes {stable_mosaic.version = 14 : i64} {
  func.func @_pre_mlp_body(%arg0: i32, %arg1: i32, %arg2: memref<1000x256xf32, #tpu.memory_space<vmem>>, %arg3: memref<256x128xf32, #tpu.memory_space<vmem>>, %arg4: memref<1x128xf32, #tpu.memory_space<vmem>>, %arg5: memref<1x1000x128xf32, #tpu.memory_space<vmem>>) attributes {dimension_semantics = [#tpu.dimension_semantics<arbitrary>, #tpu.dimension_semantics<arbitrary>], iteration_bounds = array<i64: 10, 2>, scalar_prefetch = 0 : i64, scratch_operands = 0 : i64, tpu.core_type = #tpu.core_type<tc>, window_params = [{transform_indices = @transform_0, window_bounds = array<i64: 1000, 256>}, {transform_indices = @transform_1, window_bounds = array<i64: 256, 128>}, {transform_indices = @transform_2, window_bounds = array<i64: 1, 128>}, {transform_indices = @transform_3, window_bounds = array<i64: 1, 1000, 128>}]} {
    %get3A = arith.constant 0 : index
    %get3A_0 = arith.constant 0 : index
    %get3A_1 = vector.load %arg2[%get3A, %get3A_0] : memref<1000x256xf32, #tpu.memory_space<vmem>>, vector<1000x256xf32>
    %get3A_2 = arith.constant 0 : index
    %get3A_3 = arith.constant 0 : index
    %get3A_4 = vector.load %arg3[%get3A_2, %get3A_3] : memref<256x128xf32, #tpu.memory_space<vmem>>, vector<256x128xf32>
    %dot_general3A = arith.constant dense<0.000000e+00> : vector<1000x128xf32>
    %dot_general3A_5 = tpu.matmul %get3A_1, %get3A_4, %dot_general3A {dimension_numbers = #tpu.dot_dimension_numbers<[1], [0], [0], [1], [0, 0, 1, 1], [], []>, transpose_lhs_hint = false} : vector<1000x256xf32>, vector<256x128xf32>, vector<1000x128xf32> -> vector<1000x128xf32>
    %get3A_6 = arith.constant 0 : index
    %get3A_7 = arith.constant 0 : index
    %get3A_8 = vector.load %arg4[%get3A_6, %get3A_7] : memref<1x128xf32, #tpu.memory_space<vmem>>, vector<1x128xf32>
    %add3A = vector.broadcast %get3A_8 : vector<1x128xf32> to vector<1000x128xf32>
    %add3A_9 = arith.addf %dot_general3A_5, %add3A : vector<1000x128xf32>
    %max3A = arith.constant 0.000000e+00 : f32
    %max3A_10 = vector.broadcast %max3A : f32 to vector<1000x128xf32>
    %max3A_11 = arith.maximumf %add3A_9, %max3A_10 : vector<1000x128xf32>
    %swap3A = arith.constant 0 : index
    %swap3A_12 = arith.constant 0 : index
    %swap3A_13 = arith.constant 0 : index
    %swap3A_14 = vector.load %arg5[%swap3A, %swap3A_12, %swap3A_13] : memref<1x1000x128xf32, #tpu.memory_space<vmem>>, vector<1x1000x128xf32>
    %swap3A_15 = vector.shape_cast %swap3A_14 : vector<1x1000x128xf32> to vector<1000x128xf32>
    %swap3A_16 = vector.shape_cast %max3A_11 : vector<1000x128xf32> to vector<1x1000x128xf32>
    tpu.vector_store %arg5[%swap3A, %swap3A_12, %swap3A_13], %swap3A_16 {strides = array<i32>} : memref<1x1000x128xf32, #tpu.memory_space<vmem>>, vector<1x1000x128xf32>,
    return
  }
  func.func @transform_0(%arg0: i32, %arg1: i32) -> (i32, i32) {
    %c0_i32 = arith.constant 0 : i32
    %c0_i32_0 = arith.constant 0 : i32
    return %arg0, %c0_i32 : i32, i32
  }
  func.func @transform_1(%arg0: i32, %arg1: i32) -> (i32, i32) {
    %c0_i32 = arith.constant 0 : i32
    %c0_i32_0 = arith.constant 0 : i32
    return %c0_i32, %arg1 : i32, i32
  }
  func.func @transform_2(%arg0: i32, %arg1: i32) -> (i32, i32) {
    %c0_i32 = arith.constant 0 : i32
    %c0_i32_0 = arith.constant 0 : i32
    return %c0_i32, %arg1 : i32, i32
  }
  func.func @transform_3(%arg0: i32, %arg1: i32) -> (i32, i32, i32) {
    %c0_i32 = arith.constant 0 : i32
    %c0_i32_0 = arith.constant 0 : i32
    return %arg1, %arg0, %c0_i32 : i32, i32, i32
  }
}

module attributes {stable_mosaic.version = 14 : i64} {
  func.func @_finalize_body(%arg0: i32, %arg1: memref<2x1000x128xf32, #tpu.memory_space<vmem>>, %arg2: memref<2x1000x128xf32, #tpu.memory_space<vmem>>, %arg3: memref<1000x1xf32, #tpu.memory_space<vmem>>, %arg4: memref<512x256xf32, #tpu.memory_space<vmem>>, %arg5: memref<1x256xf32, #tpu.memory_space<vmem>>, %arg6: memref<1000x512xf32, #tpu.memory_space<vmem>>) attributes {dimension_semantics = [#tpu.dimension_semantics<arbitrary>], iteration_bounds = array<i64: 10>, scalar_prefetch = 0 : i64, scratch_operands = 0 : i64, tpu.core_type = #tpu.core_type<tc>, window_params = [{transform_indices = @transform_0, window_bounds = array<i64: 2, 1000, 128>}, {transform_indices = @transform_1, window_bounds = array<i64: 2, 1000, 128>}, {transform_indices = @transform_2, window_bounds = array<i64: 1000, 1>}, {pipeline_mode = #tpu.pipeline_mode<synchronous>, transform_indices = @transform_3, window_bounds = array<i64: 512, 256>}, {pipeline_mode = #tpu.pipeline_mode<synchronous>, transform_indices = @transform_4, window_bounds = array<i64: 1, 256>}, {transform_indices = @transform_5, window_bounds = array<i64: 1000, 512>}]} {
    %get3A = arith.constant 0 : index
    %get3A_0 = arith.constant 0 : index
    %get3A_1 = arith.constant 0 : index
    %get3A_2 = vector.load %arg1[%get3A, %get3A_0, %get3A_1] : memref<2x1000x128xf32, #tpu.memory_space<vmem>>, vector<1x1000x128xf32>
    %get3A_3 = vector.shape_cast %get3A_2 : vector<1x1000x128xf32> to vector<1000x128xf32>
    %get3A_4 = arith.constant 1 : index
    %get3A_5 = arith.constant 0 : index
    %get3A_6 = arith.constant 0 : index
    %get3A_7 = vector.load %arg1[%get3A_4, %get3A_5, %get3A_6] : memref<2x1000x128xf32, #tpu.memory_space<vmem>>, vector<1x1000x128xf32>
    %get3A_8 = vector.shape_cast %get3A_7 : vector<1x1000x128xf32> to vector<1000x128xf32>
    %concatenate3A = tpu.concatenate %get3A_3, %get3A_8 in 1 : vector<1000x128xf32>, vector<1000x128xf32> -> vector<1000x256xf32>
    %get3A_9 = arith.constant 0 : index
    %get3A_10 = arith.constant 0 : index
    %get3A_11 = vector.load %arg3[%get3A_9, %get3A_10] : memref<1000x1xf32, #tpu.memory_space<vmem>>, vector<1000x1xf32>
    %max3A = arith.constant 1.000000e+00 : f32
    %max3A_12 = vector.broadcast %max3A : f32 to vector<1000x1xf32>
    %max3A_13 = arith.maximumf %get3A_11, %max3A_12 : vector<1000x1xf32>
    %div3A = arith.constant 1.000000e+00 : f32
    %div3A_14 = vector.broadcast %div3A : f32 to vector<1000x1xf32>
    %div3A_15 = arith.divf %div3A_14, %max3A_13 : vector<1000x1xf32>
    %get3A_16 = arith.constant 0 : index
    %get3A_17 = arith.constant 0 : index
    %get3A_18 = arith.constant 0 : index
    %get3A_19 = vector.load %arg2[%get3A_16, %get3A_17, %get3A_18] : memref<2x1000x128xf32, #tpu.memory_space<vmem>>, vector<1x1000x128xf32>
    %get3A_20 = vector.shape_cast %get3A_19 : vector<1x1000x128xf32> to vector<1000x128xf32>
    %mul3A = vector.broadcast %div3A_15 : vector<1000x1xf32> to vector<1000x128xf32>
    %mul3A_21 = arith.mulf %get3A_20, %mul3A : vector<1000x128xf32>
    %get3A_22 = arith.constant 1 : index
    %get3A_23 = arith.constant 0 : index
    %get3A_24 = arith.constant 0 : index
    %get3A_25 = vector.load %arg2[%get3A_22, %get3A_23, %get3A_24] : memref<2x1000x128xf32, #tpu.memory_space<vmem>>, vector<1x1000x128xf32>
    %get3A_26 = vector.shape_cast %get3A_25 : vector<1x1000x128xf32> to vector<1000x128xf32>
    %mul3A_27 = vector.broadcast %div3A_15 : vector<1000x1xf32> to vector<1000x128xf32>
    %mul3A_28 = arith.mulf %get3A_26, %mul3A_27 : vector<1000x128xf32>
    %concatenate3A_29 = tpu.concatenate %mul3A_21, %mul3A_28, %concatenate3A in 1 : vector<1000x128xf32>, vector<1000x128xf32>, vector<1000x256xf32> -> vector<1000x512xf32>
    %get3A_30 = arith.constant 0 : index
    %get3A_31 = arith.constant 0 : index
    %get3A_32 = vector.load %arg4[%get3A_30, %get3A_31] : memref<512x256xf32, #tpu.memory_space<vmem>>, vector<512x256xf32>
    %dot_general3A = arith.constant dense<0.000000e+00> : vector<1000x256xf32>
    %dot_general3A_33 = tpu.matmul %concatenate3A_29, %get3A_32, %dot_general3A {dimension_numbers = #tpu.dot_dimension_numbers<[1], [0], [0], [1], [0, 0, 1, 1], [], []>, transpose_lhs_hint = false} : vector<1000x512xf32>, vector<512x256xf32>, vector<1000x256xf32> -> vector<1000x256xf32>
    %get3A_34 = arith.constant 0 : index
    %get3A_35 = arith.constant 0 : index
    %get3A_36 = vector.load %arg5[%get3A_34, %get3A_35] : memref<1x256xf32, #tpu.memory_space<vmem>>, vector<1x256xf32>
    %add3A = vector.broadcast %get3A_36 : vector<1x256xf32> to vector<1000x256xf32>
    %add3A_37 = arith.addf %dot_general3A_33, %add3A : vector<1000x256xf32>
    %max3A_38 = arith.constant 0.000000e+00 : f32
    %max3A_39 = vector.broadcast %max3A_38 : f32 to vector<1000x256xf32>
    %max3A_40 = arith.maximumf %add3A_37, %max3A_39 : vector<1000x256xf32>
    %swap3A = arith.constant 0 : index
    %swap3A_41 = arith.constant 0 : index
    %swap3A_42 = vector.load %arg6[%swap3A, %swap3A_41] : memref<1000x512xf32, #tpu.memory_space<vmem>>, vector<1000x256xf32>
    tpu.vector_store %arg6[%swap3A, %swap3A_41], %max3A_40 {strides = array<i32>} : memref<1000x512xf32, #tpu.memory_space<vmem>>, vector<1000x256xf32>,
    %swap3A_43 = arith.constant 0 : index
    %swap3A_44 = arith.constant 256 : index
    %swap3A_45 = vector.load %arg6[%swap3A_43, %swap3A_44] : memref<1000x512xf32, #tpu.memory_space<vmem>>, vector<1000x256xf32>
    tpu.vector_store %arg6[%swap3A_43, %swap3A_44], %concatenate3A {strides = array<i32>} : memref<1000x512xf32, #tpu.memory_space<vmem>>, vector<1000x256xf32>,
    return
  }
  func.func @transform_0(%arg0: i32) -> (i32, i32, i32) {
    %c0_i32 = arith.constant 0 : i32
    %c0_i32_0 = arith.constant 0 : i32
    %c0_i32_1 = arith.constant 0 : i32
    return %c0_i32, %arg0, %c0_i32_0 : i32, i32, i32
  }
  func.func @transform_1(%arg0: i32) -> (i32, i32, i32) {
    %c0_i32 = arith.constant 0 : i32
    %c0_i32_0 = arith.constant 0 : i32
    %c0_i32_1 = arith.constant 0 : i32
    return %c0_i32, %arg0, %c0_i32_0 : i32, i32, i32
  }
  func.func @transform_2(%arg0: i32) -> (i32, i32) {
    %c0_i32 = arith.constant 0 : i32
    %c0_i32_0 = arith.constant 0 : i32
    return %arg0, %c0_i32 : i32, i32
  }
  func.func @transform_3(%arg0: i32) -> (i32, i32) {
    %c0_i32 = arith.constant 0 : i32
    %c0_i32_0 = arith.constant 0 : i32
    %c0_i32_1 = arith.constant 0 : i32
    return %c0_i32, %c0_i32_0 : i32, i32
  }
  func.func @transform_4(%arg0: i32) -> (i32, i32) {
    %c0_i32 = arith.constant 0 : i32
    %c0_i32_0 = arith.constant 0 : i32
    %c0_i32_1 = arith.constant 0 : i32
    return %c0_i32, %c0_i32_0 : i32, i32
  }
  func.func @transform_5(%arg0: i32) -> (i32, i32) {
    %c0_i32 = arith.constant 0 : i32
    %c0_i32_0 = arith.constant 0 : i32
    return %arg0, %c0_i32 : i32, i32
  }
}

</mosaic_0001>

<sc_bundles>
// kernel: kernel.5.cloned.1.call-start
scs
__scs_entry_jumppad:
0x0: {  	(pc) =	sbr.rel $0x88, $3  }
0x1: {  	(tag) =	ssettag $0x0;
	lr =	simm.s32 $0x1  }
0x2: {  	[smem:$0x3F9A] =	sst lr;
	_ =	strace $0xD0000000  }
0x3: {  	_ = 	snop  }
0x4: {  	_ = 	snop  }
0x5: {  	_ = 	snop  }
0x6: {  	_ = 	snop  }
0x7: {  	_ = 	snop  }
__scs_overlays_trampoline_lowered:
0x8: {  	[smem:$0x3FA9] =	sst s0  }
0x9: {  	[smem:$0x3FAA] =	sst s1  }
0xa: {  	[smem:$0x3FAB] =	sst s2  }
0xb: {  	[smem:$0x3FAC] =	sst s3  }
0xc: {  	[smem:$0x3FAD] =	sst s4  }
0xd: {  	[smem:$0x3FAE] =	sst s5  }
0xe: {  	[smem:$0x3FAF] =	sst s6  }
0xf: {  	[smem:$0x3FB0] =	sst s7  }
0x10: {  	[smem:$0x3FB1] =	sst s8  }
0x11: {  	[smem:$0x3FB2] =	sst s9;
	s0 =	simm.s32 @!p0 $0x0  }
0x12: {  	s1 =	sld [smem:$0x3F98];
	s0 =	simm.s32 @p0 $0x1  }
0x13: {  	[smem:$0x3FB3] =	sst s0;
	s0 =	simm.s32 @!p1 $0x0  }
0x14: {  	s2 =	sld [smem:$0x3F97];
	s0 =	simm.s32 @p1 $0x1  }
0x15: {  	[smem:$0x3FB4] =	sst s0;
	s0 =	simm.s32 @!p2 $0x0  }
0x16: {  	s3 =	sld [smem:$0x3FDB];
	s0 =	simm.s32 @p2 $0x1  }
0x17: {  	s4 =	simm.s32 $0x1BF5;
	[smem:$0x3FB6] =	sst s0  }
0x18: {  	s0 =	sld [smem:$0x3F99];
	_ =	swait.ge [sflag:s4], $0x0  }
0x19: {  	s7 =	sld [smem:$0x3F9A]  }
0x1a: {  	s8 =	sadd.s32 $0xFFFFE003, lr  }
0x1b: {  	s9 =	sadd.s32 $0xFFFFFEF7, lr;
	s5 =	simm.s32 $0xFFFFFFFF;
	p2 =	slt.u32 s8, $0xFFFFF086  }
0x1c: {  	p1 =	slt.u32 s9, $0xF7A;
	s5 =	simm.s32 @!p2 $0x0  }
0x1d: {  	s5 =	simm.s32 @p1 $0x1;
	p0 =	seq.s32 s7, s2  }
0x1e: {  	s7 =	smul.u32 @!p0 $0xF7A, s2;
	p2 =	seq.s32 @!p0 s5, $0x0  }
0x1f: {  	s9 =	smul.u32 $0xF7A, s1;
	s8 =	simm.s32 @!p0 $0x1BF5;
	p2 =	por !p2, p0  }
0x20: {  	[sflag:s8] =	ssyncset.s32 @!p0 $0xFFFFF086;
	s6 =	sadd.s32 @!p0 s3, s7;
	s7 =	simm.s32 @!p0 $0x108  }
0x21: {  	s3 =	sadd.s32 s3, s9;
	s6 =	sadd.s32 @!p0 $0x88, s6;
	s7 =	simm.s32 @p2 $0x1082  }
0x22: {  	[simem:s7], [sflag:s8] =	dma.local @!p0 [hbm:s6], $0xF7A  }
0x23: {  	s9 =	sor.u32 $0xD0000000, s2;
	s6 =	simm.s32 $0x108;
	_ =	swait.ge @!p0 [sflag:s8], $0x0  }
0x24: {  	s3 =	sadd.s32 $0x88, s3;
	s6 =	simm.s32 @!p1 $0x1082;
	[sflag:s4] =	ssyncset.s32 $0xFFFFF086  }
0x25: {  	[simem:s6], [sflag:s4] =	dma.local [hbm:s3], $0xF7A  }
0x26: {  	[smem:$0x3F9A] =	sst s1;
	(tag) =	ssettag s2;
	_ =	strace s9  }
0x27: {  	s1 =	sld [smem:$0x3FAA]  }
0x28: {  	s2 =	sld [smem:$0x3FAB]  }
0x29: {  	s4 =	sld [smem:$0x3FAD]  }
0x2a: {  	p0 =	seq.s32 s5, $0x0;
	s5 =	sld [smem:$0x3FAE]  }
0x2b: {  	s6 =	sld [smem:$0x3FAF]  }
0x2c: {  	s7 =	sld [smem:$0x3FB0]  }
0x2d: {  	s3 =	simm.s32 $0x108;
	s8 =	sld [smem:$0x3FB1]  }
0x2e: {  	s3 =	simm.s32 @!p0 $0x1082;
	s9 =	sld [smem:$0x3FB2]  }
0x2f: {  	lr =	sadd.s32 s0, s3;
	s0 =	sld [smem:$0x3FA9]  }
0x30: {  	s3 =	sld [smem:$0x3FAC]  }
0x31: {  	[smem:$0x3FB5] =	sst s10  }
0x32: {  	s10 =	sld [smem:$0x3FB3];
	_ =	sdelay $0x3  }
0x33: {  	p0 =	seq.s32 s10, $0x1;
	s10 =	sld [smem:$0x3FB5];
	_ =	sdelay $0x3  }
0x34: {  	[smem:$0x3FB5] =	sst s10  }
0x35: {  	s10 =	sld [smem:$0x3FB4];
	_ =	sdelay $0x3  }
0x36: {  	p1 =	seq.s32 s10, $0x1;
	s10 =	sld [smem:$0x3FB5];
	_ =	sdelay $0x3  }
0x37: {  	[smem:$0x3FB5] =	sst s10  }
0x38: {  	s10 =	sld [smem:$0x3FB6]  }
0x39: {  	_ = 	snop;
	(pc) =	sbr.ind lr, $3  }
0x3a: {  	_ = 	snop  }
0x3b: {  	_ = 	snop  }
0x3c: {  	p2 =	seq.s32 s10, $0x1;
	s10 =	sld [smem:$0x3FB5]  }
0x3d: {  	_ =	shalt  }
0x3e: {  	_ =	shalt  }
0x3f: {  	_ =	shalt  }
0x40: {  	_ =	shalt  }
0x41: {  	_ =	shalt  }
0x42: {  	_ =	shalt  }
0x43: {  	_ =	shalt  }
0x44: {  	_ =	shalt  }
0x45: {  	_ =	shalt  }
0x46: {  	_ =	shalt  }
0x47: {  	_ =	shalt  }
0x48: {  	_ =	shalt  }
0x49: {  	_ =	shalt  }
0x4a: {  	_ =	shalt  }
0x4b: {  	_ =	shalt  }
0x4c: {  	_ =	shalt  }
0x4d: {  	_ =	shalt  }
0x4e: {  	_ =	shalt  }
0x4f: {  	_ =	shalt  }
0x50: {  	_ =	shalt  }
0x51: {  	_ =	shalt  }
0x52: {  	_ =	shalt  }
0x53: {  	_ =	shalt  }
0x54: {  	_ =	shalt  }
0x55: {  	_ =	shalt  }
0x56: {  	_ =	shalt  }
0x57: {  	_ =	shalt  }
0x58: {  	_ =	shalt  }
0x59: {  	_ =	shalt  }
0x5a: {  	_ =	shalt  }
0x5b: {  	_ =	shalt  }
0x5c: {  	_ =	shalt  }
0x5d: {  	_ =	shalt  }
0x5e: {  	_ =	shalt  }
0x5f: {  	_ =	shalt  }
0x60: {  	_ =	shalt  }
0x61: {  	_ =	shalt  }
0x62: {  	_ =	shalt  }
0x63: {  	_ =	shalt  }
0x64: {  	_ =	shalt  }
0x65: {  	_ =	shalt  }
0x66: {  	_ =	shalt  }
0x67: {  	_ =	shalt  }
0x68: {  	_ =	shalt  }
0x69: {  	_ =	shalt  }
0x6a: {  	_ =	shalt  }
0x6b: {  	_ =	shalt  }
0x6c: {  	_ =	shalt  }
0x6d: {  	_ =	shalt  }
0x6e: {  	_ =	shalt  }
0x6f: {  	_ =	shalt  }
0x70: {  	_ =	shalt  }
0x71: {  	_ =	shalt  }
0x72: {  	_ =	shalt  }
0x73: {  	_ =	shalt  }
0x74: {  	_ =	shalt  }
0x75: {  	_ =	shalt  }
0x76: {  	_ =	shalt  }
0x77: {  	_ =	shalt  }
0x78: {  	_ =	shalt  }
0x79: {  	_ =	shalt  }
0x7a: {  	_ =	shalt  }
0x7b: {  	_ =	shalt  }
0x7c: {  	_ =	shalt  }
0x7d: {  	_ =	shalt  }
0x7e: {  	_ =	shalt  }
0x7f: {  	_ =	shalt  }
0x80: {  	_ =	shalt  }
0x81: {  	_ =	shalt  }
0x82: {  	_ =	shalt  }
0x83: {  	_ =	shalt  }
0x84: {  	_ =	shalt  }
0x85: {  	_ =	shalt  }
0x86: {  	_ =	shalt  }
0x87: {  	_ =	shalt  }
.Lfunc_end0:
.L_simem_size_0:
called_computation_lowered:
.L_overlay_start_0:
0x88: {  	s2 =	sld [smem:$0x3FD9]  }
0x89: {  	s3 =	sld [smem:$0x3FFE];
	_ =	sdelay $0x1  }
0x8a: {  	s1 =	srdreg.scid  }
0x8b: {  	s0 =	sand.u32 $0x1, s1  }
0x8c: {  	s17 =	sshll.u32 s0, $0xA;
	s2 =	sadd.s32 s3, s2  }
0x8d: {  	s2 =	sadd.s32 s2, s17  }
0x8e: {  	[smem:$0x3FC1] =	sst s2  }
0x8f: {  	_ = 	snop  }
0x90: {  	s2 =	sld [smem:$0x3FD0];
	(tm) =	ssettm $0x1  }
0x91: {  	s18 =	sld [smem:$0x3FFB];
	_ =	sdelay $0x3  }
0x92: {  	_ =	strace s18  }
0x93: {  	s3 =	sld [smem:$0x3FFC];
	_ =	sdelay $0x3  }
0x94: {  	_ =	strace s3  }
0x95: {  	s3 =	sld [smem:$0x3FFD];
	_ =	sdelay $0x3  }
0x96: {  	_ =	strace s3  }
0x97: {  	_ =	strace $0x8FFFFFFF  }
0x98: {  	s19 =	sld [smem:$0x3FDB];
	_ =	sdelay $0x1  }
0x99: {  	s4 =	simm.s32 $_scs_section_size  }
0x9a: {  	s5 =	simm.s32 $_size__tile_overlayer_lowered;
	s6 =	simm.s32 $_tile_overlayer_lowered  }
0x9b: {  	s22 =	simm.s32 $0x1BFF;
	s21 =	sshll.u32 s6, $0x1;
	s3 =	sadd.s32 s4, s19  }
0x9c: {  	s7 =	simm.s32 $0x0;
	s20 =	sshll.u32 s5, $0x1;
	s5 =	sadd.s32 s21, s3  }
0x9d: {  	[timem:s7], [sflag:s22] =	dma.local [hbm:s5], s20  }
0x9e: {  	_ =	swait.ge [sflag:s22], s20  }
0x9f: {  	s4 =	ssub.s32 $0x0, s20;
	[sflag:s22] =	ssyncset.done $0x0  }
0xa0: {  	[sflag:s22] =	ssyncadd.s32 s4;
	_ =	sdelay $0x1  }
0xa1: {  	s23 =	simm.s32 $0x1B8B  }
0xa2: {  	_ =	swait.ge [sflag:s23], $0x1  }
0xa3: {  	[sflag:s23] =	ssyncset.done $0x0  }
0xa4: {  	s25 =	simm.s32 $0x1B8E;
	s24 =	sld [smem:$0x3FFE];
	[sflag:s23] =	ssyncadd.s32 $0xFFFFFFFF  }
0xa5: {  	s26 =	simm.s32 $execute0_lowered;
	[smem:$0x3FD2] =	sst s25  }
0xa6: {  	s5 =	sshll.u32 s26, $0x1;
	_ =	strace $0x80000046;
	[dreg:$0x1] =	wrdreg $0xFFFFFFFF  }
0xa7: {  	s28 =	simm.s32 $_size_execute0_lowered;
	s3 =	sadd.s32 s3, s5;
	[dreg:$0x0] =	wrdreg $0x0  }
0xa8: {  	s5 =	sshll.u32 s28, $0x1;
	[dreg:$0x2] =	wrdreg s3  }
0xa9: {  	[dreg:$0x3] =	wrdreg s5  }
0xaa: {  	[dreg:$0x4] =	wrdreg $0xC0  }
0xab: {  	_ =	task [dreg:s7], $0x5FFFF  }
0xac: {  	[dreg:$0x1] =	wrdreg $0xFFFFFFFF  }
0xad: {  	[dreg:$0x0] =	wrdreg $0x60  }
0xae: {  	[dreg:$0x2] =	wrdreg s24  }
0xaf: {  	[dreg:$0x3] =	wrdreg s2  }
0xb0: {  	[dreg:$0x4] =	wrdreg $0x0  }
0xb1: {  	[dreg:$0x5] =	wrdreg $0x9  }
0xb2: {  	_ =	task.clear_ibuf [dreg:s7], $0x6FFFF;
	_ =	strace $0x90000046  }
0xb3: {  	s29 =	simm.s32 $0x9;
	_ =	strace $0x80000048  }
0xb4: {  	_ =	swait.ge [sflag:s29], $0x1  }
0xb5: {  	[sflag:s29] =	ssyncadd.s32 $0xFFFFFFFF  }
0xb6: {  	_ =	strace $0x90000048  }
0xb7: {  	_ =	sfence  }
0xb8: {  	s30 =	sld [smem:$0x0];
	_ =	sdelay $0x2  }
0xb9: {  	s31 =	sshll.u32 s1, $0xD;
	s1 =	sshrl.u32 s1, $0x2  }
0xba: {  	s3 =	sand.u32 $0x4000, s31;
	s1 =	sadd.s32 s1, s30  }
0xbb: {  	s0 =	sor.u32 s3, s0;
	s1 =	sshll.u32 s1, $0x11  }
0xbc: {  	s0 =	sor.u32 s1, s0  }
0xbd: {  	s0 =	sadd.s32 $0x8F2B, s0  }
0xbe: {  	[sflag:s0] =	ssyncadd.remote.s32 $0x1  }
0xbf: {  	_ =	sfence.sel $0xFFFF  }
0xc0: {  	[dreg:$0x0] =	wrdreg $0xFFFFFFFF;
	(pc) =	sbr.abs _section_cstart, $3  }
0xc1: {  	[dreg:$0x1] =	wrdreg $0xFFFFFFFF  }
0xc2: {  	_ =	task.clear_ibuf [dreg:s7], $0x2FFFF;
	_ =	strace $0x9FFFFFFF  }
0xc3: {  	(tm) =	ssettm $0x7FFFFFFF  }
tec
execute0_lowered:
.L_overlay_start_1:
0x0: {  	(tag) =	ssettag $0x1  }
0x1: {  	s0 =	rddreg [dreg:$0x0]  }
0x2: {  	s2 =	rddreg [dreg:$0x1]  }
0x3: {  	s1 =	rddreg [dreg:$0x2];
	s3 =	simm.s32 $0x0  }
0x4: {  	s18 =	stileid.u32;
	s6 =	srdreg.scid;
	s28 =	simm.s32 $0x6F40  }
0x5: {  	s29 =	simm.s32 $0x6DC0;
	s30 =	simm.s32 $0x6CC0;
	s8 =	smul.u32 $0x2710, s18  }
0x6: {  	s31 =	simm.s32 $0x9740;
	[smem:$0x7FF] =	sst s3;
	s10 =	smul.u32 $0xD8, s18  }
0x7: {  	s4 =	sadd.s32 $0xFE00, s0;
	s5 =	sadd.s32 $0x6000, s0;
	s11 =	smul.u32 $0x1B000, s18  }
0x8: {  	s6 =	sand.u32 $0x1, s6;
	s15 =	sshll.u32 s18, $0x6;
	s18 =	smul.u32 $0x4E2, s18  }
0x9: {  	s12 =	sadd.s32 $0x1000, s0;
	s7 =	sadd.s32 $0x5E000, s0;
	s14 =	smul.u32 $0x27100, s6  }
0xa: {  	s0 =	sadd.s32 $0x5EE00, s0;
	s9 =	ssub.s32 $0x2, s6;
	s16 =	smul.u32 $0x2880, s6  }
0xb: {  	_ =	strace $0x80000047;
	s22 =	smul.u32 $0x50, s6;
	s13 =	sshrl.u32 s9, $0x1  }
0xc: {  	s11 =	sshrl.u32 s11, $0x2;
	s24 =	sshrl.u32 s8, $0x3;
	s13 =	ssub.s32 s9, s13  }
0xd: {  	s23 =	sadd.s32 s11, s1;
	s9 =	sor.u32 $0x1C03, s15;
	s14 =	sadd.s32 s8, s14  }
0xe: {  	s25 =	sadd.s32 s10, s16;
	s26 =	sadd.s32 s12, s24;
	[dreg:$0x4] =	wrdreg s23  }
0xf: {  	[dreg:$0x5] =	wrdreg s26;
	s10 =	sshrl.u32 s14, $0x3;
	s24 =	smax.u32 s13, $0x1  }
0x10: {  	s15 =	sshll.u32 s25, $0x4;
	s26 =	sadd.s32 $0xA0, s14;
	[dreg:$0xd] =	wrdreg s24  }
0x11: {  	s25 =	sadd.s32 $0x50, s14;
	s16 =	sadd.s32 s5, s10;
	[dreg:$0xe] =	wrdreg s26  }
0x12: {  	s13 =	simm.s32 $0x0;
	s17 =	sadd.s32 s0, s15;
	[dreg:$0x6] =	wrdreg s16  }
0x13: {  	s19 =	sadd.s32 $0xD800, s15;
	s21 =	sadd.s32 s2, s15;
	[dreg:$0x7] =	wrdreg s17  }
0x14: {  	s24 =	simm.s32 $0x6D40;
	s20 =	sadd.s32 s0, s19;
	[dreg:$0xa] =	wrdreg s21  }
0x15: {  	s17 =	sadd.s32 $0x1B000, s15;
	s23 =	sadd.s32 s2, s19;
	[dreg:$0x8] =	wrdreg s20  }
0x16: {  	s26 =	simm.s32 $0x50;
	s0 =	sadd.s32 s0, s17;
	[dreg:$0xb] =	wrdreg s23  }
0x17: {  	s19 =	sadd.s32 s18, s12;
	s2 =	sadd.s32 s2, s17;
	[dreg:$0x9] =	wrdreg s0  }
0x18: {  	s23 =	simm.s32 $0x3;
	[dreg:$0xc] =	wrdreg s2;
	s0 =	sadd.s32 s22, s8  }
0x19: {  	s2 =	sshrl.u32 s25, $0x3;
	s25 =	simm.s32 $0x6C40;
	s8 =	simm.s32 $0x2  }
0x1a: {  	vm0 =	vcmask $0x300;
	v0 =	vimm.f32 $0.0e+00;
	s0 =	sshrl.u32 s0, $0x3;
	s21 =	sadd.s32 s2, s5;
	s2 =	simm.s32 $0x6E40  }
0x1b: {  	v1 =	vsel vm0, $0x3F800000, v0;
	s22 =	sadd.s32 s0, s12;
	s0 =	simm.s32 $0x1;
	s12 =	simm.s32 $0x6EC0  }
.LBB2_1:
0x1c: {  	s14 =	simm.s32 $0x0;
	s15 =	simm.s32 $0x200  }
.LBB2_2:
0x1d: {  	p0 =	sne.s32 s15, $0x9E00;
	[tilespmem:s14+$0xBFB0] =	vst v0  }
0x1e: {  	[tilespmem:s14+$0xBF40] =	vst v1  }
0x1f: {  	[tilespmem:s14+$0xBF50] =	vst v0  }
.Ltmp0:
0x20: {  	[tilespmem:s14+$0xBF60] =	vst v0;
	(pc) =	sbr.rel @p0 .LBB2_2-.Ltmp0, $4  }
0x21: {  	[tilespmem:s14+$0xBF70] =	vst v0  }
0x22: {  	[tilespmem:s14+$0xBF80] =	vst v0  }
0x23: {  	[tilespmem:s14+$0xBF90] =	vst v0  }
0x24: {  	[tilespmem:s14+$0xBFA0] =	vst v0;
	s14 =	sshra.s32 s15, $0x2;
	s15 =	sadd.s32 $0x200, s15  }
0x25: {  	[tilespmem:s14+$0xBFB0] =	vst v0  }
0x26: {  	[tilespmem:s14+$0xBF40] =	vst v1  }
0x27: {  	[tilespmem:s14+$0xBF50] =	vst v0  }
0x28: {  	[tilespmem:s14+$0xBF60] =	vst v0  }
0x29: {  	[tilespmem:s14+$0xBF70] =	vst v0  }
0x2a: {  	[tilespmem:s14+$0xBF80] =	vst v0  }
0x2b: {  	[tilespmem:s14+$0xBF90] =	vst v0;
	s10 =	rddreg [dreg:$0x4]  }
0x2c: {  	[tilespmem:s14+$0xBFA0] =	vst v0;
	s14 =	sshrl.u32 s10, $0x3  }
0x2d: {  	[spmem:s14], [sflag:s9] =	dma.local [hbm:s7], $0xD80  }
0x2e: {  	_ =	swait.ge [sflag:s23], $0xD80  }
0x2f: {  	[sflag:s23] =	ssyncset.done $0x0  }
0x30: {  	[sflag:s23] =	ssyncadd.s32 $0xFFFFF280  }
0x31: {  	[bflag:$0x0] =	sbarrier.arrive $0xFFFF  }
0x32: {  	s15 =	simm.s32 $0x0;
	s17 =	rddreg [dreg:$0x5]  }
0x33: {  	[tilespmem:s24], [sflag:$0x3] =	stream.linear.gather [hbm4b:s17+s15], $0x50, $0x38;
	[tilespmem:$0xE740] =	vst v63  }
0x34: {  	_ =	swait.ge [sflag:s23], $0x50  }
0x35: {  	[sflag:s23] =	ssyncset.done $0x0  }
0x36: {  	[sflag:s23] =	ssyncadd.s32 $0xFFFFFFB0  }
0x37: {  	v2 =	vld [tilespmem:$0x6D40]  }
0x38: {  	v3 =	vld [tilespmem:$0x6D50]  }
0x39: {  	v4 =	vld [tilespmem:$0x6D60]  }
0x3a: {  	v5 =	vld [tilespmem:$0x6D70]  }
0x3b: {  	v6 =	vld [tilespmem:$0x6D80]  }
0x3c: {  	v2 =	vmin.u32 v2, $0xD80  }
0x3d: {  	[tilespmem:$0x6E40] =	vst v2;
	v2 =	vmin.u32 v3, $0xD80  }
0x3e: {  	[tilespmem:$0x6E50] =	vst v2;
	v2 =	vmin.u32 v4, $0xD80  }
0x3f: {  	[tilespmem:$0x6E60] =	vst v2;
	v2 =	vmin.u32 v5, $0xD80  }
0x40: {  	[tilespmem:$0x6E70] =	vst v2;
	v2 =	vmin.u32 v6, $0xD80  }
0x41: {  	s20 =	rddreg [dreg:$0x6];
	[tilespmem:$0x6E80] =	vst v2  }
0x42: {  	[tilespmem:s25], [sflag:$0x3] =	stream.linear.gather [hbm4b:s20+s15], $0x50, $0x38;
	[tilespmem:$0xE740] =	vst v63  }
0x43: {  	_ =	swait.ge [sflag:s23], $0x50  }
0x44: {  	[sflag:s23] =	ssyncset.done $0x0  }
0x45: {  	s10 =	sadd.s32 $0x0, s19;
	[sflag:s23] =	ssyncadd.s32 $0xFFFFFFB0  }
0x46: {  	[tilespmem:s28], [sflag:$0x1] =	stream.indirect.gather [hbm4b:s4+s26], $0x80, s25, s26, $0xb8;
	[tilespmem:$0xE740] =	vst v63  }
0x47: {  	s16 =	sadd.s32 $0xA, s10  }
0x48: {  	[tilespmem:s29], [sflag:$0x3] =	stream.linear.gather [hbm4b:s16+s3], $0x50, $0x38;
	[tilespmem:$0xE740] =	vst v63  }
0x49: {  	_ =	swait.ge [sflag:s23], $0x50  }
0x4a: {  	[sflag:s23] =	ssyncset.done $0x0  }
0x4b: {  	[sflag:s23] =	ssyncadd.s32 $0xFFFFFFB0  }
0x4c: {  	v2 =	vld [tilespmem:$0x6E00]  }
0x4d: {  	v3 =	vld [tilespmem:$0x6DE0]  }
0x4e: {  	v58 =	vld [tilespmem:$0x6DD0]  }
0x4f: {  	v59 =	vld [tilespmem:$0x6DC0]  }
0x50: {  	v60 =	vld [tilespmem:$0x6DF0]  }
0x51: {  	v2 =	vmin.u32 v2, $0xD80  }
0x52: {  	v3 =	vmin.u32 v3, $0xD80;
	[tilespmem:$0x6F00] =	vst v2  }
0x53: {  	v2 =	vmin.u32 v58, $0xD80;
	[tilespmem:$0x6EE0] =	vst v3  }
0x54: {  	v3 =	vmin.u32 v59, $0xD80;
	[tilespmem:$0x6ED0] =	vst v2  }
0x55: {  	[tilespmem:$0x6EC0] =	vst v3;
	v2 =	vmin.u32 v60, $0xD80  }
0x56: {  	s11 =	sadd.s32 $0x0, s21;
	[tilespmem:$0x6EF0] =	vst v2  }
0x57: {  	[tilespmem:s30], [sflag:$0x3] =	stream.linear.gather [hbm4b:s11+s3], $0x50, $0x38;
	[tilespmem:$0xE740] =	vst v63  }
0x58: {  	_ =	swait.ge [sflag:s23], $0x50  }
0x59: {  	[sflag:s23] =	ssyncset.done $0x0  }
0x5a: {  	[sflag:s23] =	ssyncadd.s32 $0xFFFFFFB0  }
0x5b: {  	[tilespmem:s31], [sflag:$0x2] =	stream.indirect.gather [hbm4b:s4+s26], $0x80, s30, s26, $0xb8;
	[tilespmem:$0xE740] =	vst v63  }
0x5c: {  	_ =	swait.ge [sflag:s0], $0x2800  }
0x5d: {  	[sflag:s0] =	ssyncset.done $0x0  }
0x5e: {  	[sflag:s0] =	ssyncadd.s32 $0xFFFFD800  }
0x5f: {  	[spmem:s1] =	stream.indirect.scatter.add.f32 [tilespmem:s28], [sflag:$0x3], $0x80, s2, s26, $0xb8;
	[tilespmem:$0xE740] =	vst v63  }
0x60: {  	_ =	swait.ge [sflag:s23], $0x2800  }
0x61: {  	[sflag:s23] =	ssyncset.done $0x0  }
0x62: {  	s15 =	sadd.s32 $0x14, s10;
	[sflag:s23] =	ssyncadd.s32 $0xFFFFD800  }
0x63: {  	[tilespmem:s24], [sflag:$0x3] =	stream.linear.gather [hbm4b:s15+s3], $0x50, $0x38;
	[tilespmem:$0xE740] =	vst v63  }
0x64: {  	_ =	swait.ge [sflag:s23], $0x50  }
0x65: {  	[sflag:s23] =	ssyncset.done $0x0  }
0x66: {  	[sflag:s23] =	ssyncadd.s32 $0xFFFFFFB0  }
0x67: {  	v2 =	vld [tilespmem:$0x6D80]  }
0x68: {  	v3 =	vld [tilespmem:$0x6D70]  }
0x69: {  	v61 =	vld [tilespmem:$0x6D50]  }
0x6a: {  	v62 =	vld [tilespmem:$0x6D40]  }
0x6b: {  	v63 =	vld [tilespmem:$0x6D60]  }
0x6c: {  	v2 =	vmin.u32 v2, $0xD80  }
0x6d: {  	v3 =	vmin.u32 v3, $0xD80;
	[tilespmem:$0x6E80] =	vst v2  }
0x6e: {  	v2 =	vmin.u32 v61, $0xD80;
	[tilespmem:$0x6E70] =	vst v3  }
0x6f: {  	s20 =	rddreg [dreg:$0xe];
	v3 =	vmin.u32 v62, $0xD80;
	[tilespmem:$0x6E50] =	vst v2  }
0x70: {  	s18 =	sshrl.u32 s20, $0x3;
	[tilespmem:$0x6E40] =	vst v3;
	v2 =	vmin.u32 v63, $0xD80  }
0x71: {  	s15 =	sadd.s32 s5, s18;
	[tilespmem:$0x6E60] =	vst v2  }
0x72: {  	[tilespmem:s25], [sflag:$0x3] =	stream.linear.gather [hbm4b:s15+s3], $0x50, $0x38;
	[tilespmem:$0xE740] =	vst v63  }
0x73: {  	_ =	swait.ge [sflag:s23], $0x50  }
0x74: {  	s16 =	simm.s32 $0x14;
	[sflag:s23] =	ssyncset.done $0x0  }
.LBB2_4:
0x75: {  	p0 =	sne.s32 s16, $0x4C4;
	[sflag:s23] =	ssyncadd.s32 $0xFFFFFFB0;
	s20 =	sadd.s32 $0xA0, s20  }
0x76: {  	[tilespmem:s28], [sflag:$0x1] =	stream.indirect.gather [hbm4b:s4+s26], $0x80, s25, s26, $0xb8;
	[tilespmem:$0xE740] =	vst v63  }
0x77: {  	s10 =	smov.u32 s16;
	s16 =	sadd.s32 $0x14, s16;
	_ =	swait.ge [sflag:s8], $0x2800  }
0x78: {  	[sflag:s8] =	ssyncset.done $0x0  }
0x79: {  	[sflag:s8] =	ssyncadd.s32 $0xFFFFD800  }
0x7a: {  	[spmem:s1] =	stream.indirect.scatter.add.f32 [tilespmem:s31], [sflag:$0x3], $0x80, s12, s26, $0xb8;
	[tilespmem:$0xE740] =	vst v63  }
0x7b: {  	_ =	swait.ge [sflag:s23], $0x2800  }
0x7c: {  	s18 =	sadd.s32 s10, s19;
	[sflag:s23] =	ssyncset.done $0x0  }
0x7d: {  	s11 =	sadd.s32 $0xA, s18;
	[sflag:s23] =	ssyncadd.s32 $0xFFFFD800  }
0x7e: {  	[tilespmem:s29], [sflag:$0x3] =	stream.linear.gather [hbm4b:s11+s3], $0x50, $0x38;
	[tilespmem:$0xE740] =	vst v63  }
0x7f: {  	_ =	swait.ge [sflag:s23], $0x50  }
0x80: {  	[sflag:s23] =	ssyncset.done $0x0  }
0x81: {  	[sflag:s23] =	ssyncadd.s32 $0xFFFFFFB0  }
0x82: {  	v2 =	vld [tilespmem:$0x6E00]  }
0x83: {  	v3 =	vld [tilespmem:$0x6DE0]  }
0x84: {  	v4 =	vld [tilespmem:$0x6DD0]  }
0x85: {  	v5 =	vld [tilespmem:$0x6DC0]  }
0x86: {  	v6 =	vld [tilespmem:$0x6DF0]  }
0x87: {  	v2 =	vmin.u32 v2, $0xD80  }
0x88: {  	v3 =	vmin.u32 v3, $0xD80;
	[tilespmem:$0x6F00] =	vst v2  }
0x89: {  	v2 =	vmin.u32 v4, $0xD80;
	[tilespmem:$0x6EE0] =	vst v3  }
0x8a: {  	v3 =	vmin.u32 v5, $0xD80;
	[tilespmem:$0x6ED0] =	vst v2  }
0x8b: {  	[tilespmem:$0x6EC0] =	vst v3;
	v2 =	vmin.u32 v6, $0xD80  }
0x8c: {  	s10 =	sadd.s32 s10, s21;
	[tilespmem:$0x6EF0] =	vst v2  }
0x8d: {  	[tilespmem:s30], [sflag:$0x3] =	stream.linear.gather [hbm4b:s10+s3], $0x50, $0x38;
	[tilespmem:$0xE740] =	vst v63  }
0x8e: {  	_ =	swait.ge [sflag:s23], $0x50  }
0x8f: {  	[sflag:s23] =	ssyncset.done $0x0  }
0x90: {  	[sflag:s23] =	ssyncadd.s32 $0xFFFFFFB0  }
0x91: {  	[tilespmem:s31], [sflag:$0x2] =	stream.indirect.gather [hbm4b:s4+s26], $0x80, s30, s26, $0xb8;
	[tilespmem:$0xE740] =	vst v63  }
0x92: {  	_ =	swait.ge [sflag:s0], $0x2800  }
0x93: {  	[sflag:s0] =	ssyncset.done $0x0  }
0x94: {  	[sflag:s0] =	ssyncadd.s32 $0xFFFFD800  }
0x95: {  	[spmem:s1] =	stream.indirect.scatter.add.f32 [tilespmem:s28], [sflag:$0x3], $0x80, s2, s26, $0xb8;
	[tilespmem:$0xE740] =	vst v63  }
0x96: {  	_ =	swait.ge [sflag:s23], $0x2800  }
0x97: {  	[sflag:s23] =	ssyncset.done $0x0  }
0x98: {  	s10 =	sadd.s32 $0x14, s18;
	[sflag:s23] =	ssyncadd.s32 $0xFFFFD800  }
0x99: {  	[tilespmem:s24], [sflag:$0x3] =	stream.linear.gather [hbm4b:s10+s3], $0x50, $0x38;
	[tilespmem:$0xE740] =	vst v63  }
0x9a: {  	_ =	swait.ge [sflag:s23], $0x50  }
0x9b: {  	[sflag:s23] =	ssyncset.done $0x0  }
0x9c: {  	[sflag:s23] =	ssyncadd.s32 $0xFFFFFFB0  }
0x9d: {  	v2 =	vld [tilespmem:$0x6D80]  }
0x9e: {  	v3 =	vld [tilespmem:$0x6D70]  }
0x9f: {  	v4 =	vld [tilespmem:$0x6D50]  }
0xa0: {  	v5 =	vld [tilespmem:$0x6D40]  }
0xa1: {  	v6 =	vld [tilespmem:$0x6D60]  }
0xa2: {  	v2 =	vmin.u32 v2, $0xD80  }
0xa3: {  	v3 =	vmin.u32 v3, $0xD80;
	[tilespmem:$0x6E80] =	vst v2  }
0xa4: {  	v2 =	vmin.u32 v4, $0xD80;
	[tilespmem:$0x6E70] =	vst v3  }
0xa5: {  	v3 =	vmin.u32 v5, $0xD80;
	[tilespmem:$0x6E50] =	vst v2  }
.Ltmp1:
0xa6: {  	s10 =	sshrl.u32 s20, $0x3;
	[tilespmem:$0x6E40] =	vst v3;
	v2 =	vmin.u32 v6, $0xD80;
	(pc) =	sbr.rel @p0 .LBB2_4-.Ltmp1, $4  }
0xa7: {  	s10 =	sadd.s32 s5, s10;
	[tilespmem:$0x6E60] =	vst v2  }
0xa8: {  	[tilespmem:s25], [sflag:$0x3] =	stream.linear.gather [hbm4b:s10+s3], $0x50, $0x38;
	[tilespmem:$0xE740] =	vst v63  }
0xa9: {  	_ =	swait.ge [sflag:s23], $0x50  }
0xaa: {  	[sflag:s23] =	ssyncset.done $0x0  }
0xab: {  	[sflag:s23] =	ssyncadd.s32 $0xFFFFFFB0  }
0xac: {  	[tilespmem:s28], [sflag:$0x1] =	stream.indirect.gather [hbm4b:s4+s26], $0x80, s25, s26, $0xb8;
	[tilespmem:$0xE740] =	vst v63  }
0xad: {  	_ =	swait.ge [sflag:s8], $0x2800  }
0xae: {  	[sflag:s8] =	ssyncset.done $0x0  }
0xaf: {  	[sflag:s8] =	ssyncadd.s32 $0xFFFFD800  }
0xb0: {  	[spmem:s1] =	stream.indirect.scatter.add.f32 [tilespmem:s31], [sflag:$0x3], $0x80, s12, s26, $0xb8;
	[tilespmem:$0xE740] =	vst v63  }
0xb1: {  	_ =	swait.ge [sflag:s23], $0x2800  }
0xb2: {  	[sflag:s23] =	ssyncset.done $0x0  }
0xb3: {  	[sflag:s23] =	ssyncadd.s32 $0xFFFFD800  }
0xb4: {  	_ =	swait.ge [sflag:s0], $0x2800  }
0xb5: {  	[sflag:s0] =	ssyncset.done $0x0  }
0xb6: {  	[sflag:s0] =	ssyncadd.s32 $0xFFFFD800  }
0xb7: {  	[spmem:s1] =	stream.indirect.scatter.add.f32 [tilespmem:s28], [sflag:$0x3], $0x80, s2, s26, $0xb8;
	[tilespmem:$0xE740] =	vst v63  }
0xb8: {  	_ =	swait.ge [sflag:s23], $0x2800  }
0xb9: {  	[sflag:s23] =	ssyncset.done $0x0  }
0xba: {  	[sflag:s23] =	ssyncadd.s32 $0xFFFFD800  }
0xbb: {  	[bflag:$0x0] =	sbarrier.arrive $0xFFFF  }
0xbc: {  	s10 =	rddreg [dreg:$0x7]  }
0xbd: {  	[hbm:s10], [sflag:s9] =	dma.local [spmem:s14], $0xD80  }
0xbe: {  	_ =	swait.ge [sflag:s23], $0xD80  }
0xbf: {  	[sflag:s23] =	ssyncset.done $0x0  }
0xc0: {  	[sflag:s23] =	ssyncadd.s32 $0xFFFFF280  }
0xc1: {  	[spmem:s14], [sflag:s9] =	dma.local [hbm:s7], $0xD80  }
0xc2: {  	_ =	swait.ge [sflag:s23], $0xD80  }
0xc3: {  	[sflag:s23] =	ssyncset.done $0x0  }
0xc4: {  	[sflag:s23] =	ssyncadd.s32 $0xFFFFF280  }
0xc5: {  	s20 =	simm.s32 $0x0;
	[bflag:$0x0] =	sbarrier.arrive $0xFFFF  }
0xc6: {  	[tilespmem:s24], [sflag:$0x3] =	stream.linear.gather [hbm4b:s17+s20], $0x50, $0x38;
	[tilespmem:$0xE740] =	vst v63  }
0xc7: {  	_ =	swait.ge [sflag:s23], $0x50  }
0xc8: {  	[sflag:s23] =	ssyncset.done $0x0  }
0xc9: {  	[sflag:s23] =	ssyncadd.s32 $0xFFFFFFB0  }
0xca: {  	v2 =	vld [tilespmem:$0x6D40]  }
0xcb: {  	v3 =	vld [tilespmem:$0x6D50]  }
0xcc: {  	v4 =	vld [tilespmem:$0x6D60]  }
0xcd: {  	v5 =	vld [tilespmem:$0x6D70]  }
0xce: {  	v6 =	vld [tilespmem:$0x6D80]  }
0xcf: {  	v2 =	vadd.s32 $0xFFFFF280, v2  }
0xd0: {  	v3 =	vadd.s32 $0xFFFFF280, v3;
	v2 =	vmin.u32 v2, $0xD80  }
0xd1: {  	[tilespmem:$0x6E40] =	vst v2;
	v2 =	vmin.u32 v3, $0xD80;
	v3 =	vadd.s32 $0xFFFFF280, v4  }
0xd2: {  	[tilespmem:$0x6E50] =	vst v2;
	v2 =	vmin.u32 v3, $0xD80;
	v3 =	vadd.s32 $0xFFFFF280, v5  }
0xd3: {  	[tilespmem:$0x6E60] =	vst v2;
	v2 =	vmin.u32 v3, $0xD80;
	v3 =	vadd.s32 $0xFFFFF280, v6  }
0xd4: {  	[tilespmem:$0x6E70] =	vst v2;
	v2 =	vmin.u32 v3, $0xD80  }
0xd5: {  	s11 =	rddreg [dreg:$0x6];
	[tilespmem:$0x6E80] =	vst v2  }
0xd6: {  	[tilespmem:s25], [sflag:$0x3] =	stream.linear.gather [hbm4b:s11+s20], $0x50, $0x38;
	[tilespmem:$0xE740] =	vst v63  }
0xd7: {  	_ =	swait.ge [sflag:s23], $0x50  }
0xd8: {  	[sflag:s23] =	ssyncset.done $0x0  }
0xd9: {  	s16 =	sadd.s32 $0x0, s19;
	[sflag:s23] =	ssyncadd.s32 $0xFFFFFFB0  }
0xda: {  	[tilespmem:s28], [sflag:$0x1] =	stream.indirect.gather [hbm4b:s4+s26], $0x80, s25, s26, $0xb8;
	[tilespmem:$0xE740] =	vst v63  }
0xdb: {  	s18 =	sadd.s32 $0xA, s16  }
0xdc: {  	[tilespmem:s29], [sflag:$0x3] =	stream.linear.gather [hbm4b:s18+s3], $0x50, $0x38;
	[tilespmem:$0xE740] =	vst v63  }
0xdd: {  	_ =	swait.ge [sflag:s23], $0x50  }
0xde: {  	[sflag:s23] =	ssyncset.done $0x0  }
0xdf: {  	[sflag:s23] =	ssyncadd.s32 $0xFFFFFFB0  }
0xe0: {  	v2 =	vld [tilespmem:$0x6DF0]  }
0xe1: {  	v3 =	vld [tilespmem:$0x6DD0]  }
0xe2: {  	v56 =	vld [tilespmem:$0x6DC0]  }
0xe3: {  	v57 =	vld [tilespmem:$0x6DE0]  }
0xe4: {  	v58 =	vld [tilespmem:$0x6E00]  }
0xe5: {  	v2 =	vadd.s32 $0xFFFFF280, v2  }
0xe6: {  	v3 =	vadd.s32 $0xFFFFF280, v3;
	v2 =	vmin.u32 v2, $0xD80  }
0xe7: {  	v4 =	vadd.s32 $0xFFFFF280, v56;
	v3 =	vmin.u32 v3, $0xD80;
	[tilespmem:$0x6EF0] =	vst v2  }
0xe8: {  	v2 =	vmin.u32 v4, $0xD80;
	[tilespmem:$0x6ED0] =	vst v3;
	v3 =	vadd.s32 $0xFFFFF280, v57  }
0xe9: {  	[tilespmem:$0x6EC0] =	vst v2;
	v2 =	vmin.u32 v3, $0xD80;
	v3 =	vadd.s32 $0xFFFFF280, v58  }
0xea: {  	[tilespmem:$0x6EE0] =	vst v2;
	v2 =	vmin.u32 v3, $0xD80  }
0xeb: {  	s20 =	sadd.s32 $0x0, s21;
	[tilespmem:$0x6F00] =	vst v2  }
0xec: {  	[tilespmem:s30], [sflag:$0x3] =	stream.linear.gather [hbm4b:s20+s3], $0x50, $0x38;
	[tilespmem:$0xE740] =	vst v63  }
0xed: {  	_ =	swait.ge [sflag:s23], $0x50  }
0xee: {  	[sflag:s23] =	ssyncset.done $0x0  }
0xef: {  	[sflag:s23] =	ssyncadd.s32 $0xFFFFFFB0  }
0xf0: {  	[tilespmem:s31], [sflag:$0x2] =	stream.indirect.gather [hbm4b:s4+s26], $0x80, s30, s26, $0xb8;
	[tilespmem:$0xE740] =	vst v63  }
0xf1: {  	_ =	swait.ge [sflag:s0], $0x2800  }
0xf2: {  	[sflag:s0] =	ssyncset.done $0x0  }
0xf3: {  	[sflag:s0] =	ssyncadd.s32 $0xFFFFD800  }
0xf4: {  	[spmem:s1] =	stream.indirect.scatter.add.f32 [tilespmem:s28], [sflag:$0x3], $0x80, s2, s26, $0xb8;
	[tilespmem:$0xE740] =	vst v63  }
0xf5: {  	_ =	swait.ge [sflag:s23], $0x2800  }
0xf6: {  	[sflag:s23] =	ssyncset.done $0x0  }
0xf7: {  	s10 =	sadd.s32 $0x14, s16;
	[sflag:s23] =	ssyncadd.s32 $0xFFFFD800  }
0xf8: {  	[tilespmem:s24], [sflag:$0x3] =	stream.linear.gather [hbm4b:s10+s3], $0x50, $0x38;
	[tilespmem:$0xE740] =	vst v63  }
0xf9: {  	_ =	swait.ge [sflag:s23], $0x50  }
0xfa: {  	[sflag:s23] =	ssyncset.done $0x0  }
0xfb: {  	[sflag:s23] =	ssyncadd.s32 $0xFFFFFFB0  }
0xfc: {  	v2 =	vld [tilespmem:$0x6D40]  }
0xfd: {  	v3 =	vld [tilespmem:$0x6D80]  }
0xfe: {  	v60 =	vld [tilespmem:$0x6D50]  }
0xff: {  	v59 =	vld [tilespmem:$0x6D70]  }
0x100: {  	v61 =	vld [tilespmem:$0x6D60]  }
0x101: {  	v2 =	vadd.s32 $0xFFFFF280, v2  }
0x102: {  	v3 =	vadd.s32 $0xFFFFF280, v3;
	v2 =	vmin.u32 v2, $0xD80  }
0x103: {  	v62 =	vadd.s32 $0xFFFFF280, v60;
	v3 =	vmin.u32 v3, $0xD80;
	[tilespmem:$0x6E40] =	vst v2  }
0x104: {  	v2 =	vadd.s32 $0xFFFFF280, v59;
	[tilespmem:$0x6E80] =	vst v3;
	v3 =	vmin.u32 v62, $0xD80  }
0x105: {  	v63 =	vadd.s32 $0xFFFFF280, v61;
	v2 =	vmin.u32 v2, $0xD80;
	[tilespmem:$0x6E50] =	vst v3  }
0x106: {  	[tilespmem:$0x6E70] =	vst v2;
	v2 =	vmin.u32 v63, $0xD80  }
0x107: {  	[tilespmem:$0x6E60] =	vst v2  }
0x108: {  	[tilespmem:s25], [sflag:$0x3] =	stream.linear.gather [hbm4b:s15+s3], $0x50, $0x38;
	[tilespmem:$0xE740] =	vst v63  }
0x109: {  	_ =	swait.ge [sflag:s23], $0x50  }
0x10a: {  	s16 =	simm.s32 $0x14;
	s20 =	rddreg [dreg:$0xe]  }
.LBB2_6:
0x10b: {  	p0 =	sne.s32 s16, $0x4C4;
	[sflag:s23] =	ssyncset.done $0x0;
	s20 =	sadd.s32 $0xA0, s20  }
0x10c: {  	s10 =	smov.u32 s16;
	s16 =	sadd.s32 $0x14, s16;
	[sflag:s23] =	ssyncadd.s32 $0xFFFFFFB0  }
0x10d: {  	[tilespmem:s28], [sflag:$0x1] =	stream.indirect.gather [hbm4b:s4+s26], $0x80, s25, s26, $0xb8;
	[tilespmem:$0xE740] =	vst v63  }
0x10e: {  	_ =	swait.ge [sflag:s8], $0x2800  }
0x10f: {  	[sflag:s8] =	ssyncset.done $0x0  }
0x110: {  	[sflag:s8] =	ssyncadd.s32 $0xFFFFD800  }
0x111: {  	[spmem:s1] =	stream.indirect.scatter.add.f32 [tilespmem:s31], [sflag:$0x3], $0x80, s12, s26, $0xb8;
	[tilespmem:$0xE740] =	vst v63  }
0x112: {  	s18 =	sadd.s32 s10, s19;
	_ =	swait.ge [sflag:s23], $0x2800  }
0x113: {  	s11 =	sadd.s32 $0xA, s18;
	[sflag:s23] =	ssyncset.done $0x0  }
0x114: {  	[sflag:s23] =	ssyncadd.s32 $0xFFFFD800  }
0x115: {  	[tilespmem:s29], [sflag:$0x3] =	stream.linear.gather [hbm4b:s11+s3], $0x50, $0x38;
	[tilespmem:$0xE740] =	vst v63  }
0x116: {  	_ =	swait.ge [sflag:s23], $0x50  }
0x117: {  	[sflag:s23] =	ssyncset.done $0x0  }
0x118: {  	[sflag:s23] =	ssyncadd.s32 $0xFFFFFFB0  }
0x119: {  	v2 =	vld [tilespmem:$0x6DF0]  }
0x11a: {  	v3 =	vld [tilespmem:$0x6DD0]  }
0x11b: {  	v4 =	vld [tilespmem:$0x6DC0]  }
0x11c: {  	v5 =	vld [tilespmem:$0x6DE0]  }
0x11d: {  	v6 =	vld [tilespmem:$0x6E00]  }
0x11e: {  	v2 =	vadd.s32 $0xFFFFF280, v2  }
0x11f: {  	v3 =	vadd.s32 $0xFFFFF280, v3;
	v2 =	vmin.u32 v2, $0xD80  }
0x120: {  	v4 =	vadd.s32 $0xFFFFF280, v4;
	v3 =	vmin.u32 v3, $0xD80;
	[tilespmem:$0x6EF0] =	vst v2  }
0x121: {  	v2 =	vmin.u32 v4, $0xD80;
	[tilespmem:$0x6ED0] =	vst v3;
	v3 =	vadd.s32 $0xFFFFF280, v5  }
0x122: {  	[tilespmem:$0x6EC0] =	vst v2;
	v2 =	vmin.u32 v3, $0xD80;
	v3 =	vadd.s32 $0xFFFFF280, v6  }
0x123: {  	[tilespmem:$0x6EE0] =	vst v2;
	v2 =	vmin.u32 v3, $0xD80  }
0x124: {  	s10 =	sadd.s32 s10, s21;
	[tilespmem:$0x6F00] =	vst v2  }
0x125: {  	[tilespmem:s30], [sflag:$0x3] =	stream.linear.gather [hbm4b:s10+s3], $0x50, $0x38;
	[tilespmem:$0xE740] =	vst v63  }
0x126: {  	_ =	swait.ge [sflag:s23], $0x50  }
0x127: {  	[sflag:s23] =	ssyncset.done $0x0  }
0x128: {  	[sflag:s23] =	ssyncadd.s32 $0xFFFFFFB0  }
0x129: {  	[tilespmem:s31], [sflag:$0x2] =	stream.indirect.gather [hbm4b:s4+s26], $0x80, s30, s26, $0xb8;
	[tilespmem:$0xE740] =	vst v63  }
0x12a: {  	_ =	swait.ge [sflag:s0], $0x2800  }
0x12b: {  	[sflag:s0] =	ssyncset.done $0x0  }
0x12c: {  	[sflag:s0] =	ssyncadd.s32 $0xFFFFD800  }
0x12d: {  	[spmem:s1] =	stream.indirect.scatter.add.f32 [tilespmem:s28], [sflag:$0x3], $0x80, s2, s26, $0xb8;
	[tilespmem:$0xE740] =	vst v63  }
0x12e: {  	_ =	swait.ge [sflag:s23], $0x2800  }
0x12f: {  	[sflag:s23] =	ssyncset.done $0x0  }
0x130: {  	s10 =	sadd.s32 $0x14, s18;
	[sflag:s23] =	ssyncadd.s32 $0xFFFFD800  }
0x131: {  	[tilespmem:s24], [sflag:$0x3] =	stream.linear.gather [hbm4b:s10+s3], $0x50, $0x38;
	[tilespmem:$0xE740] =	vst v63  }
0x132: {  	_ =	swait.ge [sflag:s23], $0x50  }
0x133: {  	[sflag:s23] =	ssyncset.done $0x0  }
0x134: {  	[sflag:s23] =	ssyncadd.s32 $0xFFFFFFB0  }
0x135: {  	v2 =	vld [tilespmem:$0x6D40]  }
0x136: {  	v3 =	vld [tilespmem:$0x6D80]  }
0x137: {  	v4 =	vld [tilespmem:$0x6D70]  }
0x138: {  	v5 =	vld [tilespmem:$0x6D50]  }
0x139: {  	v6 =	vld [tilespmem:$0x6D60]  }
0x13a: {  	v2 =	vadd.s32 $0xFFFFF280, v2  }
0x13b: {  	v2 =	vmin.u32 v2, $0xD80;
	v3 =	vadd.s32 $0xFFFFF280, v3  }
0x13c: {  	[tilespmem:$0x6E40] =	vst v2;
	v2 =	vadd.s32 $0xFFFFF280, v4;
	v3 =	vmin.u32 v3, $0xD80  }
0x13d: {  	v4 =	vadd.s32 $0xFFFFF280, v5;
	v2 =	vmin.u32 v2, $0xD80;
	[tilespmem:$0x6E80] =	vst v3  }
.Ltmp2:
0x13e: {  	v3 =	vmin.u32 v4, $0xD80;
	v4 =	vadd.s32 $0xFFFFF280, v6;
	[tilespmem:$0x6E70] =	vst v2;
	(pc) =	sbr.rel @p0 .LBB2_6-.Ltmp2, $4  }
0x13f: {  	s10 =	sshrl.u32 s20, $0x3;
	[tilespmem:$0x6E50] =	vst v3;
	v2 =	vmin.u32 v4, $0xD80  }
0x140: {  	s10 =	sadd.s32 s5, s10;
	[tilespmem:$0x6E60] =	vst v2  }
0x141: {  	[tilespmem:s25], [sflag:$0x3] =	stream.linear.gather [hbm4b:s10+s3], $0x50, $0x38;
	[tilespmem:$0xE740] =	vst v63  }
0x142: {  	_ =	swait.ge [sflag:s23], $0x50  }
0x143: {  	[sflag:s23] =	ssyncset.done $0x0  }
0x144: {  	[sflag:s23] =	ssyncadd.s32 $0xFFFFFFB0  }
0x145: {  	[tilespmem:s28], [sflag:$0x1] =	stream.indirect.gather [hbm4b:s4+s26], $0x80, s25, s26, $0xb8;
	[tilespmem:$0xE740] =	vst v63  }
0x146: {  	_ =	swait.ge [sflag:s8], $0x2800  }
0x147: {  	[sflag:s8] =	ssyncset.done $0x0  }
0x148: {  	[sflag:s8] =	ssyncadd.s32 $0xFFFFD800  }
0x149: {  	[spmem:s1] =	stream.indirect.scatter.add.f32 [tilespmem:s31], [sflag:$0x3], $0x80, s12, s26, $0xb8;
	[tilespmem:$0xE740] =	vst v63  }
0x14a: {  	_ =	swait.ge [sflag:s23], $0x2800  }
0x14b: {  	[sflag:s23] =	ssyncset.done $0x0  }
0x14c: {  	[sflag:s23] =	ssyncadd.s32 $0xFFFFD800  }
0x14d: {  	_ =	swait.ge [sflag:s0], $0x2800  }
0x14e: {  	[sflag:s0] =	ssyncset.done $0x0  }
0x14f: {  	[sflag:s0] =	ssyncadd.s32 $0xFFFFD800  }
0x150: {  	[spmem:s1] =	stream.indirect.scatter.add.f32 [tilespmem:s28], [sflag:$0x3], $0x80, s2, s26, $0xb8;
	[tilespmem:$0xE740] =	vst v63  }
0x151: {  	_ =	swait.ge [sflag:s23], $0x2800  }
0x152: {  	[sflag:s23] =	ssyncset.done $0x0  }
0x153: {  	[sflag:s23] =	ssyncadd.s32 $0xFFFFD800  }
0x154: {  	[bflag:$0x0] =	sbarrier.arrive $0xFFFF  }
0x155: {  	s10 =	rddreg [dreg:$0x8]  }
0x156: {  	[hbm:s10], [sflag:s9] =	dma.local [spmem:s14], $0xD80  }
0x157: {  	_ =	swait.ge [sflag:s23], $0xD80  }
0x158: {  	[sflag:s23] =	ssyncset.done $0x0  }
0x159: {  	[sflag:s23] =	ssyncadd.s32 $0xFFFFF280  }
0x15a: {  	[spmem:s14], [sflag:s9] =	dma.local [hbm:s7], $0xD80  }
0x15b: {  	_ =	swait.ge [sflag:s23], $0xD80  }
0x15c: {  	[sflag:s23] =	ssyncset.done $0x0  }
0x15d: {  	[sflag:s23] =	ssyncadd.s32 $0xFFFFF280  }
0x15e: {  	s16 =	simm.s32 $0x0;
	[bflag:$0x0] =	sbarrier.arrive $0xFFFF  }
0x15f: {  	[tilespmem:s24], [sflag:$0x3] =	stream.linear.gather [hbm4b:s17+s16], $0x50, $0x38;
	[tilespmem:$0xE740] =	vst v63  }
0x160: {  	_ =	swait.ge [sflag:s23], $0x50  }
0x161: {  	[sflag:s23] =	ssyncset.done $0x0  }
0x162: {  	[sflag:s23] =	ssyncadd.s32 $0xFFFFFFB0  }
0x163: {  	v2 =	vld [tilespmem:$0x6D40]  }
0x164: {  	v3 =	vld [tilespmem:$0x6D50]  }
0x165: {  	v4 =	vld [tilespmem:$0x6D60]  }
0x166: {  	v5 =	vld [tilespmem:$0x6D70]  }
0x167: {  	v6 =	vld [tilespmem:$0x6D80]  }
0x168: {  	v2 =	vadd.s32 $0xFFFFE500, v2  }
0x169: {  	v3 =	vadd.s32 $0xFFFFE500, v3;
	v2 =	vmin.u32 v2, $0xD80  }
0x16a: {  	[tilespmem:$0x6E40] =	vst v2;
	v2 =	vmin.u32 v3, $0xD80;
	v3 =	vadd.s32 $0xFFFFE500, v4  }
0x16b: {  	[tilespmem:$0x6E50] =	vst v2;
	v2 =	vmin.u32 v3, $0xD80;
	v3 =	vadd.s32 $0xFFFFE500, v5  }
0x16c: {  	[tilespmem:$0x6E60] =	vst v2;
	v2 =	vmin.u32 v3, $0xD80;
	v3 =	vadd.s32 $0xFFFFE500, v6  }
0x16d: {  	[tilespmem:$0x6E70] =	vst v2;
	v2 =	vmin.u32 v3, $0xD80  }
0x16e: {  	s11 =	rddreg [dreg:$0x6];
	[tilespmem:$0x6E80] =	vst v2  }
0x16f: {  	[tilespmem:s25], [sflag:$0x3] =	stream.linear.gather [hbm4b:s11+s16], $0x50, $0x38;
	[tilespmem:$0xE740] =	vst v63  }
0x170: {  	_ =	swait.ge [sflag:s23], $0x50  }
0x171: {  	[sflag:s23] =	ssyncset.done $0x0  }
0x172: {  	s17 =	sadd.s32 $0x0, s19;
	[sflag:s23] =	ssyncadd.s32 $0xFFFFFFB0  }
0x173: {  	[tilespmem:s28], [sflag:$0x1] =	stream.indirect.gather [hbm4b:s4+s26], $0x80, s25, s26, $0xb8;
	[tilespmem:$0xE740] =	vst v63  }
0x174: {  	s18 =	sadd.s32 $0xA, s17  }
0x175: {  	[tilespmem:s29], [sflag:$0x3] =	stream.linear.gather [hbm4b:s18+s3], $0x50, $0x38;
	[tilespmem:$0xE740] =	vst v63  }
0x176: {  	_ =	swait.ge [sflag:s23], $0x50  }
0x177: {  	[sflag:s23] =	ssyncset.done $0x0  }
0x178: {  	[sflag:s23] =	ssyncadd.s32 $0xFFFFFFB0  }
0x179: {  	v2 =	vld [tilespmem:$0x6DF0]  }
0x17a: {  	v3 =	vld [tilespmem:$0x6DD0]  }
0x17b: {  	v56 =	vld [tilespmem:$0x6DC0]  }
0x17c: {  	v57 =	vld [tilespmem:$0x6DE0]  }
0x17d: {  	v58 =	vld [tilespmem:$0x6E00]  }
0x17e: {  	v2 =	vadd.s32 $0xFFFFE500, v2  }
0x17f: {  	v3 =	vadd.s32 $0xFFFFE500, v3;
	v2 =	vmin.u32 v2, $0xD80  }
0x180: {  	v4 =	vadd.s32 $0xFFFFE500, v56;
	v3 =	vmin.u32 v3, $0xD80;
	[tilespmem:$0x6EF0] =	vst v2  }
0x181: {  	v2 =	vmin.u32 v4, $0xD80;
	[tilespmem:$0x6ED0] =	vst v3;
	v3 =	vadd.s32 $0xFFFFE500, v57  }
0x182: {  	[tilespmem:$0x6EC0] =	vst v2;
	v2 =	vmin.u32 v3, $0xD80;
	v3 =	vadd.s32 $0xFFFFE500, v58  }
0x183: {  	[tilespmem:$0x6EE0] =	vst v2;
	v2 =	vmin.u32 v3, $0xD80  }
0x184: {  	s20 =	sadd.s32 $0x0, s21;
	[tilespmem:$0x6F00] =	vst v2  }
0x185: {  	[tilespmem:s30], [sflag:$0x3] =	stream.linear.gather [hbm4b:s20+s3], $0x50, $0x38;
	[tilespmem:$0xE740] =	vst v63  }
0x186: {  	_ =	swait.ge [sflag:s23], $0x50  }
0x187: {  	[sflag:s23] =	ssyncset.done $0x0  }
0x188: {  	[sflag:s23] =	ssyncadd.s32 $0xFFFFFFB0  }
0x189: {  	[tilespmem:s31], [sflag:$0x2] =	stream.indirect.gather [hbm4b:s4+s26], $0x80, s30, s26, $0xb8;
	[tilespmem:$0xE740] =	vst v63  }
0x18a: {  	_ =	swait.ge [sflag:s0], $0x2800  }
0x18b: {  	[sflag:s0] =	ssyncset.done $0x0  }
0x18c: {  	[sflag:s0] =	ssyncadd.s32 $0xFFFFD800  }
0x18d: {  	[spmem:s1] =	stream.indirect.scatter.add.f32 [tilespmem:s28], [sflag:$0x3], $0x80, s2, s26, $0xb8;
	[tilespmem:$0xE740] =	vst v63  }
0x18e: {  	_ =	swait.ge [sflag:s23], $0x2800  }
0x18f: {  	[sflag:s23] =	ssyncset.done $0x0  }
0x190: {  	s10 =	sadd.s32 $0x14, s17;
	[sflag:s23] =	ssyncadd.s32 $0xFFFFD800  }
0x191: {  	[tilespmem:s24], [sflag:$0x3] =	stream.linear.gather [hbm4b:s10+s3], $0x50, $0x38;
	[tilespmem:$0xE740] =	vst v63  }
0x192: {  	_ =	swait.ge [sflag:s23], $0x50  }
0x193: {  	[sflag:s23] =	ssyncset.done $0x0  }
0x194: {  	[sflag:s23] =	ssyncadd.s32 $0xFFFFFFB0  }
0x195: {  	v2 =	vld [tilespmem:$0x6D40]  }
0x196: {  	v3 =	vld [tilespmem:$0x6D80]  }
0x197: {  	v60 =	vld [tilespmem:$0x6D50]  }
0x198: {  	v59 =	vld [tilespmem:$0x6D70]  }
0x199: {  	v61 =	vld [tilespmem:$0x6D60]  }
0x19a: {  	v2 =	vadd.s32 $0xFFFFE500, v2  }
0x19b: {  	v3 =	vadd.s32 $0xFFFFE500, v3;
	v2 =	vmin.u32 v2, $0xD80  }
0x19c: {  	v62 =	vadd.s32 $0xFFFFE500, v60;
	v3 =	vmin.u32 v3, $0xD80;
	[tilespmem:$0x6E40] =	vst v2  }
0x19d: {  	v2 =	vadd.s32 $0xFFFFE500, v59;
	[tilespmem:$0x6E80] =	vst v3;
	v3 =	vmin.u32 v62, $0xD80  }
0x19e: {  	v63 =	vadd.s32 $0xFFFFE500, v61;
	v2 =	vmin.u32 v2, $0xD80;
	[tilespmem:$0x6E50] =	vst v3  }
0x19f: {  	[tilespmem:$0x6E70] =	vst v2;
	v2 =	vmin.u32 v63, $0xD80  }
0x1a0: {  	[tilespmem:$0x6E60] =	vst v2  }
0x1a1: {  	[tilespmem:s25], [sflag:$0x3] =	stream.linear.gather [hbm4b:s15+s3], $0x50, $0x38;
	[tilespmem:$0xE740] =	vst v63  }
0x1a2: {  	_ =	swait.ge [sflag:s23], $0x50  }
0x1a3: {  	s15 =	simm.s32 $0x14;
	s16 =	rddreg [dreg:$0xe]  }
.LBB2_8:
0x1a4: {  	p0 =	sne.s32 s15, $0x4C4;
	[sflag:s23] =	ssyncset.done $0x0;
	s16 =	sadd.s32 $0xA0, s16  }
0x1a5: {  	s10 =	smov.u32 s15;
	s15 =	sadd.s32 $0x14, s15;
	[sflag:s23] =	ssyncadd.s32 $0xFFFFFFB0  }
0x1a6: {  	[tilespmem:s28], [sflag:$0x1] =	stream.indirect.gather [hbm4b:s4+s26], $0x80, s25, s26, $0xb8;
	[tilespmem:$0xE740] =	vst v63  }
0x1a7: {  	_ =	swait.ge [sflag:s8], $0x2800  }
0x1a8: {  	[sflag:s8] =	ssyncset.done $0x0  }
0x1a9: {  	[sflag:s8] =	ssyncadd.s32 $0xFFFFD800  }
0x1aa: {  	[spmem:s1] =	stream.indirect.scatter.add.f32 [tilespmem:s31], [sflag:$0x3], $0x80, s12, s26, $0xb8;
	[tilespmem:$0xE740] =	vst v63  }
0x1ab: {  	s18 =	sadd.s32 s10, s19;
	_ =	swait.ge [sflag:s23], $0x2800  }
0x1ac: {  	s11 =	sadd.s32 $0xA, s18;
	[sflag:s23] =	ssyncset.done $0x0  }
0x1ad: {  	[sflag:s23] =	ssyncadd.s32 $0xFFFFD800  }
0x1ae: {  	[tilespmem:s29], [sflag:$0x3] =	stream.linear.gather [hbm4b:s11+s3], $0x50, $0x38;
	[tilespmem:$0xE740] =	vst v63  }
0x1af: {  	_ =	swait.ge [sflag:s23], $0x50  }
0x1b0: {  	[sflag:s23] =	ssyncset.done $0x0  }
0x1b1: {  	[sflag:s23] =	ssyncadd.s32 $0xFFFFFFB0  }
0x1b2: {  	v2 =	vld [tilespmem:$0x6DF0]  }
0x1b3: {  	v3 =	vld [tilespmem:$0x6DD0]  }
0x1b4: {  	v4 =	vld [tilespmem:$0x6DC0]  }
0x1b5: {  	v5 =	vld [tilespmem:$0x6DE0]  }
0x1b6: {  	v6 =	vld [tilespmem:$0x6E00]  }
0x1b7: {  	v2 =	vadd.s32 $0xFFFFE500, v2  }
0x1b8: {  	v3 =	vadd.s32 $0xFFFFE500, v3;
	v2 =	vmin.u32 v2, $0xD80  }
0x1b9: {  	v4 =	vadd.s32 $0xFFFFE500, v4;
	v3 =	vmin.u32 v3, $0xD80;
	[tilespmem:$0x6EF0] =	vst v2  }
0x1ba: {  	v2 =	vmin.u32 v4, $0xD80;
	[tilespmem:$0x6ED0] =	vst v3;
	v3 =	vadd.s32 $0xFFFFE500, v5  }
0x1bb: {  	[tilespmem:$0x6EC0] =	vst v2;
	v2 =	vmin.u32 v3, $0xD80;
	v3 =	vadd.s32 $0xFFFFE500, v6  }
0x1bc: {  	[tilespmem:$0x6EE0] =	vst v2;
	v2 =	vmin.u32 v3, $0xD80  }
0x1bd: {  	s10 =	sadd.s32 s10, s21;
	[tilespmem:$0x6F00] =	vst v2  }
0x1be: {  	[tilespmem:s30], [sflag:$0x3] =	stream.linear.gather [hbm4b:s10+s3], $0x50, $0x38;
	[tilespmem:$0xE740] =	vst v63  }
0x1bf: {  	_ =	swait.ge [sflag:s23], $0x50  }
0x1c0: {  	[sflag:s23] =	ssyncset.done $0x0  }
0x1c1: {  	[sflag:s23] =	ssyncadd.s32 $0xFFFFFFB0  }
0x1c2: {  	[tilespmem:s31], [sflag:$0x2] =	stream.indirect.gather [hbm4b:s4+s26], $0x80, s30, s26, $0xb8;
	[tilespmem:$0xE740] =	vst v63  }
0x1c3: {  	_ =	swait.ge [sflag:s0], $0x2800  }
0x1c4: {  	[sflag:s0] =	ssyncset.done $0x0  }
0x1c5: {  	[sflag:s0] =	ssyncadd.s32 $0xFFFFD800  }
0x1c6: {  	[spmem:s1] =	stream.indirect.scatter.add.f32 [tilespmem:s28], [sflag:$0x3], $0x80, s2, s26, $0xb8;
	[tilespmem:$0xE740] =	vst v63  }
0x1c7: {  	_ =	swait.ge [sflag:s23], $0x2800  }
0x1c8: {  	[sflag:s23] =	ssyncset.done $0x0  }
0x1c9: {  	s10 =	sadd.s32 $0x14, s18;
	[sflag:s23] =	ssyncadd.s32 $0xFFFFD800  }
0x1ca: {  	[tilespmem:s24], [sflag:$0x3] =	stream.linear.gather [hbm4b:s10+s3], $0x50, $0x38;
	[tilespmem:$0xE740] =	vst v63  }
0x1cb: {  	_ =	swait.ge [sflag:s23], $0x50  }
0x1cc: {  	[sflag:s23] =	ssyncset.done $0x0  }
0x1cd: {  	[sflag:s23] =	ssyncadd.s32 $0xFFFFFFB0  }
0x1ce: {  	v2 =	vld [tilespmem:$0x6D40]  }
0x1cf: {  	v3 =	vld [tilespmem:$0x6D80]  }
0x1d0: {  	v4 =	vld [tilespmem:$0x6D70]  }
0x1d1: {  	v5 =	vld [tilespmem:$0x6D50]  }
0x1d2: {  	v6 =	vld [tilespmem:$0x6D60]  }
0x1d3: {  	v2 =	vadd.s32 $0xFFFFE500, v2  }
0x1d4: {  	v2 =	vmin.u32 v2, $0xD80;
	v3 =	vadd.s32 $0xFFFFE500, v3  }
0x1d5: {  	[tilespmem:$0x6E40] =	vst v2;
	v2 =	vadd.s32 $0xFFFFE500, v4;
	v3 =	vmin.u32 v3, $0xD80  }
0x1d6: {  	v4 =	vadd.s32 $0xFFFFE500, v5;
	v2 =	vmin.u32 v2, $0xD80;
	[tilespmem:$0x6E80] =	vst v3  }
.Ltmp3:
0x1d7: {  	v3 =	vmin.u32 v4, $0xD80;
	v4 =	vadd.s32 $0xFFFFE500, v6;
	[tilespmem:$0x6E70] =	vst v2;
	(pc) =	sbr.rel @p0 .LBB2_8-.Ltmp3, $4  }
0x1d8: {  	s10 =	sshrl.u32 s16, $0x3;
	[tilespmem:$0x6E50] =	vst v3;
	v2 =	vmin.u32 v4, $0xD80  }
0x1d9: {  	s10 =	sadd.s32 s5, s10;
	[tilespmem:$0x6E60] =	vst v2  }
0x1da: {  	[tilespmem:s25], [sflag:$0x3] =	stream.linear.gather [hbm4b:s10+s3], $0x50, $0x38;
	[tilespmem:$0xE740] =	vst v63  }
0x1db: {  	_ =	swait.ge [sflag:s23], $0x50  }
0x1dc: {  	[sflag:s23] =	ssyncset.done $0x0  }
0x1dd: {  	[sflag:s23] =	ssyncadd.s32 $0xFFFFFFB0  }
0x1de: {  	[tilespmem:s28], [sflag:$0x1] =	stream.indirect.gather [hbm4b:s4+s26], $0x80, s25, s26, $0xb8;
	[tilespmem:$0xE740] =	vst v63  }
0x1df: {  	_ =	swait.ge [sflag:s8], $0x2800  }
0x1e0: {  	[sflag:s8] =	ssyncset.done $0x0  }
0x1e1: {  	[sflag:s8] =	ssyncadd.s32 $0xFFFFD800  }
0x1e2: {  	[spmem:s1] =	stream.indirect.scatter.add.f32 [tilespmem:s31], [sflag:$0x3], $0x80, s12, s26, $0xb8;
	[tilespmem:$0xE740] =	vst v63  }
0x1e3: {  	_ =	swait.ge [sflag:s23], $0x2800  }
0x1e4: {  	[sflag:s23] =	ssyncset.done $0x0  }
0x1e5: {  	[sflag:s23] =	ssyncadd.s32 $0xFFFFD800  }
0x1e6: {  	_ =	swait.ge [sflag:s0], $0x2800  }
0x1e7: {  	[sflag:s0] =	ssyncset.done $0x0  }
0x1e8: {  	[sflag:s0] =	ssyncadd.s32 $0xFFFFD800  }
0x1e9: {  	[spmem:s1] =	stream.indirect.scatter.add.f32 [tilespmem:s28], [sflag:$0x3], $0x80, s2, s26, $0xb8;
	[tilespmem:$0xE740] =	vst v63  }
0x1ea: {  	_ =	swait.ge [sflag:s23], $0x2800  }
0x1eb: {  	[sflag:s23] =	ssyncset.done $0x0  }
0x1ec: {  	[sflag:s23] =	ssyncadd.s32 $0xFFFFD800  }
0x1ed: {  	[bflag:$0x0] =	sbarrier.arrive $0xFFFF  }
0x1ee: {  	s10 =	rddreg [dreg:$0x9]  }
0x1ef: {  	[hbm:s10], [sflag:s9] =	dma.local [spmem:s14], $0xD80  }
0x1f0: {  	_ =	swait.ge [sflag:s23], $0xD80  }
0x1f1: {  	[sflag:s23] =	ssyncset.done $0x0  }
0x1f2: {  	[sflag:s23] =	ssyncadd.s32 $0xFFFFF280  }
0x1f3: {  	[spmem:s14], [sflag:s9] =	dma.local [hbm:s7], $0xD80  }
0x1f4: {  	s20 =	sadd.s32 $0x0, s6;
	_ =	swait.ge [sflag:s23], $0xD80  }
0x1f5: {  	p0 =	sgt.u32 s20, $0x7C;
	[sflag:s23] =	ssyncset.done $0x0  }
0x1f6: {  	s11 =	simm.s32 @!p0 $0x6D40;
	s15 =	simm.s32 @!p0 $0x4;
	[sflag:s23] =	ssyncadd.s32 $0xFFFFF280  }
0x1f7: {  	s10 =	simm.s32 @!p0 $0x0;
	p0 =	por p0, p0;
	[bflag:$0x0] =	sbarrier.arrive $0xFFFF  }
0x1f8: {  	[tilespmem:s11], [sflag:$0x4] =	stream.linear.gather @!p0 [hbm4b:s22+s10], $0x50, $0x38;
	[tilespmem:$0xE740] =	vst v63  }
0x1f9: {  	_ =	swait.ge @!p0 [sflag:s15], $0x50  }
0x1fa: {  	[sflag:s15] =	ssyncset.done @!p0 $0x0  }
0x1fb: {  	[sflag:s15] =	ssyncadd.s32 @!p0 $0xFFFFFFB0  }
0x1fc: {  	v2 =	vld @!p0 [tilespmem:$0x6D60]  }
0x1fd: {  	v3 =	vld @!p0 [tilespmem:$0x6D70];
	_ =	sdelay $0x2  }
0x1fe: {  	v4 =	vld @!p0 [tilespmem:$0x6D50]  }
0x1ff: {  	v5 =	vld @!p0 [tilespmem:$0x6D40];
	v2 =	vmin.u32 @!p0 v2, $0xD80  }
0x200: {  	[tilespmem:$0x6E60] =	vst @!p0 v2;
	v2 =	vmin.u32 @!p0 v3, $0xD80  }
0x201: {  	[tilespmem:$0x6E70] =	vst @!p0 v2;
	v2 =	vld @!p0 [tilespmem:$0x6D80];
	_ =	sdelay $0x1  }
0x202: {  	v4 =	vmin.u32 @!p0 v4, $0xD80  }
0x203: {  	s16 =	sadd.s32 $0x14, s22;
	s15 =	simm.s32 $0x2;
	v3 =	vmin.u32 @!p0 v5, $0xD80;
	[tilespmem:$0x6E50] =	vst @!p0 v4  }
.LBB2_10:
0x204: {  	s10 =	simm.s32 @!p0 $0xBF40  }
0x205: {  	[tilespmem:$0x6E40] =	vst @!p0 v3;
	v2 =	vmin.u32 @!p0 v2, $0xD80;
	s11 =	simm.s32 @!p0 $0x3;
	s18 =	smov.u32 s15;
	s15 =	sadd.s32 $0x2, s15  }
0x206: {  	s20 =	simm.s32 @!p0 $0x50;
	s17 =	simm.s32 @!p0 $0x6E40;
	s18 =	sadd.s32 s18, s6;
	[tilespmem:$0x6E80] =	vst @!p0 v2  }
0x207: {  	[spmem:s1] =	stream.indirect.scatter.add.f32 @!p0 [tilespmem:s10], [sflag:$0x3], $0x80, s17, s20, $0xb8;
	[tilespmem:$0xE740] =	vst v63  }
0x208: {  	p1 =	sne.s32 s15, $0x7E;
	p2 =	sgt.u32 s18, $0x7C;
	_ =	swait.ge @!p0 [sflag:s11], $0x2800  }
0x209: {  	s10 =	simm.s32 @!p2 $0x0;
	s17 =	simm.s32 @!p2 $0x6D40;
	[sflag:s11] =	ssyncset.done @!p0 $0x0  }
0x20a: {  	s18 =	simm.s32 @!p2 $0x4;
	[sflag:s11] =	ssyncadd.s32 @!p0 $0xFFFFD800;
	p0 =	por p2, p2  }
0x20b: {  	[tilespmem:s17], [sflag:$0x4] =	stream.linear.gather @!p0 [hbm4b:s16+s10], $0x50, $0x38;
	[tilespmem:$0xE740] =	vst v63  }
0x20c: {  	_ =	swait.ge @!p0 [sflag:s18], $0x50  }
0x20d: {  	[sflag:s18] =	ssyncset.done @!p0 $0x0  }
0x20e: {  	[sflag:s18] =	ssyncadd.s32 @!p0 $0xFFFFFFB0  }
0x20f: {  	v3 =	vld @!p0 [tilespmem:$0x6D60]  }
0x210: {  	v4 =	vld @!p0 [tilespmem:$0x6D70]  }
0x211: {  	v5 =	vld @!p0 [tilespmem:$0x6D50]  }
0x212: {  	v6 =	vld @!p0 [tilespmem:$0x6D40]  }
.Ltmp4:
0x213: {  	v2 =	vld @!p0 [tilespmem:$0x6D80];
	(pc) =	sbr.rel @p1 .LBB2_10-.Ltmp4, $4  }
0x214: {  	v3 =	vmin.u32 @!p0 v3, $0xD80  }
0x215: {  	[tilespmem:$0x6E60] =	vst @!p0 v3;
	v3 =	vmin.u32 @!p0 v4, $0xD80  }
0x216: {  	v4 =	vmin.u32 @!p0 v5, $0xD80;
	[tilespmem:$0x6E70] =	vst @!p0 v3  }
0x217: {  	s16 =	sadd.s32 $0x14, s16;
	v3 =	vmin.u32 @!p0 v6, $0xD80;
	[tilespmem:$0x6E50] =	vst @!p0 v4  }
0x218: {  	[tilespmem:$0x6E40] =	vst @!p0 v3;
	v2 =	vmin.u32 @!p0 v2, $0xD80;
	s10 =	simm.s32 @!p0 $0xBF40  }
0x219: {  	s11 =	simm.s32 @!p0 $0x3;
	s15 =	simm.s32 @!p0 $0x50;
	s16 =	simm.s32 @!p0 $0x6E40;
	[tilespmem:$0x6E80] =	vst @!p0 v2  }
0x21a: {  	[spmem:s1] =	stream.indirect.scatter.add.f32 @!p0 [tilespmem:s10], [sflag:$0x3], $0x80, s16, s15, $0xb8;
	[tilespmem:$0xE740] =	vst v63  }
0x21b: {  	_ =	swait.ge @!p0 [sflag:s11], $0x2800  }
0x21c: {  	[sflag:s11] =	ssyncset.done @!p0 $0x0  }
0x21d: {  	[sflag:s11] =	ssyncadd.s32 @!p0 $0xFFFFD800  }
0x21e: {  	[bflag:$0x0] =	sbarrier.arrive $0xFFFF  }
0x21f: {  	s18 =	rddreg [dreg:$0xa]  }
0x220: {  	[hbm:s18], [sflag:s9] =	dma.local [spmem:s14], $0xD80  }
0x221: {  	_ =	swait.ge [sflag:s23], $0xD80  }
0x222: {  	[sflag:s23] =	ssyncset.done $0x0  }
0x223: {  	[sflag:s23] =	ssyncadd.s32 $0xFFFFF280  }
0x224: {  	[bflag:$0x0] =	sbarrier.arrive $0xFFFF  }
0x225: {  	[spmem:s14], [sflag:s9] =	dma.local [hbm:s7], $0xD80  }
0x226: {  	s20 =	sadd.s32 $0x0, s6;
	_ =	swait.ge [sflag:s23], $0xD80  }
0x227: {  	p0 =	sgt.u32 s20, $0x7C;
	[sflag:s23] =	ssyncset.done $0x0  }
0x228: {  	s10 =	simm.s32 @!p0 $0x0;
	s11 =	simm.s32 @!p0 $0x6D40;
	[sflag:s23] =	ssyncadd.s32 $0xFFFFF280  }
0x229: {  	s15 =	simm.s32 @!p0 $0x4;
	p0 =	por p0, p0;
	[bflag:$0x0] =	sbarrier.arrive $0xFFFF  }
0x22a: {  	[tilespmem:s11], [sflag:$0x4] =	stream.linear.gather @!p0 [hbm4b:s22+s10], $0x50, $0x38;
	[tilespmem:$0xE740] =	vst v63  }
0x22b: {  	_ =	swait.ge @!p0 [sflag:s15], $0x50  }
0x22c: {  	[sflag:s15] =	ssyncset.done @!p0 $0x0  }
0x22d: {  	[sflag:s15] =	ssyncadd.s32 @!p0 $0xFFFFFFB0  }
0x22e: {  	v2 =	vld @!p0 [tilespmem:$0x6D70]  }
0x22f: {  	v3 =	vld @!p0 [tilespmem:$0x6D60]  }
0x230: {  	v4 =	vld @!p0 [tilespmem:$0x6D50]  }
0x231: {  	v5 =	vld @!p0 [tilespmem:$0x6D40]  }
0x232: {  	v6 =	vld @!p0 [tilespmem:$0x6D80]  }
0x233: {  	v2 =	vadd.s32 @!p0 $0xFFFFF280, v2  }
0x234: {  	v3 =	vadd.s32 @!p0 $0xFFFFF280, v3;
	v2 =	vmin.u32 @!p0 v2, $0xD80  }
0x235: {  	v4 =	vadd.s32 @!p0 $0xFFFFF280, v4;
	v3 =	vmin.u32 @!p0 v3, $0xD80;
	[tilespmem:$0x6E70] =	vst @!p0 v2  }
0x236: {  	v4 =	vmin.u32 @!p0 v4, $0xD80;
	v2 =	vadd.s32 @!p0 $0xFFFFF280, v5;
	[tilespmem:$0x6E60] =	vst @!p0 v3  }
0x237: {  	s16 =	sadd.s32 $0x14, s22;
	s15 =	simm.s32 $0x2;
	[tilespmem:$0x6E50] =	vst @!p0 v4;
	v3 =	vadd.s32 @!p0 $0xFFFFF280, v6;
	v2 =	vmin.u32 @!p0 v2, $0xD80  }
.LBB2_12:
0x238: {  	s10 =	simm.s32 @!p0 $0xBF40  }
0x239: {  	[tilespmem:$0x6E40] =	vst @!p0 v2;
	v2 =	vmin.u32 @!p0 v3, $0xD80;
	s11 =	simm.s32 @!p0 $0x3;
	s17 =	smov.u32 s15;
	s15 =	sadd.s32 $0x2, s15  }
0x23a: {  	s18 =	simm.s32 @!p0 $0x50;
	s20 =	simm.s32 @!p0 $0x6E40;
	s17 =	sadd.s32 s17, s6;
	[tilespmem:$0x6E80] =	vst @!p0 v2  }
0x23b: {  	[spmem:s1] =	stream.indirect.scatter.add.f32 @!p0 [tilespmem:s10], [sflag:$0x3], $0x80, s20, s18, $0xb8;
	[tilespmem:$0xE740] =	vst v63  }
0x23c: {  	p1 =	sne.s32 s15, $0x7E;
	p2 =	sgt.u32 s17, $0x7C;
	_ =	swait.ge @!p0 [sflag:s11], $0x2800  }
0x23d: {  	s10 =	simm.s32 @!p2 $0x0;
	s17 =	simm.s32 @!p2 $0x6D40;
	[sflag:s11] =	ssyncset.done @!p0 $0x0  }
0x23e: {  	s18 =	simm.s32 @!p2 $0x4;
	[sflag:s11] =	ssyncadd.s32 @!p0 $0xFFFFD800;
	p0 =	por p2, p2  }
0x23f: {  	[tilespmem:s17], [sflag:$0x4] =	stream.linear.gather @!p0 [hbm4b:s16+s10], $0x50, $0x38;
	[tilespmem:$0xE740] =	vst v63  }
0x240: {  	_ =	swait.ge @!p0 [sflag:s18], $0x50  }
0x241: {  	[sflag:s18] =	ssyncset.done @!p0 $0x0  }
0x242: {  	[sflag:s18] =	ssyncadd.s32 @!p0 $0xFFFFFFB0  }
0x243: {  	v2 =	vld @!p0 [tilespmem:$0x6D70]  }
0x244: {  	v3 =	vld @!p0 [tilespmem:$0x6D60]  }
0x245: {  	v4 =	vld @!p0 [tilespmem:$0x6D50]  }
0x246: {  	v5 =	vld @!p0 [tilespmem:$0x6D40]  }
0x247: {  	v6 =	vld @!p0 [tilespmem:$0x6D80]  }
.Ltmp5:
0x248: {  	v2 =	vadd.s32 @!p0 $0xFFFFF280, v2;
	(pc) =	sbr.rel @p1 .LBB2_12-.Ltmp5, $4  }
0x249: {  	v3 =	vadd.s32 @!p0 $0xFFFFF280, v3;
	v2 =	vmin.u32 @!p0 v2, $0xD80  }
0x24a: {  	v4 =	vadd.s32 @!p0 $0xFFFFF280, v4;
	v3 =	vmin.u32 @!p0 v3, $0xD80;
	[tilespmem:$0x6E70] =	vst @!p0 v2  }
0x24b: {  	v2 =	vadd.s32 @!p0 $0xFFFFF280, v5;
	v4 =	vmin.u32 @!p0 v4, $0xD80;
	[tilespmem:$0x6E60] =	vst @!p0 v3  }
0x24c: {  	s16 =	sadd.s32 $0x14, s16;
	v2 =	vmin.u32 @!p0 v2, $0xD80;
	[tilespmem:$0x6E50] =	vst @!p0 v4;
	v3 =	vadd.s32 @!p0 $0xFFFFF280, v6  }
0x24d: {  	[tilespmem:$0x6E40] =	vst @!p0 v2;
	v2 =	vmin.u32 @!p0 v3, $0xD80;
	s10 =	simm.s32 @!p0 $0xBF40  }
0x24e: {  	s11 =	simm.s32 @!p0 $0x3;
	s15 =	simm.s32 @!p0 $0x50;
	s16 =	simm.s32 @!p0 $0x6E40;
	[tilespmem:$0x6E80] =	vst @!p0 v2  }
0x24f: {  	[spmem:s1] =	stream.indirect.scatter.add.f32 @!p0 [tilespmem:s10], [sflag:$0x3], $0x80, s16, s15, $0xb8;
	[tilespmem:$0xE740] =	vst v63  }
0x250: {  	_ =	swait.ge @!p0 [sflag:s11], $0x2800  }
0x251: {  	[sflag:s11] =	ssyncset.done @!p0 $0x0  }
0x252: {  	[sflag:s11] =	ssyncadd.s32 @!p0 $0xFFFFD800  }
0x253: {  	[bflag:$0x0] =	sbarrier.arrive $0xFFFF  }
0x254: {  	s18 =	rddreg [dreg:$0xb]  }
0x255: {  	[hbm:s18], [sflag:s9] =	dma.local [spmem:s14], $0xD80  }
0x256: {  	_ =	swait.ge [sflag:s23], $0xD80  }
0x257: {  	[sflag:s23] =	ssyncset.done $0x0  }
0x258: {  	[sflag:s23] =	ssyncadd.s32 $0xFFFFF280  }
0x259: {  	[bflag:$0x0] =	sbarrier.arrive $0xFFFF  }
0x25a: {  	[spmem:s14], [sflag:s9] =	dma.local [hbm:s7], $0xD80  }
0x25b: {  	s20 =	sadd.s32 $0x0, s6;
	_ =	swait.ge [sflag:s23], $0xD80  }
0x25c: {  	p0 =	sgt.u32 s20, $0x7C;
	[sflag:s23] =	ssyncset.done $0x0  }
0x25d: {  	s10 =	simm.s32 @!p0 $0x0;
	s11 =	simm.s32 @!p0 $0x6D40;
	[sflag:s23] =	ssyncadd.s32 $0xFFFFF280  }
0x25e: {  	s15 =	simm.s32 @!p0 $0x4;
	p0 =	por p0, p0;
	[bflag:$0x0] =	sbarrier.arrive $0xFFFF  }
0x25f: {  	[tilespmem:s11], [sflag:$0x4] =	stream.linear.gather @!p0 [hbm4b:s22+s10], $0x50, $0x38;
	[tilespmem:$0xE740] =	vst v63  }
0x260: {  	_ =	swait.ge @!p0 [sflag:s15], $0x50  }
0x261: {  	[sflag:s15] =	ssyncset.done @!p0 $0x0  }
0x262: {  	[sflag:s15] =	ssyncadd.s32 @!p0 $0xFFFFFFB0  }
0x263: {  	v2 =	vld @!p0 [tilespmem:$0x6D70]  }
0x264: {  	v3 =	vld @!p0 [tilespmem:$0x6D60]  }
0x265: {  	v4 =	vld @!p0 [tilespmem:$0x6D50]  }
0x266: {  	v5 =	vld @!p0 [tilespmem:$0x6D40]  }
0x267: {  	v6 =	vld @!p0 [tilespmem:$0x6D80]  }
0x268: {  	v2 =	vadd.s32 @!p0 $0xFFFFE500, v2  }
0x269: {  	v3 =	vadd.s32 @!p0 $0xFFFFE500, v3;
	v2 =	vmin.u32 @!p0 v2, $0xD80  }
0x26a: {  	v4 =	vadd.s32 @!p0 $0xFFFFE500, v4;
	v3 =	vmin.u32 @!p0 v3, $0xD80;
	[tilespmem:$0x6E70] =	vst @!p0 v2  }
0x26b: {  	v4 =	vmin.u32 @!p0 v4, $0xD80;
	v2 =	vadd.s32 @!p0 $0xFFFFE500, v5;
	[tilespmem:$0x6E60] =	vst @!p0 v3  }
0x26c: {  	s16 =	sadd.s32 $0x14, s22;
	s15 =	simm.s32 $0x2;
	[tilespmem:$0x6E50] =	vst @!p0 v4;
	v3 =	vadd.s32 @!p0 $0xFFFFE500, v6;
	v2 =	vmin.u32 @!p0 v2, $0xD80  }
.LBB2_14:
0x26d: {  	s10 =	simm.s32 @!p0 $0xBF40  }
0x26e: {  	[tilespmem:$0x6E40] =	vst @!p0 v2;
	v2 =	vmin.u32 @!p0 v3, $0xD80;
	s11 =	simm.s32 @!p0 $0x3;
	s17 =	smov.u32 s15;
	s15 =	sadd.s32 $0x2, s15  }
0x26f: {  	s18 =	simm.s32 @!p0 $0x50;
	s20 =	simm.s32 @!p0 $0x6E40;
	s17 =	sadd.s32 s17, s6;
	[tilespmem:$0x6E80] =	vst @!p0 v2  }
0x270: {  	[spmem:s1] =	stream.indirect.scatter.add.f32 @!p0 [tilespmem:s10], [sflag:$0x3], $0x80, s20, s18, $0xb8;
	[tilespmem:$0xE740] =	vst v63  }
0x271: {  	p1 =	sne.s32 s15, $0x7E;
	p2 =	sgt.u32 s17, $0x7C;
	_ =	swait.ge @!p0 [sflag:s11], $0x2800  }
0x272: {  	s10 =	simm.s32 @!p2 $0x0;
	s17 =	simm.s32 @!p2 $0x6D40;
	[sflag:s11] =	ssyncset.done @!p0 $0x0  }
0x273: {  	s18 =	simm.s32 @!p2 $0x4;
	[sflag:s11] =	ssyncadd.s32 @!p0 $0xFFFFD800;
	p0 =	por p2, p2  }
0x274: {  	[tilespmem:s17], [sflag:$0x4] =	stream.linear.gather @!p0 [hbm4b:s16+s10], $0x50, $0x38;
	[tilespmem:$0xE740] =	vst v63  }
0x275: {  	_ =	swait.ge @!p0 [sflag:s18], $0x50  }
0x276: {  	[sflag:s18] =	ssyncset.done @!p0 $0x0  }
0x277: {  	[sflag:s18] =	ssyncadd.s32 @!p0 $0xFFFFFFB0  }
0x278: {  	v2 =	vld @!p0 [tilespmem:$0x6D70]  }
0x279: {  	v3 =	vld @!p0 [tilespmem:$0x6D60]  }
0x27a: {  	v4 =	vld @!p0 [tilespmem:$0x6D50]  }
0x27b: {  	v5 =	vld @!p0 [tilespmem:$0x6D40]  }
0x27c: {  	v6 =	vld @!p0 [tilespmem:$0x6D80]  }
.Ltmp6:
0x27d: {  	v2 =	vadd.s32 @!p0 $0xFFFFE500, v2;
	(pc) =	sbr.rel @p1 .LBB2_14-.Ltmp6, $4  }
0x27e: {  	v3 =	vadd.s32 @!p0 $0xFFFFE500, v3;
	v2 =	vmin.u32 @!p0 v2, $0xD80  }
0x27f: {  	v4 =	vadd.s32 @!p0 $0xFFFFE500, v4;
	v3 =	vmin.u32 @!p0 v3, $0xD80;
	[tilespmem:$0x6E70] =	vst @!p0 v2  }
0x280: {  	v2 =	vadd.s32 @!p0 $0xFFFFE500, v5;
	v4 =	vmin.u32 @!p0 v4, $0xD80;
	[tilespmem:$0x6E60] =	vst @!p0 v3  }
0x281: {  	s16 =	sadd.s32 $0x14, s16;
	v2 =	vmin.u32 @!p0 v2, $0xD80;
	[tilespmem:$0x6E50] =	vst @!p0 v4;
	v3 =	vadd.s32 @!p0 $0xFFFFE500, v6  }
0x282: {  	[tilespmem:$0x6E40] =	vst @!p0 v2;
	v2 =	vmin.u32 @!p0 v3, $0xD80;
	s10 =	simm.s32 @!p0 $0xBF40  }
0x283: {  	s11 =	simm.s32 @!p0 $0x3;
	s15 =	simm.s32 @!p0 $0x50;
	s16 =	simm.s32 @!p0 $0x6E40;
	[tilespmem:$0x6E80] =	vst @!p0 v2  }
0x284: {  	[spmem:s1] =	stream.indirect.scatter.add.f32 @!p0 [tilespmem:s10], [sflag:$0x3], $0x80, s16, s15, $0xb8;
	[tilespmem:$0xE740] =	vst v63  }
0x285: {  	_ =	swait.ge @!p0 [sflag:s11], $0x2800  }
0x286: {  	[sflag:s11] =	ssyncset.done @!p0 $0x0  }
0x287: {  	[sflag:s11] =	ssyncadd.s32 @!p0 $0xFFFFD800  }
0x288: {  	[bflag:$0x0] =	sbarrier.arrive $0xFFFF  }
0x289: {  	s18 =	rddreg [dreg:$0xc]  }
0x28a: {  	[hbm:s18], [sflag:s9] =	dma.local [spmem:s14], $0xD80  }
0x28b: {  	_ =	swait.ge [sflag:s23], $0xD80  }
0x28c: {  	s13 =	sadd.s32 $0x1, s13;
	s20 =	rddreg [dreg:$0xd]  }
0x28d: {  	p0 =	sne.s32 s13, s20  }
.Ltmp7:
0x28e: {  	_ = 	snop;
	(pc) =	sbr.rel @p0 .LBB2_1-.Ltmp7, $3  }
0x28f: {  	[sflag:s23] =	ssyncset.done $0x0  }
0x290: {  	[sflag:s23] =	ssyncadd.s32 $0xFFFFF280  }
0x291: {  	[bflag:$0x0] =	sbarrier.arrive $0xFFFF;
	_ =	sdelay $0x1  }
0x292: {  	_ =	sfence.sel $0x180000  }
0x293: {  	[bflag:$0x0] =	sbarrier.arrive $0xFFFF  }
0x294: {  	_ =	strace $0x90000047  }
0x295: {  	s0 =	stileid.u32;
	[bflag:$0x2] =	sbarrier.arrive $0xFFFF  }
0x296: {  	p0 =	sne.s32 s0, $0x0;
	s0 =	rddreg [dreg:$0x3]  }
0x297: {  	s0 =	sadd.s32 @!p0 $0x100000, s0  }
0x298: {  	[sflag:s0] =	ssyncadd.tile.s32 @!p0 $0x1;
	_ =	shalt  }
.Lfunc_end2:
_tile_overlayer_lowered:
.L_overlay_start_2:
0x299: {  	(tag) =	ssettag $0x2  }
0x29a: {  	s0 =	rddreg [dreg:$0x0];
	s2 =	stileid.u32  }
0x29b: {  	s1 =	rddreg [dreg:$0x1];
	p0 =	sne.s32 s2, $0x0  }
0x29c: {  	s3 =	rddreg [dreg:$0x2];
	[bflag:$0x3] =	sbarrier.arrive $0xFFFF;
	s2 =	simm.s32 @!p0 $0x1C03  }
0x29d: {  	[timem:s3], [sflag:s2] =	dma.local @!p0 [hbm:s0], s1  }
0x29e: {  	s0 =	simm.s32 @!p0 $0x3  }
0x29f: {  	_ =	swait.ge @!p0 [sflag:s0], s1  }
0x2a0: {  	s1 =	ssub.s32 @!p0 $0x0, s1;
	[sflag:s0] =	ssyncset.done @!p0 $0x0  }
0x2a1: {  	[sflag:s0] =	ssyncadd.s32 @!p0 s1  }
0x2a2: {  	[bflag:$0x3] =	sbarrier.arrive $0xFFFF  }
0x2a3: {  	_ =	shalt  }

</sc_bundles>
